<compile_context>
chip_gen: v7x
topology: tpu7x:2x2x1
jax: 0.10.2.dev20260603
libtpu: 0.0.44.dev20260713+nightly
codegen_flags: <defaults>
</compile_context>

<pallas_src>
import functools

import jax
import jax.numpy as jnp
from jax import lax
from jax.experimental import pallas as pl
from jax.experimental.pallas import tpu as pltpu
from jax.experimental.pallas import tpu_sc as plsc

NC, NS, L = 2, 16, 16
NW = NC * NS
IN_DIM = 128
PK = IN_DIM // 2
CB = 128
GROUPS = CB // L


@functools.lru_cache(maxsize=None)
def _build(n_rel, e_pad, E_REAL):
    sub_per_rel = NW // n_rel
    e_per_sub = e_pad // sub_per_rel
    last_len = E_REAL - (sub_per_rel - 1) * e_per_sub
    assert 0 < last_len <= e_per_sub and last_len % 8 == 0
    n_chunks = e_per_sub // CB
    assert n_chunks % 4 == 0
    mesh = plsc.VectorSubcoreMesh(core_axis_name="c", subcore_axis_name="s")

    @functools.partial(
        pl.kernel,
        out_type=jax.ShapeDtypeStruct((n_rel * E_REAL,), jnp.float32),
        mesh=mesh,
        compiler_params=pltpu.CompilerParams(
            needs_layout_passes=False, use_tc_tiling_on_sc=False),
        scratch_types=[
            pltpu.VMEM((e_per_sub + 3 * CB,), jnp.int32),
            pltpu.VMEM((e_per_sub + 3 * CB,), jnp.int32),
            pltpu.VMEM((CB, PK), jnp.float32),
            pltpu.VMEM((CB, PK), jnp.float32),
            pltpu.VMEM((CB, PK), jnp.float32),
            pltpu.VMEM((CB, PK), jnp.float32),
            pltpu.VMEM((CB, PK), jnp.float32),
            pltpu.VMEM((CB, PK), jnp.float32),
            pltpu.VMEM((CB, PK), jnp.float32),
            pltpu.VMEM((CB, PK), jnp.float32),
            pltpu.VMEM((IN_DIM,), jnp.float32),
            pltpu.VMEM((e_per_sub,), jnp.float32),
            pltpu.SemaphoreType.DMA,
            pltpu.SemaphoreType.DMA,
            pltpu.SemaphoreType.DMA,
            pltpu.SemaphoreType.DMA,
        ],
    )
    def decode(z_hbm, src_hbm, dst_hbm, w_hbm, out_hbm,
               si, di, sr0, dr0, sr1, dr1, sr2, dr2, sr3, dr3,
               w_v, o_all, sem0, sem1, sem2, sem3):
        wid = lax.axis_index("s") * NC + lax.axis_index("c")
        r = wid // sub_per_rel
        base = wid * e_per_sub

        pltpu.sync_copy(w_hbm.at[r], w_v)
        pltpu.sync_copy(src_hbm.at[pl.ds(base, e_per_sub + 3 * CB)], si)
        pltpu.sync_copy(dst_hbm.at[pl.ds(base, e_per_sub + 3 * CB)], di)

        bufs = ((sr0, dr0, sem0), (sr1, dr1, sem1),
                (sr2, dr2, sem2), (sr3, dr3, sem3))
        nbuf = len(bufs)
        lane = lax.iota(jnp.int32, L)

        def start_gather(c, p):
            sr, dr, sem = bufs[p]
            pltpu.async_copy(z_hbm.at[si.at[pl.ds(c * CB, CB)]], sr, sem)
            pltpu.async_copy(z_hbm.at[di.at[pl.ds(c * CB, CB)]], dr, sem)

        def wait_gather(c, p):
            sr, dr, sem = bufs[p]
            pltpu.make_async_copy(z_hbm.at[si.at[pl.ds(c * CB, CB)]], sr, sem).wait()
            pltpu.make_async_copy(z_hbm.at[di.at[pl.ds(c * CB, CB)]], dr, sem).wait()

        n_k = PK // L
        wab = [(w_v[pl.ds(k * L, L)], w_v[pl.ds(PK + k * L, L)])
               for k in range(n_k)]

        def compute(c, p):
            sr, dr, _ = bufs[p]

            def g_body(g, _):
                ebase = g * L

                def q_body(q, ovec):
                    for j in range(4):
                        e = q * 4 + j
                        acc = None
                        for k in range(n_k):
                            sb = plsc.bitcast(sr[ebase + e, pl.ds(k * L, L)],
                                              jnp.bfloat16)
                            db = plsc.bitcast(dr[ebase + e, pl.ds(k * L, L)],
                                              jnp.bfloat16)
                            pa, pb = plsc.unpack(sb * db,
                                                 format=plsc.PackFormat.INTERLEAVED)
                            wa, wb = wab[k]
                            t = pa * wa + pb * wb
                            acc = t if acc is None else acc + t
                        ovec = jnp.where(lane == e, jnp.sum(acc), ovec)
                    return ovec

                ovec = lax.fori_loop(0, 4, q_body, jnp.zeros((L,), jnp.float32))
                o_all[pl.ds(c * CB + g * L, L)] = 1.0 / (1.0 + jnp.exp(-ovec))
                return 0

            lax.fori_loop(0, GROUPS, g_body, 0)

        for c in range(nbuf - 1):
            start_gather(c, c)

        def round_body(i, _):
            c0 = i * nbuf
            for b in range(nbuf):
                c = c0 + b
                start_gather(c + nbuf - 1, (b + nbuf - 1) % nbuf)
                wait_gather(c, b)
                compute(c, b)
            return 0

        lax.fori_loop(0, n_chunks // nbuf, round_body, 0)
        for k in range(nbuf - 1):
            wait_gather(n_chunks + k, (n_chunks + k) % nbuf)
        sub = wid % sub_per_rel
        obase = r * E_REAL + sub * e_per_sub
        if last_len == e_per_sub:
            pltpu.sync_copy(o_all, out_hbm.at[pl.ds(obase, e_per_sub)])
        else:
            @pl.when(sub < sub_per_rel - 1)
            def _():
                pltpu.sync_copy(o_all, out_hbm.at[pl.ds(obase, e_per_sub)])

            @pl.when(sub == sub_per_rel - 1)
            def _():
                pltpu.sync_copy(o_all.at[pl.ds(0, last_len)],
                                out_hbm.at[pl.ds(obase, last_len)])

    return decode


def kernel(z, edge_index, weight):
    n_rel, _, e = edge_index.shape
    sub_per_rel = NW // n_rel
    quantum = sub_per_rel * CB * 4
    e_pad = ((e + quantum - 1) // quantum) * quantum
    idx = edge_index.astype(jnp.int32)
    fill = jnp.arange(n_rel * (e_pad - e), dtype=jnp.int32).reshape(
        n_rel, e_pad - e) % z.shape[0]
    src = jnp.concatenate([idx[:, 0, :], fill], axis=1).reshape(-1)
    dst = jnp.concatenate([idx[:, 1, :], fill], axis=1).reshape(-1)
    tail = jnp.arange(3 * CB, dtype=jnp.int32) % z.shape[0]
    src = jnp.concatenate([src, tail])
    dst = jnp.concatenate([dst, tail])
    u = lax.bitcast_convert_type(z, jnp.uint32)
    rnd = lambda x: (x + 0x7FFF + ((x >> 16) & 1)) >> 16
    pk = rnd(u[:, :PK]) | (rnd(u[:, PK:]) << 16)
    z_pk = lax.bitcast_convert_type(pk, jnp.float32)
    out = _build(n_rel, e_pad, e)(z_pk, src, dst, weight.astype(jnp.float32))
    return out.reshape(n_rel, e)

# --- scband reference (transcript-rebuilt; emitter-appended) ---
"""Pipeline reference for scband-multi-inner-product-decoder-15264313770417 (READ-ONLY COPY).

The authoritative reference and input builder live on the scoring server;
editing this copy changes nothing except your own understanding.
"""

import jax, jax.numpy as jnp
import numpy as np

IN_DIM = 128
NUM_ET = 6  # module stores num_et-2 = 4 usable relation types
N_NODES = 50000
N_REL = NUM_ET - 2
E_PER_REL = 150000


def setup_inputs(seed: int = 0) -> dict:
    key = jax.random.key(seed)
    k_z, k_e, k_w = jax.random.split(key, 3)
    z = jax.random.normal(k_z, (N_NODES, IN_DIM), dtype=jnp.float32)
    edge_index = jax.random.randint(k_e, (N_REL, 2, E_PER_REL), 0, N_NODES, dtype=jnp.int64)
    # nn.Parameter weight[num_et, in_dim], init normal std = 1/sqrt(in_dim)
    weight = jax.random.normal(k_w, (NUM_ET, IN_DIM), dtype=jnp.float32) * (1.0 / np.sqrt(IN_DIM))
    return {"z": z, "edge_index": edge_index, "weight": weight}


def reference(z, edge_index, weight):
    # Faithful translation of MultiInnerProductDecoder.forward with sigmoid=True.
    # For each relation type r: score_e = sum_d z[src_e, d] * z[dst_e, d] * weight[r, d]
    n_rel = edge_index.shape[0]
    outs = []
    for r in range(n_rel):
        src = edge_index[r, 0]
        dst = edge_index[r, 1]
        value = (z[src] * z[dst] * weight[r]).sum(axis=1)
        outs.append(jax.nn.sigmoid(value))
    return jnp.stack(outs, axis=0)  # [n_rel, E_per_rel]

if __name__ == "__main__":
    import jax
    _d = setup_inputs()
    print(jax.jit(kernel)(*tuple(_d.values())))

</pallas_src>

<mosaic_0001>
#map = affine_map<(d0, d1) -> (0, 0)>
#map1 = affine_map<(d0, d1) -> (0)>
module attributes {stable_mosaic.version = 14 : i64} {
  func.func @decode(%arg0: i32, %arg1: i32, %arg2: memref<50000x64xf32, #tpu.memory_space<hbm>>, %arg3: memref<606592xi32, #tpu.memory_space<hbm>>, %arg4: memref<606592xi32, #tpu.memory_space<hbm>>, %arg5: memref<6x128xf32, #tpu.memory_space<hbm>>, %arg6: memref<600000xf32, #tpu.memory_space<hbm>>, %arg7: memref<19328xi32, #tpu.memory_space<vmem>>, %arg8: memref<19328xi32, #tpu.memory_space<vmem>>, %arg9: memref<128x64xf32, #tpu.memory_space<vmem>>, %arg10: memref<128x64xf32, #tpu.memory_space<vmem>>, %arg11: memref<128x64xf32, #tpu.memory_space<vmem>>, %arg12: memref<128x64xf32, #tpu.memory_space<vmem>>, %arg13: memref<128x64xf32, #tpu.memory_space<vmem>>, %arg14: memref<128x64xf32, #tpu.memory_space<vmem>>, %arg15: memref<128x64xf32, #tpu.memory_space<vmem>>, %arg16: memref<128x64xf32, #tpu.memory_space<vmem>>, %arg17: memref<128xf32, #tpu.memory_space<vmem>>, %arg18: memref<18944xf32, #tpu.memory_space<vmem>>, %arg19: memref<!tpu.dma_semaphore, #tpu.memory_space<semaphore_mem>>, %arg20: memref<!tpu.dma_semaphore, #tpu.memory_space<semaphore_mem>>, %arg21: memref<!tpu.dma_semaphore, #tpu.memory_space<semaphore_mem>>, %arg22: memref<!tpu.dma_semaphore, #tpu.memory_space<semaphore_mem>>) attributes {dimension_semantics = [#tpu.dimension_semantics<core_parallel>, #tpu.dimension_semantics<subcore_parallel>], iteration_bounds = array<i64: 2, 16>, scalar_prefetch = 0 : i64, scratch_operands = 16 : i64, tpu.core_type = #tpu.core_type<sc_vector_subcore>, window_params = [{transform_indices = #map}, {transform_indices = #map1}, {transform_indices = #map1}, {transform_indices = #map}, {transform_indices = #map1}]} {
    %mul3A = arith.constant 2 : i32
    %mul3A_0 = arith.muli %arg1, %mul3A : i32
    %add3A = arith.addi %mul3A_0, %arg0 : i32
    %jit3A = arith.constant 8 : i32
    %div3A = arith.divsi %add3A, %jit3A : i32
    %sign3A = arith.constant 0 : i32
    %sign3A_1 = arith.cmpi sgt, %add3A, %sign3A : i32
    %sign3A_2 = arith.extui %sign3A_1 : i1 to i32
    %sign3A_3 = arith.constant 0 : i32
    %sign3A_4 = arith.cmpi slt, %add3A, %sign3A_3 : i32
    %sign3A_5 = arith.extui %sign3A_4 : i1 to i32
    %sign3A_6 = arith.subi %sign3A_2, %sign3A_5 : i32
    %sign3A_7 = arith.constant 0 : i32
    %sign3A_8 = arith.cmpi sgt, %jit3A, %sign3A_7 : i32
    %sign3A_9 = arith.extui %sign3A_8 : i1 to i32
    %sign3A_10 = arith.constant 0 : i32
    %sign3A_11 = arith.cmpi slt, %jit3A, %sign3A_10 : i32
    %sign3A_12 = arith.extui %sign3A_11 : i1 to i32
    %sign3A_13 = arith.subi %sign3A_9, %sign3A_12 : i32
    %ne3A = arith.cmpi ne, %sign3A_6, %sign3A_13 : i32
    %rem3A = arith.remsi %add3A, %jit3A : i32
    %ne3A_14 = arith.constant 0 : i32
    %ne3A_15 = arith.cmpi ne, %rem3A, %ne3A_14 : i32
    %and3A = arith.andi %ne3A, %ne3A_15 : i1
    %sub3A = arith.constant 1 : i32
    %sub3A_16 = arith.subi %div3A, %sub3A : i32
    %select_n3A = arith.select %and3A, %sub3A_16, %div3A : i32
    %mul3A_17 = arith.constant 18944 : i32
    %mul3A_18 = arith.muli %add3A, %mul3A_17 : i32
    "tpu.region"() ({
      %run_scoped3A = tpu.sem_alloc : memref<!tpu.dma_semaphore, #tpu.memory_space<semaphore_mem>>
      %dma_start3A_125 = arith.constant 0 : i32
      %dma_start3A_126 = tpu.memref_slice %arg5[%select_n3A, %dma_start3A_125] : memref<6x128xf32, #tpu.memory_space<hbm>> -> memref<1x128xf32, #tpu.memory_space<hbm>>
      %dma_start3A_127 = tpu.memref_squeeze %dma_start3A_126 : memref<1x128xf32, #tpu.memory_space<hbm>> -> memref<128xf32, #tpu.memory_space<hbm>>
      %dma_start3A_128 = arith.constant 0 : i32
      %dma_start3A_129 = tpu.memref_slice %arg5[%select_n3A, %dma_start3A_128] : memref<6x128xf32, #tpu.memory_space<hbm>> -> memref<1x128xf32, #tpu.memory_space<hbm>>
      %dma_start3A_130 = tpu.memref_squeeze %dma_start3A_129 : memref<1x128xf32, #tpu.memory_space<hbm>> -> memref<128xf32, #tpu.memory_space<hbm>>
      tpu.enqueue_dma source(%dma_start3A_130 : memref<128xf32, #tpu.memory_space<hbm>>) target(%arg17 : memref<128xf32, #tpu.memory_space<vmem>>) target_semaphore(%run_scoped3A : memref<!tpu.dma_semaphore, #tpu.memory_space<semaphore_mem>>)
      %dma_wait3A_131 = arith.constant 0 : i32
      %dma_wait3A_132 = tpu.memref_slice %arg5[%select_n3A, %dma_wait3A_131] : memref<6x128xf32, #tpu.memory_space<hbm>> -> memref<1x128xf32, #tpu.memory_space<hbm>>
      %dma_wait3A_133 = tpu.memref_squeeze %dma_wait3A_132 : memref<1x128xf32, #tpu.memory_space<hbm>> -> memref<128xf32, #tpu.memory_space<hbm>>
      %dma_wait3A_134 = arith.constant 0 : i32
      %dma_wait3A_135 = tpu.memref_slice %arg5[%select_n3A, %dma_wait3A_134] : memref<6x128xf32, #tpu.memory_space<hbm>> -> memref<1x128xf32, #tpu.memory_space<hbm>>
      %dma_wait3A_136 = tpu.memref_squeeze %dma_wait3A_135 : memref<1x128xf32, #tpu.memory_space<hbm>> -> memref<128xf32, #tpu.memory_space<hbm>>
      tpu.wait_dma2 semaphore(%run_scoped3A : memref<!tpu.dma_semaphore, #tpu.memory_space<semaphore_mem>>) src(%dma_wait3A_136 : memref<128xf32, #tpu.memory_space<hbm>>) dst(%arg17 : memref<128xf32, #tpu.memory_space<vmem>>)
      tpu.yield
    }) : () -> ()
    "tpu.region"() ({
      %run_scoped3A = tpu.sem_alloc : memref<!tpu.dma_semaphore, #tpu.memory_space<semaphore_mem>>
      %dma_start3A_125 = tpu.memref_slice %arg3[%mul3A_18] : memref<606592xi32, #tpu.memory_space<hbm>> -> memref<19328xi32, #tpu.memory_space<hbm>>
      %dma_start3A_126 = tpu.memref_slice %arg3[%mul3A_18] : memref<606592xi32, #tpu.memory_space<hbm>> -> memref<19328xi32, #tpu.memory_space<hbm>>
      tpu.enqueue_dma source(%dma_start3A_126 : memref<19328xi32, #tpu.memory_space<hbm>>) target(%arg7 : memref<19328xi32, #tpu.memory_space<vmem>>) target_semaphore(%run_scoped3A : memref<!tpu.dma_semaphore, #tpu.memory_space<semaphore_mem>>)
      %dma_wait3A_127 = tpu.memref_slice %arg3[%mul3A_18] : memref<606592xi32, #tpu.memory_space<hbm>> -> memref<19328xi32, #tpu.memory_space<hbm>>
      %dma_wait3A_128 = tpu.memref_slice %arg3[%mul3A_18] : memref<606592xi32, #tpu.memory_space<hbm>> -> memref<19328xi32, #tpu.memory_space<hbm>>
      tpu.wait_dma2 semaphore(%run_scoped3A : memref<!tpu.dma_semaphore, #tpu.memory_space<semaphore_mem>>) src(%dma_wait3A_128 : memref<19328xi32, #tpu.memory_space<hbm>>) dst(%arg7 : memref<19328xi32, #tpu.memory_space<vmem>>)
      tpu.yield
    }) : () -> ()
    "tpu.region"() ({
      %run_scoped3A = tpu.sem_alloc : memref<!tpu.dma_semaphore, #tpu.memory_space<semaphore_mem>>
      %dma_start3A_125 = tpu.memref_slice %arg4[%mul3A_18] : memref<606592xi32, #tpu.memory_space<hbm>> -> memref<19328xi32, #tpu.memory_space<hbm>>
      %dma_start3A_126 = tpu.memref_slice %arg4[%mul3A_18] : memref<606592xi32, #tpu.memory_space<hbm>> -> memref<19328xi32, #tpu.memory_space<hbm>>
      tpu.enqueue_dma source(%dma_start3A_126 : memref<19328xi32, #tpu.memory_space<hbm>>) target(%arg8 : memref<19328xi32, #tpu.memory_space<vmem>>) target_semaphore(%run_scoped3A : memref<!tpu.dma_semaphore, #tpu.memory_space<semaphore_mem>>)
      %dma_wait3A_127 = tpu.memref_slice %arg4[%mul3A_18] : memref<606592xi32, #tpu.memory_space<hbm>> -> memref<19328xi32, #tpu.memory_space<hbm>>
      %dma_wait3A_128 = tpu.memref_slice %arg4[%mul3A_18] : memref<606592xi32, #tpu.memory_space<hbm>> -> memref<19328xi32, #tpu.memory_space<hbm>>
      tpu.wait_dma2 semaphore(%run_scoped3A : memref<!tpu.dma_semaphore, #tpu.memory_space<semaphore_mem>>) src(%dma_wait3A_128 : memref<19328xi32, #tpu.memory_space<hbm>>) dst(%arg8 : memref<19328xi32, #tpu.memory_space<vmem>>)
      tpu.yield
    }) : () -> ()
    %iota3A = tpu.iota {dimensions = array<i32: 0>} : vector<16xi32>
    %get3A = arith.constant 0 : index
    %get3A_19 = tpu.vector_load %arg17[%get3A] {strides = array<i32>} : memref<128xf32, #tpu.memory_space<vmem>>, vector<16xf32>,
    %get3A_20 = arith.constant 64 : index
    %get3A_21 = tpu.vector_load %arg17[%get3A_20] {strides = array<i32>} : memref<128xf32, #tpu.memory_space<vmem>>, vector<16xf32>,
    %get3A_22 = arith.constant 16 : index
    %get3A_23 = tpu.vector_load %arg17[%get3A_22] {strides = array<i32>} : memref<128xf32, #tpu.memory_space<vmem>>, vector<16xf32>,
    %get3A_24 = arith.constant 80 : index
    %get3A_25 = tpu.vector_load %arg17[%get3A_24] {strides = array<i32>} : memref<128xf32, #tpu.memory_space<vmem>>, vector<16xf32>,
    %get3A_26 = arith.constant 32 : index
    %get3A_27 = tpu.vector_load %arg17[%get3A_26] {strides = array<i32>} : memref<128xf32, #tpu.memory_space<vmem>>, vector<16xf32>,
    %get3A_28 = arith.constant 96 : index
    %get3A_29 = tpu.vector_load %arg17[%get3A_28] {strides = array<i32>} : memref<128xf32, #tpu.memory_space<vmem>>, vector<16xf32>,
    %get3A_30 = arith.constant 48 : index
    %get3A_31 = tpu.vector_load %arg17[%get3A_30] {strides = array<i32>} : memref<128xf32, #tpu.memory_space<vmem>>, vector<16xf32>,
    %get3A_32 = arith.constant 112 : index
    %get3A_33 = tpu.vector_load %arg17[%get3A_32] {strides = array<i32>} : memref<128xf32, #tpu.memory_space<vmem>>, vector<16xf32>,
    %dma_start3A = arith.constant 0 : i32
    %dma_start3A_34 = tpu.memref_slice %arg7[%dma_start3A] : memref<19328xi32, #tpu.memory_space<vmem>> -> memref<128xi32, #tpu.memory_space<vmem>>
    %dma_start3A_35 = arith.constant 0 : i32
    %dma_start3A_36 = arith.constant 0 : i32
    %dma_start3A_37 = tpu.memref_slice %arg2[%dma_start3A_35, %dma_start3A_36] : memref<50000x64xf32, #tpu.memory_space<hbm>> -> memref<50000x64xf32, #tpu.memory_space<hbm>>
    tpu.enqueue_indirect_dma source(%dma_start3A_37 : memref<50000x64xf32, #tpu.memory_space<hbm>>) target(%arg9 : memref<128x64xf32, #tpu.memory_space<vmem>>) offsets(%dma_start3A_34 : memref<128xi32, #tpu.memory_space<vmem>>) semaphore(%arg19 : memref<!tpu.dma_semaphore, #tpu.memory_space<semaphore_mem>>)
    %dma_start3A_38 = arith.constant 0 : i32
    %dma_start3A_39 = tpu.memref_slice %arg8[%dma_start3A_38] : memref<19328xi32, #tpu.memory_space<vmem>> -> memref<128xi32, #tpu.memory_space<vmem>>
    %dma_start3A_40 = arith.constant 0 : i32
    %dma_start3A_41 = arith.constant 0 : i32
    %dma_start3A_42 = tpu.memref_slice %arg2[%dma_start3A_40, %dma_start3A_41] : memref<50000x64xf32, #tpu.memory_space<hbm>> -> memref<50000x64xf32, #tpu.memory_space<hbm>>
    tpu.enqueue_indirect_dma source(%dma_start3A_42 : memref<50000x64xf32, #tpu.memory_space<hbm>>) target(%arg10 : memref<128x64xf32, #tpu.memory_space<vmem>>) offsets(%dma_start3A_39 : memref<128xi32, #tpu.memory_space<vmem>>) semaphore(%arg19 : memref<!tpu.dma_semaphore, #tpu.memory_space<semaphore_mem>>)
    %dma_start3A_43 = arith.constant 128 : i32
    %dma_start3A_44 = tpu.memref_slice %arg7[%dma_start3A_43] : memref<19328xi32, #tpu.memory_space<vmem>> -> memref<128xi32, #tpu.memory_space<vmem>>
    %dma_start3A_45 = arith.constant 0 : i32
    %dma_start3A_46 = arith.constant 0 : i32
    %dma_start3A_47 = tpu.memref_slice %arg2[%dma_start3A_45, %dma_start3A_46] : memref<50000x64xf32, #tpu.memory_space<hbm>> -> memref<50000x64xf32, #tpu.memory_space<hbm>>
    tpu.enqueue_indirect_dma source(%dma_start3A_47 : memref<50000x64xf32, #tpu.memory_space<hbm>>) target(%arg11 : memref<128x64xf32, #tpu.memory_space<vmem>>) offsets(%dma_start3A_44 : memref<128xi32, #tpu.memory_space<vmem>>) semaphore(%arg20 : memref<!tpu.dma_semaphore, #tpu.memory_space<semaphore_mem>>)
    %dma_start3A_48 = arith.constant 128 : i32
    %dma_start3A_49 = tpu.memref_slice %arg8[%dma_start3A_48] : memref<19328xi32, #tpu.memory_space<vmem>> -> memref<128xi32, #tpu.memory_space<vmem>>
    %dma_start3A_50 = arith.constant 0 : i32
    %dma_start3A_51 = arith.constant 0 : i32
    %dma_start3A_52 = tpu.memref_slice %arg2[%dma_start3A_50, %dma_start3A_51] : memref<50000x64xf32, #tpu.memory_space<hbm>> -> memref<50000x64xf32, #tpu.memory_space<hbm>>
    tpu.enqueue_indirect_dma source(%dma_start3A_52 : memref<50000x64xf32, #tpu.memory_space<hbm>>) target(%arg12 : memref<128x64xf32, #tpu.memory_space<vmem>>) offsets(%dma_start3A_49 : memref<128xi32, #tpu.memory_space<vmem>>) semaphore(%arg20 : memref<!tpu.dma_semaphore, #tpu.memory_space<semaphore_mem>>)
    %dma_start3A_53 = arith.constant 256 : i32
    %dma_start3A_54 = tpu.memref_slice %arg7[%dma_start3A_53] : memref<19328xi32, #tpu.memory_space<vmem>> -> memref<128xi32, #tpu.memory_space<vmem>>
    %dma_start3A_55 = arith.constant 0 : i32
    %dma_start3A_56 = arith.constant 0 : i32
    %dma_start3A_57 = tpu.memref_slice %arg2[%dma_start3A_55, %dma_start3A_56] : memref<50000x64xf32, #tpu.memory_space<hbm>> -> memref<50000x64xf32, #tpu.memory_space<hbm>>
    tpu.enqueue_indirect_dma source(%dma_start3A_57 : memref<50000x64xf32, #tpu.memory_space<hbm>>) target(%arg13 : memref<128x64xf32, #tpu.memory_space<vmem>>) offsets(%dma_start3A_54 : memref<128xi32, #tpu.memory_space<vmem>>) semaphore(%arg21 : memref<!tpu.dma_semaphore, #tpu.memory_space<semaphore_mem>>)
    %dma_start3A_58 = arith.constant 256 : i32
    %dma_start3A_59 = tpu.memref_slice %arg8[%dma_start3A_58] : memref<19328xi32, #tpu.memory_space<vmem>> -> memref<128xi32, #tpu.memory_space<vmem>>
    %dma_start3A_60 = arith.constant 0 : i32
    %dma_start3A_61 = arith.constant 0 : i32
    %dma_start3A_62 = tpu.memref_slice %arg2[%dma_start3A_60, %dma_start3A_61] : memref<50000x64xf32, #tpu.memory_space<hbm>> -> memref<50000x64xf32, #tpu.memory_space<hbm>>
    tpu.enqueue_indirect_dma source(%dma_start3A_62 : memref<50000x64xf32, #tpu.memory_space<hbm>>) target(%arg14 : memref<128x64xf32, #tpu.memory_space<vmem>>) offsets(%dma_start3A_59 : memref<128xi32, #tpu.memory_space<vmem>>) semaphore(%arg21 : memref<!tpu.dma_semaphore, #tpu.memory_space<semaphore_mem>>)
    %scan3A = arith.constant 0 : i32
    %scan3A_63 = arith.constant 0 : i32
    %scan3A_64 = arith.constant 37 : i32
    %scan3A_65 = arith.addi %scan3A_63, %scan3A_64 : i32
    %scan3A_66 = arith.constant 1 : i32
    %scan3A_67 = scf.for %scan3A_125 = %scan3A_63 to %scan3A_65 step %scan3A_66 iter_args(%scan3A_126 = %scan3A) -> (i32)  : i32 {
      %mul3A_127 = arith.constant 4 : i32
      %mul3A_128 = arith.muli %scan3A_125, %mul3A_127 : i32
      %add3A_129 = arith.constant 0 : i32
      %add3A_130 = arith.addi %mul3A_128, %add3A_129 : i32
      %add3A_131 = arith.constant 4 : i32
      %add3A_132 = arith.addi %add3A_130, %add3A_131 : i32
      %sub3A_133 = arith.constant 1 : i32
      %sub3A_134 = arith.subi %add3A_132, %sub3A_133 : i32
      %mul3A_135 = arith.constant 128 : i32
      %mul3A_136 = arith.muli %sub3A_134, %mul3A_135 : i32
      %dma_start3A_137 = tpu.memref_slice %arg7[%mul3A_136] : memref<19328xi32, #tpu.memory_space<vmem>> -> memref<128xi32, #tpu.memory_space<vmem>>
      %dma_start3A_138 = arith.constant 0 : i32
      %dma_start3A_139 = arith.constant 0 : i32
      %dma_start3A_140 = tpu.memref_slice %arg2[%dma_start3A_138, %dma_start3A_139] : memref<50000x64xf32, #tpu.memory_space<hbm>> -> memref<50000x64xf32, #tpu.memory_space<hbm>>
      tpu.enqueue_indirect_dma source(%dma_start3A_140 : memref<50000x64xf32, #tpu.memory_space<hbm>>) target(%arg15 : memref<128x64xf32, #tpu.memory_space<vmem>>) offsets(%dma_start3A_137 : memref<128xi32, #tpu.memory_space<vmem>>) semaphore(%arg22 : memref<!tpu.dma_semaphore, #tpu.memory_space<semaphore_mem>>)
      %mul3A_141 = arith.constant 128 : i32
      %mul3A_142 = arith.muli %sub3A_134, %mul3A_141 : i32
      %dma_start3A_143 = tpu.memref_slice %arg8[%mul3A_142] : memref<19328xi32, #tpu.memory_space<vmem>> -> memref<128xi32, #tpu.memory_space<vmem>>
      %dma_start3A_144 = arith.constant 0 : i32
      %dma_start3A_145 = arith.constant 0 : i32
      %dma_start3A_146 = tpu.memref_slice %arg2[%dma_start3A_144, %dma_start3A_145] : memref<50000x64xf32, #tpu.memory_space<hbm>> -> memref<50000x64xf32, #tpu.memory_space<hbm>>
      tpu.enqueue_indirect_dma source(%dma_start3A_146 : memref<50000x64xf32, #tpu.memory_space<hbm>>) target(%arg16 : memref<128x64xf32, #tpu.memory_space<vmem>>) offsets(%dma_start3A_143 : memref<128xi32, #tpu.memory_space<vmem>>) semaphore(%arg22 : memref<!tpu.dma_semaphore, #tpu.memory_space<semaphore_mem>>)
      %mul3A_147 = arith.constant 128 : i32
      %mul3A_148 = arith.muli %add3A_130, %mul3A_147 : i32
      %dma_wait3A_149 = tpu.memref_slice %arg7[%mul3A_148] : memref<19328xi32, #tpu.memory_space<vmem>> -> memref<128xi32, #tpu.memory_space<vmem>>
      %dma_wait3A_150 = arith.constant 0 : i32
      %dma_wait3A_151 = arith.constant 0 : i32
      %dma_wait3A_152 = tpu.memref_slice %arg2[%dma_wait3A_150, %dma_wait3A_151] : memref<50000x64xf32, #tpu.memory_space<hbm>> -> memref<50000x64xf32, #tpu.memory_space<hbm>>
      tpu.wait_indirect_dma semaphore(%arg19 : memref<!tpu.dma_semaphore, #tpu.memory_space<semaphore_mem>>) src(%dma_wait3A_152 : memref<50000x64xf32, #tpu.memory_space<hbm>>) dst(%arg9 : memref<128x64xf32, #tpu.memory_space<vmem>>)
      %mul3A_153 = arith.constant 128 : i32
      %mul3A_154 = arith.muli %add3A_130, %mul3A_153 : i32
      %dma_wait3A_155 = tpu.memref_slice %arg8[%mul3A_154] : memref<19328xi32, #tpu.memory_space<vmem>> -> memref<128xi32, #tpu.memory_space<vmem>>
      %dma_wait3A_156 = arith.constant 0 : i32
      %dma_wait3A_157 = arith.constant 0 : i32
      %dma_wait3A_158 = tpu.memref_slice %arg2[%dma_wait3A_156, %dma_wait3A_157] : memref<50000x64xf32, #tpu.memory_space<hbm>> -> memref<50000x64xf32, #tpu.memory_space<hbm>>
      tpu.wait_indirect_dma semaphore(%arg19 : memref<!tpu.dma_semaphore, #tpu.memory_space<semaphore_mem>>) src(%dma_wait3A_158 : memref<50000x64xf32, #tpu.memory_space<hbm>>) dst(%arg10 : memref<128x64xf32, #tpu.memory_space<vmem>>)
      %scan3A_159 = arith.constant 0 : i32
      %scan3A_160 = arith.constant 0 : i32
      %scan3A_161 = arith.constant 8 : i32
      %scan3A_162 = arith.addi %scan3A_160, %scan3A_161 : i32
      %scan3A_163 = arith.constant 1 : i32
      %scan3A_164 = scf.for %scan3A_278 = %scan3A_160 to %scan3A_162 step %scan3A_163 iter_args(%scan3A_279 = %scan3A_159) -> (i32)  : i32 {
        %mul3A_280 = arith.constant 16 : i32
        %mul3A_281 = arith.muli %scan3A_278, %mul3A_280 : i32
        %broadcast_in_dim3A = arith.constant 0.000000e+00 : f32
        %broadcast_in_dim3A_282 = vector.broadcast %broadcast_in_dim3A : f32 to vector<16xf32>
        %scan3A_283 = arith.constant 0 : i32
        %scan3A_284 = arith.constant 4 : i32
        %scan3A_285 = arith.addi %scan3A_283, %scan3A_284 : i32
        %scan3A_286 = arith.constant 1 : i32
        %scan3A_287 = scf.for %scan3A_304 = %scan3A_283 to %scan3A_285 step %scan3A_286 iter_args(%scan3A_305 = %broadcast_in_dim3A_282) -> (vector<16xf32>)  : i32 {
          %mul3A_306 = arith.constant 4 : i32
          %mul3A_307 = arith.muli %scan3A_304, %mul3A_306 : i32
          %add3A_308 = arith.constant 0 : i32
          %add3A_309 = arith.addi %mul3A_307, %add3A_308 : i32
          %add3A_310 = arith.addi %mul3A_281, %add3A_309 : i32
          %get3A_311 = arith.index_cast %add3A_310 : i32 to index
          %get3A_312 = arith.constant 0 : index
          %get3A_313 = tpu.vector_load %arg9[%get3A_311, %get3A_312] {strides = array<i32>} : memref<128x64xf32, #tpu.memory_space<vmem>>, vector<16xf32>,
          %bitcast3A = vector.bitcast %get3A_313 : vector<16xf32> to vector<32xbf16>
          %add3A_314 = arith.addi %mul3A_281, %add3A_309 : i32
          %get3A_315 = arith.index_cast %add3A_314 : i32 to index
          %get3A_316 = arith.constant 0 : index
          %get3A_317 = tpu.vector_load %arg10[%get3A_315, %get3A_316] {strides = array<i32>} : memref<128x64xf32, #tpu.memory_space<vmem>>, vector<16xf32>,
          %bitcast3A_318 = vector.bitcast %get3A_317 : vector<16xf32> to vector<32xbf16>
          %mul3A_319 = arith.mulf %bitcast3A, %bitcast3A_318 : vector<32xbf16>
          %unpack3A = tpu.unpack_subelements %mul3A_319, 0 {pack_format = #tpu.pack_format<interleaved>} : vector<32xbf16> -> vector<16xf32>
          %unpack3A_320 = tpu.unpack_subelements %mul3A_319, 1 {pack_format = #tpu.pack_format<interleaved>} : vector<32xbf16> -> vector<16xf32>
          %mul3A_321 = arith.mulf %unpack3A, %get3A_19 : vector<16xf32>
          %mul3A_322 = arith.mulf %unpack3A_320, %get3A_21 : vector<16xf32>
          %add3A_323 = arith.addf %mul3A_321, %mul3A_322 : vector<16xf32>
          %add3A_324 = arith.addi %mul3A_281, %add3A_309 : i32
          %get3A_325 = arith.index_cast %add3A_324 : i32 to index
          %get3A_326 = arith.constant 16 : index
          %get3A_327 = tpu.vector_load %arg9[%get3A_325, %get3A_326] {strides = array<i32>} : memref<128x64xf32, #tpu.memory_space<vmem>>, vector<16xf32>,
          %bitcast3A_328 = vector.bitcast %get3A_327 : vector<16xf32> to vector<32xbf16>
          %add3A_329 = arith.addi %mul3A_281, %add3A_309 : i32
          %get3A_330 = arith.index_cast %add3A_329 : i32 to index
          %get3A_331 = arith.constant 16 : index
          %get3A_332 = tpu.vector_load %arg10[%get3A_330, %get3A_331] {strides = array<i32>} : memref<128x64xf32, #tpu.memory_space<vmem>>, vector<16xf32>,
          %bitcast3A_333 = vector.bitcast %get3A_332 : vector<16xf32> to vector<32xbf16>
          %mul3A_334 = arith.mulf %bitcast3A_328, %bitcast3A_333 : vector<32xbf16>
          %unpack3A_335 = tpu.unpack_subelements %mul3A_334, 0 {pack_format = #tpu.pack_format<interleaved>} : vector<32xbf16> -> vector<16xf32>
          %unpack3A_336 = tpu.unpack_subelements %mul3A_334, 1 {pack_format = #tpu.pack_format<interleaved>} : vector<32xbf16> -> vector<16xf32>
          %mul3A_337 = arith.mulf %unpack3A_335, %get3A_23 : vector<16xf32>
          %mul3A_338 = arith.mulf %unpack3A_336, %get3A_25 : vector<16xf32>
          %add3A_339 = arith.addf %mul3A_337, %mul3A_338 : vector<16xf32>
          %add3A_340 = arith.addf %add3A_323, %add3A_339 : vector<16xf32>
          %add3A_341 = arith.addi %mul3A_281, %add3A_309 : i32
          %get3A_342 = arith.index_cast %add3A_341 : i32 to index
          %get3A_343 = arith.constant 32 : index
          %get3A_344 = tpu.vector_load %arg9[%get3A_342, %get3A_343] {strides = array<i32>} : memref<128x64xf32, #tpu.memory_space<vmem>>, vector<16xf32>,
          %bitcast3A_345 = vector.bitcast %get3A_344 : vector<16xf32> to vector<32xbf16>
          %add3A_346 = arith.addi %mul3A_281, %add3A_309 : i32
          %get3A_347 = arith.index_cast %add3A_346 : i32 to index
          %get3A_348 = arith.constant 32 : index
          %get3A_349 = tpu.vector_load %arg10[%get3A_347, %get3A_348] {strides = array<i32>} : memref<128x64xf32, #tpu.memory_space<vmem>>, vector<16xf32>,
          %bitcast3A_350 = vector.bitcast %get3A_349 : vector<16xf32> to vector<32xbf16>
          %mul3A_351 = arith.mulf %bitcast3A_345, %bitcast3A_350 : vector<32xbf16>
          %unpack3A_352 = tpu.unpack_subelements %mul3A_351, 0 {pack_format = #tpu.pack_format<interleaved>} : vector<32xbf16> -> vector<16xf32>
          %unpack3A_353 = tpu.unpack_subelements %mul3A_351, 1 {pack_format = #tpu.pack_format<interleaved>} : vector<32xbf16> -> vector<16xf32>
          %mul3A_354 = arith.mulf %unpack3A_352, %get3A_27 : vector<16xf32>
          %mul3A_355 = arith.mulf %unpack3A_353, %get3A_29 : vector<16xf32>
          %add3A_356 = arith.addf %mul3A_354, %mul3A_355 : vector<16xf32>
          %add3A_357 = arith.addf %add3A_340, %add3A_356 : vector<16xf32>
          %add3A_358 = arith.addi %mul3A_281, %add3A_309 : i32
          %get3A_359 = arith.index_cast %add3A_358 : i32 to index
          %get3A_360 = arith.constant 48 : index
          %get3A_361 = tpu.vector_load %arg9[%get3A_359, %get3A_360] {strides = array<i32>} : memref<128x64xf32, #tpu.memory_space<vmem>>, vector<16xf32>,
          %bitcast3A_362 = vector.bitcast %get3A_361 : vector<16xf32> to vector<32xbf16>
          %add3A_363 = arith.addi %mul3A_281, %add3A_309 : i32
          %get3A_364 = arith.index_cast %add3A_363 : i32 to index
          %get3A_365 = arith.constant 48 : index
          %get3A_366 = tpu.vector_load %arg10[%get3A_364, %get3A_365] {strides = array<i32>} : memref<128x64xf32, #tpu.memory_space<vmem>>, vector<16xf32>,
          %bitcast3A_367 = vector.bitcast %get3A_366 : vector<16xf32> to vector<32xbf16>
          %mul3A_368 = arith.mulf %bitcast3A_362, %bitcast3A_367 : vector<32xbf16>
          %unpack3A_369 = tpu.unpack_subelements %mul3A_368, 0 {pack_format = #tpu.pack_format<interleaved>} : vector<32xbf16> -> vector<16xf32>
          %unpack3A_370 = tpu.unpack_subelements %mul3A_368, 1 {pack_format = #tpu.pack_format<interleaved>} : vector<32xbf16> -> vector<16xf32>
          %mul3A_371 = arith.mulf %unpack3A_369, %get3A_31 : vector<16xf32>
          %mul3A_372 = arith.mulf %unpack3A_370, %get3A_33 : vector<16xf32>
          %add3A_373 = arith.addf %mul3A_371, %mul3A_372 : vector<16xf32>
          %add3A_374 = arith.addf %add3A_357, %add3A_373 : vector<16xf32>
          %eq3A_375 = vector.broadcast %add3A_309 : i32 to vector<16xi32>
          %eq3A_376 = arith.cmpi eq, %iota3A, %eq3A_375 : vector<16xi32>
          %reduce_sum3A = arith.constant true
          %reduce_sum3A_377 = vector.broadcast %reduce_sum3A : i1 to vector<16xi1>
          %reduce_sum3A_378 = tpu.scan <sum>, %add3A_374 masked %reduce_sum3A_377 : vector<16xf32>, vector<16xi1> -> vector<16xf32>
          %reduce_sum3A_379 = vector.extract %reduce_sum3A_378[15] : f32 from vector<16xf32>
          %broadcast_in_dim3A_380 = vector.broadcast %reduce_sum3A_379 : f32 to vector<16xf32>
          %select_n3A_381 = arith.select %eq3A_376, %broadcast_in_dim3A_380, %scan3A_305 : vector<16xi1>, vector<16xf32>
          %mul3A_382 = arith.constant 4 : i32
          %mul3A_383 = arith.muli %scan3A_304, %mul3A_382 : i32
          %add3A_384 = arith.constant 1 : i32
          %add3A_385 = arith.addi %mul3A_383, %add3A_384 : i32
          %add3A_386 = arith.addi %mul3A_281, %add3A_385 : i32
          %get3A_387 = arith.index_cast %add3A_386 : i32 to index
          %get3A_388 = arith.constant 0 : index
          %get3A_389 = tpu.vector_load %arg9[%get3A_387, %get3A_388] {strides = array<i32>} : memref<128x64xf32, #tpu.memory_space<vmem>>, vector<16xf32>,
          %bitcast3A_390 = vector.bitcast %get3A_389 : vector<16xf32> to vector<32xbf16>
          %add3A_391 = arith.addi %mul3A_281, %add3A_385 : i32
          %get3A_392 = arith.index_cast %add3A_391 : i32 to index
          %get3A_393 = arith.constant 0 : index
          %get3A_394 = tpu.vector_load %arg10[%get3A_392, %get3A_393] {strides = array<i32>} : memref<128x64xf32, #tpu.memory_space<vmem>>, vector<16xf32>,
          %bitcast3A_395 = vector.bitcast %get3A_394 : vector<16xf32> to vector<32xbf16>
          %mul3A_396 = arith.mulf %bitcast3A_390, %bitcast3A_395 : vector<32xbf16>
          %unpack3A_397 = tpu.unpack_subelements %mul3A_396, 0 {pack_format = #tpu.pack_format<interleaved>} : vector<32xbf16> -> vector<16xf32>
          %unpack3A_398 = tpu.unpack_subelements %mul3A_396, 1 {pack_format = #tpu.pack_format<interleaved>} : vector<32xbf16> -> vector<16xf32>
          %mul3A_399 = arith.mulf %unpack3A_397, %get3A_19 : vector<16xf32>
          %mul3A_400 = arith.mulf %unpack3A_398, %get3A_21 : vector<16xf32>
          %add3A_401 = arith.addf %mul3A_399, %mul3A_400 : vector<16xf32>
          %add3A_402 = arith.addi %mul3A_281, %add3A_385 : i32
          %get3A_403 = arith.index_cast %add3A_402 : i32 to index
          %get3A_404 = arith.constant 16 : index
          %get3A_405 = tpu.vector_load %arg9[%get3A_403, %get3A_404] {strides = array<i32>} : memref<128x64xf32, #tpu.memory_space<vmem>>, vector<16xf32>,
          %bitcast3A_406 = vector.bitcast %get3A_405 : vector<16xf32> to vector<32xbf16>
          %add3A_407 = arith.addi %mul3A_281, %add3A_385 : i32
          %get3A_408 = arith.index_cast %add3A_407 : i32 to index
          %get3A_409 = arith.constant 16 : index
          %get3A_410 = tpu.vector_load %arg10[%get3A_408, %get3A_409] {strides = array<i32>} : memref<128x64xf32, #tpu.memory_space<vmem>>, vector<16xf32>,
          %bitcast3A_411 = vector.bitcast %get3A_410 : vector<16xf32> to vector<32xbf16>
          %mul3A_412 = arith.mulf %bitcast3A_406, %bitcast3A_411 : vector<32xbf16>
          %unpack3A_413 = tpu.unpack_subelements %mul3A_412, 0 {pack_format = #tpu.pack_format<interleaved>} : vector<32xbf16> -> vector<16xf32>
          %unpack3A_414 = tpu.unpack_subelements %mul3A_412, 1 {pack_format = #tpu.pack_format<interleaved>} : vector<32xbf16> -> vector<16xf32>
          %mul3A_415 = arith.mulf %unpack3A_413, %get3A_23 : vector<16xf32>
          %mul3A_416 = arith.mulf %unpack3A_414, %get3A_25 : vector<16xf32>
          %add3A_417 = arith.addf %mul3A_415, %mul3A_416 : vector<16xf32>
          %add3A_418 = arith.addf %add3A_401, %add3A_417 : vector<16xf32>
          %add3A_419 = arith.addi %mul3A_281, %add3A_385 : i32
          %get3A_420 = arith.index_cast %add3A_419 : i32 to index
          %get3A_421 = arith.constant 32 : index
          %get3A_422 = tpu.vector_load %arg9[%get3A_420, %get3A_421] {strides = array<i32>} : memref<128x64xf32, #tpu.memory_space<vmem>>, vector<16xf32>,
          %bitcast3A_423 = vector.bitcast %get3A_422 : vector<16xf32> to vector<32xbf16>
          %add3A_424 = arith.addi %mul3A_281, %add3A_385 : i32
          %get3A_425 = arith.index_cast %add3A_424 : i32 to index
          %get3A_426 = arith.constant 32 : index
          %get3A_427 = tpu.vector_load %arg10[%get3A_425, %get3A_426] {strides = array<i32>} : memref<128x64xf32, #tpu.memory_space<vmem>>, vector<16xf32>,
          %bitcast3A_428 = vector.bitcast %get3A_427 : vector<16xf32> to vector<32xbf16>
          %mul3A_429 = arith.mulf %bitcast3A_423, %bitcast3A_428 : vector<32xbf16>
          %unpack3A_430 = tpu.unpack_subelements %mul3A_429, 0 {pack_format = #tpu.pack_format<interleaved>} : vector<32xbf16> -> vector<16xf32>
          %unpack3A_431 = tpu.unpack_subelements %mul3A_429, 1 {pack_format = #tpu.pack_format<interleaved>} : vector<32xbf16> -> vector<16xf32>
          %mul3A_432 = arith.mulf %unpack3A_430, %get3A_27 : vector<16xf32>
          %mul3A_433 = arith.mulf %unpack3A_431, %get3A_29 : vector<16xf32>
          %add3A_434 = arith.addf %mul3A_432, %mul3A_433 : vector<16xf32>
          %add3A_435 = arith.addf %add3A_418, %add3A_434 : vector<16xf32>
          %add3A_436 = arith.addi %mul3A_281, %add3A_385 : i32
          %get3A_437 = arith.index_cast %add3A_436 : i32 to index
          %get3A_438 = arith.constant 48 : index
          %get3A_439 = tpu.vector_load %arg9[%get3A_437, %get3A_438] {strides = array<i32>} : memref<128x64xf32, #tpu.memory_space<vmem>>, vector<16xf32>,
          %bitcast3A_440 = vector.bitcast %get3A_439 : vector<16xf32> to vector<32xbf16>
          %add3A_441 = arith.addi %mul3A_281, %add3A_385 : i32
          %get3A_442 = arith.index_cast %add3A_441 : i32 to index
          %get3A_443 = arith.constant 48 : index
          %get3A_444 = tpu.vector_load %arg10[%get3A_442, %get3A_443] {strides = array<i32>} : memref<128x64xf32, #tpu.memory_space<vmem>>, vector<16xf32>,
          %bitcast3A_445 = vector.bitcast %get3A_444 : vector<16xf32> to vector<32xbf16>
          %mul3A_446 = arith.mulf %bitcast3A_440, %bitcast3A_445 : vector<32xbf16>
          %unpack3A_447 = tpu.unpack_subelements %mul3A_446, 0 {pack_format = #tpu.pack_format<interleaved>} : vector<32xbf16> -> vector<16xf32>
          %unpack3A_448 = tpu.unpack_subelements %mul3A_446, 1 {pack_format = #tpu.pack_format<interleaved>} : vector<32xbf16> -> vector<16xf32>
          %mul3A_449 = arith.mulf %unpack3A_447, %get3A_31 : vector<16xf32>
          %mul3A_450 = arith.mulf %unpack3A_448, %get3A_33 : vector<16xf32>
          %add3A_451 = arith.addf %mul3A_449, %mul3A_450 : vector<16xf32>
          %add3A_452 = arith.addf %add3A_435, %add3A_451 : vector<16xf32>
          %eq3A_453 = vector.broadcast %add3A_385 : i32 to vector<16xi32>
          %eq3A_454 = arith.cmpi eq, %iota3A, %eq3A_453 : vector<16xi32>
          %reduce_sum3A_455 = arith.constant true
          %reduce_sum3A_456 = vector.broadcast %reduce_sum3A_455 : i1 to vector<16xi1>
          %reduce_sum3A_457 = tpu.scan <sum>, %add3A_452 masked %reduce_sum3A_456 : vector<16xf32>, vector<16xi1> -> vector<16xf32>
          %reduce_sum3A_458 = vector.extract %reduce_sum3A_457[15] : f32 from vector<16xf32>
          %broadcast_in_dim3A_459 = vector.broadcast %reduce_sum3A_458 : f32 to vector<16xf32>
          %select_n3A_460 = arith.select %eq3A_454, %broadcast_in_dim3A_459, %select_n3A_381 : vector<16xi1>, vector<16xf32>
          %mul3A_461 = arith.constant 4 : i32
          %mul3A_462 = arith.muli %scan3A_304, %mul3A_461 : i32
          %add3A_463 = arith.constant 2 : i32
          %add3A_464 = arith.addi %mul3A_462, %add3A_463 : i32
          %add3A_465 = arith.addi %mul3A_281, %add3A_464 : i32
          %get3A_466 = arith.index_cast %add3A_465 : i32 to index
          %get3A_467 = arith.constant 0 : index
          %get3A_468 = tpu.vector_load %arg9[%get3A_466, %get3A_467] {strides = array<i32>} : memref<128x64xf32, #tpu.memory_space<vmem>>, vector<16xf32>,
          %bitcast3A_469 = vector.bitcast %get3A_468 : vector<16xf32> to vector<32xbf16>
          %add3A_470 = arith.addi %mul3A_281, %add3A_464 : i32
          %get3A_471 = arith.index_cast %add3A_470 : i32 to index
          %get3A_472 = arith.constant 0 : index
          %get3A_473 = tpu.vector_load %arg10[%get3A_471, %get3A_472] {strides = array<i32>} : memref<128x64xf32, #tpu.memory_space<vmem>>, vector<16xf32>,
          %bitcast3A_474 = vector.bitcast %get3A_473 : vector<16xf32> to vector<32xbf16>
          %mul3A_475 = arith.mulf %bitcast3A_469, %bitcast3A_474 : vector<32xbf16>
          %unpack3A_476 = tpu.unpack_subelements %mul3A_475, 0 {pack_format = #tpu.pack_format<interleaved>} : vector<32xbf16> -> vector<16xf32>
          %unpack3A_477 = tpu.unpack_subelements %mul3A_475, 1 {pack_format = #tpu.pack_format<interleaved>} : vector<32xbf16> -> vector<16xf32>
          %mul3A_478 = arith.mulf %unpack3A_476, %get3A_19 : vector<16xf32>
          %mul3A_479 = arith.mulf %unpack3A_477, %get3A_21 : vector<16xf32>
          %add3A_480 = arith.addf %mul3A_478, %mul3A_479 : vector<16xf32>
          %add3A_481 = arith.addi %mul3A_281, %add3A_464 : i32
          %get3A_482 = arith.index_cast %add3A_481 : i32 to index
          %get3A_483 = arith.constant 16 : index
          %get3A_484 = tpu.vector_load %arg9[%get3A_482, %get3A_483] {strides = array<i32>} : memref<128x64xf32, #tpu.memory_space<vmem>>, vector<16xf32>,
          %bitcast3A_485 = vector.bitcast %get3A_484 : vector<16xf32> to vector<32xbf16>
          %add3A_486 = arith.addi %mul3A_281, %add3A_464 : i32
          %get3A_487 = arith.index_cast %add3A_486 : i32 to index
          %get3A_488 = arith.constant 16 : index
          %get3A_489 = tpu.vector_load %arg10[%get3A_487, %get3A_488] {strides = array<i32>} : memref<128x64xf32, #tpu.memory_space<vmem>>, vector<16xf32>,
          %bitcast3A_490 = vector.bitcast %get3A_489 : vector<16xf32> to vector<32xbf16>
          %mul3A_491 = arith.mulf %bitcast3A_485, %bitcast3A_490 : vector<32xbf16>
          %unpack3A_492 = tpu.unpack_subelements %mul3A_491, 0 {pack_format = #tpu.pack_format<interleaved>} : vector<32xbf16> -> vector<16xf32>
          %unpack3A_493 = tpu.unpack_subelements %mul3A_491, 1 {pack_format = #tpu.pack_format<interleaved>} : vector<32xbf16> -> vector<16xf32>
          %mul3A_494 = arith.mulf %unpack3A_492, %get3A_23 : vector<16xf32>
          %mul3A_495 = arith.mulf %unpack3A_493, %get3A_25 : vector<16xf32>
          %add3A_496 = arith.addf %mul3A_494, %mul3A_495 : vector<16xf32>
          %add3A_497 = arith.addf %add3A_480, %add3A_496 : vector<16xf32>
          %add3A_498 = arith.addi %mul3A_281, %add3A_464 : i32
          %get3A_499 = arith.index_cast %add3A_498 : i32 to index
          %get3A_500 = arith.constant 32 : index
          %get3A_501 = tpu.vector_load %arg9[%get3A_499, %get3A_500] {strides = array<i32>} : memref<128x64xf32, #tpu.memory_space<vmem>>, vector<16xf32>,
          %bitcast3A_502 = vector.bitcast %get3A_501 : vector<16xf32> to vector<32xbf16>
          %add3A_503 = arith.addi %mul3A_281, %add3A_464 : i32
          %get3A_504 = arith.index_cast %add3A_503 : i32 to index
          %get3A_505 = arith.constant 32 : index
          %get3A_506 = tpu.vector_load %arg10[%get3A_504, %get3A_505] {strides = array<i32>} : memref<128x64xf32, #tpu.memory_space<vmem>>, vector<16xf32>,
          %bitcast3A_507 = vector.bitcast %get3A_506 : vector<16xf32> to vector<32xbf16>
          %mul3A_508 = arith.mulf %bitcast3A_502, %bitcast3A_507 : vector<32xbf16>
          %unpack3A_509 = tpu.unpack_subelements %mul3A_508, 0 {pack_format = #tpu.pack_format<interleaved>} : vector<32xbf16> -> vector<16xf32>
          %unpack3A_510 = tpu.unpack_subelements %mul3A_508, 1 {pack_format = #tpu.pack_format<interleaved>} : vector<32xbf16> -> vector<16xf32>
          %mul3A_511 = arith.mulf %unpack3A_509, %get3A_27 : vector<16xf32>
          %mul3A_512 = arith.mulf %unpack3A_510, %get3A_29 : vector<16xf32>
          %add3A_513 = arith.addf %mul3A_511, %mul3A_512 : vector<16xf32>
          %add3A_514 = arith.addf %add3A_497, %add3A_513 : vector<16xf32>
          %add3A_515 = arith.addi %mul3A_281, %add3A_464 : i32
          %get3A_516 = arith.index_cast %add3A_515 : i32 to index
          %get3A_517 = arith.constant 48 : index
          %get3A_518 = tpu.vector_load %arg9[%get3A_516, %get3A_517] {strides = array<i32>} : memref<128x64xf32, #tpu.memory_space<vmem>>, vector<16xf32>,
          %bitcast3A_519 = vector.bitcast %get3A_518 : vector<16xf32> to vector<32xbf16>
          %add3A_520 = arith.addi %mul3A_281, %add3A_464 : i32
          %get3A_521 = arith.index_cast %add3A_520 : i32 to index
          %get3A_522 = arith.constant 48 : index
          %get3A_523 = tpu.vector_load %arg10[%get3A_521, %get3A_522] {strides = array<i32>} : memref<128x64xf32, #tpu.memory_space<vmem>>, vector<16xf32>,
          %bitcast3A_524 = vector.bitcast %get3A_523 : vector<16xf32> to vector<32xbf16>
          %mul3A_525 = arith.mulf %bitcast3A_519, %bitcast3A_524 : vector<32xbf16>
          %unpack3A_526 = tpu.unpack_subelements %mul3A_525, 0 {pack_format = #tpu.pack_format<interleaved>} : vector<32xbf16> -> vector<16xf32>
          %unpack3A_527 = tpu.unpack_subelements %mul3A_525, 1 {pack_format = #tpu.pack_format<interleaved>} : vector<32xbf16> -> vector<16xf32>
          %mul3A_528 = arith.mulf %unpack3A_526, %get3A_31 : vector<16xf32>
          %mul3A_529 = arith.mulf %unpack3A_527, %get3A_33 : vector<16xf32>
          %add3A_530 = arith.addf %mul3A_528, %mul3A_529 : vector<16xf32>
          %add3A_531 = arith.addf %add3A_514, %add3A_530 : vector<16xf32>
          %eq3A_532 = vector.broadcast %add3A_464 : i32 to vector<16xi32>
          %eq3A_533 = arith.cmpi eq, %iota3A, %eq3A_532 : vector<16xi32>
          %reduce_sum3A_534 = arith.constant true
          %reduce_sum3A_535 = vector.broadcast %reduce_sum3A_534 : i1 to vector<16xi1>
          %reduce_sum3A_536 = tpu.scan <sum>, %add3A_531 masked %reduce_sum3A_535 : vector<16xf32>, vector<16xi1> -> vector<16xf32>
          %reduce_sum3A_537 = vector.extract %reduce_sum3A_536[15] : f32 from vector<16xf32>
          %broadcast_in_dim3A_538 = vector.broadcast %reduce_sum3A_537 : f32 to vector<16xf32>
          %select_n3A_539 = arith.select %eq3A_533, %broadcast_in_dim3A_538, %select_n3A_460 : vector<16xi1>, vector<16xf32>
          %mul3A_540 = arith.constant 4 : i32
          %mul3A_541 = arith.muli %scan3A_304, %mul3A_540 : i32
          %add3A_542 = arith.constant 3 : i32
          %add3A_543 = arith.addi %mul3A_541, %add3A_542 : i32
          %add3A_544 = arith.addi %mul3A_281, %add3A_543 : i32
          %get3A_545 = arith.index_cast %add3A_544 : i32 to index
          %get3A_546 = arith.constant 0 : index
          %get3A_547 = tpu.vector_load %arg9[%get3A_545, %get3A_546] {strides = array<i32>} : memref<128x64xf32, #tpu.memory_space<vmem>>, vector<16xf32>,
          %bitcast3A_548 = vector.bitcast %get3A_547 : vector<16xf32> to vector<32xbf16>
          %add3A_549 = arith.addi %mul3A_281, %add3A_543 : i32
          %get3A_550 = arith.index_cast %add3A_549 : i32 to index
          %get3A_551 = arith.constant 0 : index
          %get3A_552 = tpu.vector_load %arg10[%get3A_550, %get3A_551] {strides = array<i32>} : memref<128x64xf32, #tpu.memory_space<vmem>>, vector<16xf32>,
          %bitcast3A_553 = vector.bitcast %get3A_552 : vector<16xf32> to vector<32xbf16>
          %mul3A_554 = arith.mulf %bitcast3A_548, %bitcast3A_553 : vector<32xbf16>
          %unpack3A_555 = tpu.unpack_subelements %mul3A_554, 0 {pack_format = #tpu.pack_format<interleaved>} : vector<32xbf16> -> vector<16xf32>
          %unpack3A_556 = tpu.unpack_subelements %mul3A_554, 1 {pack_format = #tpu.pack_format<interleaved>} : vector<32xbf16> -> vector<16xf32>
          %mul3A_557 = arith.mulf %unpack3A_555, %get3A_19 : vector<16xf32>
          %mul3A_558 = arith.mulf %unpack3A_556, %get3A_21 : vector<16xf32>
          %add3A_559 = arith.addf %mul3A_557, %mul3A_558 : vector<16xf32>
          %add3A_560 = arith.addi %mul3A_281, %add3A_543 : i32
          %get3A_561 = arith.index_cast %add3A_560 : i32 to index
          %get3A_562 = arith.constant 16 : index
          %get3A_563 = tpu.vector_load %arg9[%get3A_561, %get3A_562] {strides = array<i32>} : memref<128x64xf32, #tpu.memory_space<vmem>>, vector<16xf32>,
          %bitcast3A_564 = vector.bitcast %get3A_563 : vector<16xf32> to vector<32xbf16>
          %add3A_565 = arith.addi %mul3A_281, %add3A_543 : i32
          %get3A_566 = arith.index_cast %add3A_565 : i32 to index
          %get3A_567 = arith.constant 16 : index
          %get3A_568 = tpu.vector_load %arg10[%get3A_566, %get3A_567] {strides = array<i32>} : memref<128x64xf32, #tpu.memory_space<vmem>>, vector<16xf32>,
          %bitcast3A_569 = vector.bitcast %get3A_568 : vector<16xf32> to vector<32xbf16>
          %mul3A_570 = arith.mulf %bitcast3A_564, %bitcast3A_569 : vector<32xbf16>
          %unpack3A_571 = tpu.unpack_subelements %mul3A_570, 0 {pack_format = #tpu.pack_format<interleaved>} : vector<32xbf16> -> vector<16xf32>
          %unpack3A_572 = tpu.unpack_subelements %mul3A_570, 1 {pack_format = #tpu.pack_format<interleaved>} : vector<32xbf16> -> vector<16xf32>
          %mul3A_573 = arith.mulf %unpack3A_571, %get3A_23 : vector<16xf32>
          %mul3A_574 = arith.mulf %unpack3A_572, %get3A_25 : vector<16xf32>
          %add3A_575 = arith.addf %mul3A_573, %mul3A_574 : vector<16xf32>
          %add3A_576 = arith.addf %add3A_559, %add3A_575 : vector<16xf32>
          %add3A_577 = arith.addi %mul3A_281, %add3A_543 : i32
          %get3A_578 = arith.index_cast %add3A_577 : i32 to index
          %get3A_579 = arith.constant 32 : index
          %get3A_580 = tpu.vector_load %arg9[%get3A_578, %get3A_579] {strides = array<i32>} : memref<128x64xf32, #tpu.memory_space<vmem>>, vector<16xf32>,
          %bitcast3A_581 = vector.bitcast %get3A_580 : vector<16xf32> to vector<32xbf16>
          %add3A_582 = arith.addi %mul3A_281, %add3A_543 : i32
          %get3A_583 = arith.index_cast %add3A_582 : i32 to index
          %get3A_584 = arith.constant 32 : index
          %get3A_585 = tpu.vector_load %arg10[%get3A_583, %get3A_584] {strides = array<i32>} : memref<128x64xf32, #tpu.memory_space<vmem>>, vector<16xf32>,
          %bitcast3A_586 = vector.bitcast %get3A_585 : vector<16xf32> to vector<32xbf16>
          %mul3A_587 = arith.mulf %bitcast3A_581, %bitcast3A_586 : vector<32xbf16>
          %unpack3A_588 = tpu.unpack_subelements %mul3A_587, 0 {pack_format = #tpu.pack_format<interleaved>} : vector<32xbf16> -> vector<16xf32>
          %unpack3A_589 = tpu.unpack_subelements %mul3A_587, 1 {pack_format = #tpu.pack_format<interleaved>} : vector<32xbf16> -> vector<16xf32>
          %mul3A_590 = arith.mulf %unpack3A_588, %get3A_27 : vector<16xf32>
          %mul3A_591 = arith.mulf %unpack3A_589, %get3A_29 : vector<16xf32>
          %add3A_592 = arith.addf %mul3A_590, %mul3A_591 : vector<16xf32>
          %add3A_593 = arith.addf %add3A_576, %add3A_592 : vector<16xf32>
          %add3A_594 = arith.addi %mul3A_281, %add3A_543 : i32
          %get3A_595 = arith.index_cast %add3A_594 : i32 to index
          %get3A_596 = arith.constant 48 : index
          %get3A_597 = tpu.vector_load %arg9[%get3A_595, %get3A_596] {strides = array<i32>} : memref<128x64xf32, #tpu.memory_space<vmem>>, vector<16xf32>,
          %bitcast3A_598 = vector.bitcast %get3A_597 : vector<16xf32> to vector<32xbf16>
          %add3A_599 = arith.addi %mul3A_281, %add3A_543 : i32
          %get3A_600 = arith.index_cast %add3A_599 : i32 to index
          %get3A_601 = arith.constant 48 : index
          %get3A_602 = tpu.vector_load %arg10[%get3A_600, %get3A_601] {strides = array<i32>} : memref<128x64xf32, #tpu.memory_space<vmem>>, vector<16xf32>,
          %bitcast3A_603 = vector.bitcast %get3A_602 : vector<16xf32> to vector<32xbf16>
          %mul3A_604 = arith.mulf %bitcast3A_598, %bitcast3A_603 : vector<32xbf16>
          %unpack3A_605 = tpu.unpack_subelements %mul3A_604, 0 {pack_format = #tpu.pack_format<interleaved>} : vector<32xbf16> -> vector<16xf32>
          %unpack3A_606 = tpu.unpack_subelements %mul3A_604, 1 {pack_format = #tpu.pack_format<interleaved>} : vector<32xbf16> -> vector<16xf32>
          %mul3A_607 = arith.mulf %unpack3A_605, %get3A_31 : vector<16xf32>
          %mul3A_608 = arith.mulf %unpack3A_606, %get3A_33 : vector<16xf32>
          %add3A_609 = arith.addf %mul3A_607, %mul3A_608 : vector<16xf32>
          %add3A_610 = arith.addf %add3A_593, %add3A_609 : vector<16xf32>
          %eq3A_611 = vector.broadcast %add3A_543 : i32 to vector<16xi32>
          %eq3A_612 = arith.cmpi eq, %iota3A, %eq3A_611 : vector<16xi32>
          %reduce_sum3A_613 = arith.constant true
          %reduce_sum3A_614 = vector.broadcast %reduce_sum3A_613 : i1 to vector<16xi1>
          %reduce_sum3A_615 = tpu.scan <sum>, %add3A_610 masked %reduce_sum3A_614 : vector<16xf32>, vector<16xi1> -> vector<16xf32>
          %reduce_sum3A_616 = vector.extract %reduce_sum3A_615[15] : f32 from vector<16xf32>
          %broadcast_in_dim3A_617 = vector.broadcast %reduce_sum3A_616 : f32 to vector<16xf32>
          %select_n3A_618 = arith.select %eq3A_612, %broadcast_in_dim3A_617, %select_n3A_539 : vector<16xi1>, vector<16xf32>
          scf.yield %select_n3A_618 : vector<16xf32>
        }
        %scan3A_288 = arith.constant 4 : i32
        %neg3A = arith.constant 0.000000e+00 : f32
        %neg3A_289 = vector.broadcast %neg3A : f32 to vector<16xf32>
        %neg3A_290 = arith.subf %neg3A_289, %scan3A_287 : vector<16xf32>
        %exp3A = math.exp %neg3A_290 : vector<16xf32>
        %add3A_291 = arith.constant 1.000000e+00 : f32
        %add3A_292 = vector.broadcast %add3A_291 : f32 to vector<16xf32>
        %add3A_293 = arith.addf %add3A_292, %exp3A : vector<16xf32>
        %div3A_294 = arith.constant 1.000000e+00 : f32
        %div3A_295 = vector.broadcast %div3A_294 : f32 to vector<16xf32>
        %div3A_296 = arith.divf %div3A_295, %add3A_293 : vector<16xf32>
        %mul3A_297 = arith.constant 128 : i32
        %mul3A_298 = arith.muli %add3A_130, %mul3A_297 : i32
        %mul3A_299 = arith.constant 16 : i32
        %mul3A_300 = arith.muli %scan3A_278, %mul3A_299 : i32
        %add3A_301 = arith.addi %mul3A_298, %mul3A_300 : i32
        %swap3A = arith.index_cast %add3A_301 : i32 to index
        %swap3A_302 = tpu.vector_load %arg18[%swap3A] {strides = array<i32>} : memref<18944xf32, #tpu.memory_space<vmem>>, vector<16xf32>,
        tpu.vector_store %arg18[%swap3A], %div3A_296 {strides = array<i32>} : memref<18944xf32, #tpu.memory_space<vmem>>, vector<16xf32>,
        %scan3A_303 = arith.constant 0 : i32
        scf.yield %scan3A_303 : i32
      }
      %scan3A_165 = arith.constant 8 : i32
      %add3A_166 = arith.constant 1 : i32
      %add3A_167 = arith.addi %mul3A_128, %add3A_166 : i32
      %add3A_168 = arith.constant 4 : i32
      %add3A_169 = arith.addi %add3A_167, %add3A_168 : i32
      %sub3A_170 = arith.constant 1 : i32
      %sub3A_171 = arith.subi %add3A_169, %sub3A_170 : i32
      %mul3A_172 = arith.constant 128 : i32
      %mul3A_173 = arith.muli %sub3A_171, %mul3A_172 : i32
      %dma_start3A_174 = tpu.memref_slice %arg7[%mul3A_173] : memref<19328xi32, #tpu.memory_space<vmem>> -> memref<128xi32, #tpu.memory_space<vmem>>
      %dma_start3A_175 = arith.constant 0 : i32
      %dma_start3A_176 = arith.constant 0 : i32
      %dma_start3A_177 = tpu.memref_slice %arg2[%dma_start3A_175, %dma_start3A_176] : memref<50000x64xf32, #tpu.memory_space<hbm>> -> memref<50000x64xf32, #tpu.memory_space<hbm>>
      tpu.enqueue_indirect_dma source(%dma_start3A_177 : memref<50000x64xf32, #tpu.memory_space<hbm>>) target(%arg9 : memref<128x64xf32, #tpu.memory_space<vmem>>) offsets(%dma_start3A_174 : memref<128xi32, #tpu.memory_space<vmem>>) semaphore(%arg19 : memref<!tpu.dma_semaphore, #tpu.memory_space<semaphore_mem>>)
      %mul3A_178 = arith.constant 128 : i32
      %mul3A_179 = arith.muli %sub3A_171, %mul3A_178 : i32
      %dma_start3A_180 = tpu.memref_slice %arg8[%mul3A_179] : memref<19328xi32, #tpu.memory_space<vmem>> -> memref<128xi32, #tpu.memory_space<vmem>>
      %dma_start3A_181 = arith.constant 0 : i32
      %dma_start3A_182 = arith.constant 0 : i32
      %dma_start3A_183 = tpu.memref_slice %arg2[%dma_start3A_181, %dma_start3A_182] : memref<50000x64xf32, #tpu.memory_space<hbm>> -> memref<50000x64xf32, #tpu.memory_space<hbm>>
      tpu.enqueue_indirect_dma source(%dma_start3A_183 : memref<50000x64xf32, #tpu.memory_space<hbm>>) target(%arg10 : memref<128x64xf32, #tpu.memory_space<vmem>>) offsets(%dma_start3A_180 : memref<128xi32, #tpu.memory_space<vmem>>) semaphore(%arg19 : memref<!tpu.dma_semaphore, #tpu.memory_space<semaphore_mem>>)
      %mul3A_184 = arith.constant 128 : i32
      %mul3A_185 = arith.muli %add3A_167, %mul3A_184 : i32
      %dma_wait3A_186 = tpu.memref_slice %arg7[%mul3A_185] : memref<19328xi32, #tpu.memory_space<vmem>> -> memref<128xi32, #tpu.memory_space<vmem>>
      %dma_wait3A_187 = arith.constant 0 : i32
      %dma_wait3A_188 = arith.constant 0 : i32
      %dma_wait3A_189 = tpu.memref_slice %arg2[%dma_wait3A_187, %dma_wait3A_188] : memref<50000x64xf32, #tpu.memory_space<hbm>> -> memref<50000x64xf32, #tpu.memory_space<hbm>>
      tpu.wait_indirect_dma semaphore(%arg20 : memref<!tpu.dma_semaphore, #tpu.memory_space<semaphore_mem>>) src(%dma_wait3A_189 : memref<50000x64xf32, #tpu.memory_space<hbm>>) dst(%arg11 : memref<128x64xf32, #tpu.memory_space<vmem>>)
      %mul3A_190 = arith.constant 128 : i32
      %mul3A_191 = arith.muli %add3A_167, %mul3A_190 : i32
      %dma_wait3A_192 = tpu.memref_slice %arg8[%mul3A_191] : memref<19328xi32, #tpu.memory_space<vmem>> -> memref<128xi32, #tpu.memory_space<vmem>>
      %dma_wait3A_193 = arith.constant 0 : i32
      %dma_wait3A_194 = arith.constant 0 : i32
      %dma_wait3A_195 = tpu.memref_slice %arg2[%dma_wait3A_193, %dma_wait3A_194] : memref<50000x64xf32, #tpu.memory_space<hbm>> -> memref<50000x64xf32, #tpu.memory_space<hbm>>
      tpu.wait_indirect_dma semaphore(%arg20 : memref<!tpu.dma_semaphore, #tpu.memory_space<semaphore_mem>>) src(%dma_wait3A_195 : memref<50000x64xf32, #tpu.memory_space<hbm>>) dst(%arg12 : memref<128x64xf32, #tpu.memory_space<vmem>>)
      %scan3A_196 = arith.constant 0 : i32
      %scan3A_197 = arith.constant 0 : i32
      %scan3A_198 = arith.constant 8 : i32
      %scan3A_199 = arith.addi %scan3A_197, %scan3A_198 : i32
      %scan3A_200 = arith.constant 1 : i32
      %scan3A_201 = scf.for %scan3A_278 = %scan3A_197 to %scan3A_199 step %scan3A_200 iter_args(%scan3A_279 = %scan3A_196) -> (i32)  : i32 {
        %mul3A_280 = arith.constant 16 : i32
        %mul3A_281 = arith.muli %scan3A_278, %mul3A_280 : i32
        %broadcast_in_dim3A = arith.constant 0.000000e+00 : f32
        %broadcast_in_dim3A_282 = vector.broadcast %broadcast_in_dim3A : f32 to vector<16xf32>
        %scan3A_283 = arith.constant 0 : i32
        %scan3A_284 = arith.constant 4 : i32
        %scan3A_285 = arith.addi %scan3A_283, %scan3A_284 : i32
        %scan3A_286 = arith.constant 1 : i32
        %scan3A_287 = scf.for %scan3A_304 = %scan3A_283 to %scan3A_285 step %scan3A_286 iter_args(%scan3A_305 = %broadcast_in_dim3A_282) -> (vector<16xf32>)  : i32 {
          %mul3A_306 = arith.constant 4 : i32
          %mul3A_307 = arith.muli %scan3A_304, %mul3A_306 : i32
          %add3A_308 = arith.constant 0 : i32
          %add3A_309 = arith.addi %mul3A_307, %add3A_308 : i32
          %add3A_310 = arith.addi %mul3A_281, %add3A_309 : i32
          %get3A_311 = arith.index_cast %add3A_310 : i32 to index
          %get3A_312 = arith.constant 0 : index
          %get3A_313 = tpu.vector_load %arg11[%get3A_311, %get3A_312] {strides = array<i32>} : memref<128x64xf32, #tpu.memory_space<vmem>>, vector<16xf32>,
          %bitcast3A = vector.bitcast %get3A_313 : vector<16xf32> to vector<32xbf16>
          %add3A_314 = arith.addi %mul3A_281, %add3A_309 : i32
          %get3A_315 = arith.index_cast %add3A_314 : i32 to index
          %get3A_316 = arith.constant 0 : index
          %get3A_317 = tpu.vector_load %arg12[%get3A_315, %get3A_316] {strides = array<i32>} : memref<128x64xf32, #tpu.memory_space<vmem>>, vector<16xf32>,
          %bitcast3A_318 = vector.bitcast %get3A_317 : vector<16xf32> to vector<32xbf16>
          %mul3A_319 = arith.mulf %bitcast3A, %bitcast3A_318 : vector<32xbf16>
          %unpack3A = tpu.unpack_subelements %mul3A_319, 0 {pack_format = #tpu.pack_format<interleaved>} : vector<32xbf16> -> vector<16xf32>
          %unpack3A_320 = tpu.unpack_subelements %mul3A_319, 1 {pack_format = #tpu.pack_format<interleaved>} : vector<32xbf16> -> vector<16xf32>
          %mul3A_321 = arith.mulf %unpack3A, %get3A_19 : vector<16xf32>
          %mul3A_322 = arith.mulf %unpack3A_320, %get3A_21 : vector<16xf32>
          %add3A_323 = arith.addf %mul3A_321, %mul3A_322 : vector<16xf32>
          %add3A_324 = arith.addi %mul3A_281, %add3A_309 : i32
          %get3A_325 = arith.index_cast %add3A_324 : i32 to index
          %get3A_326 = arith.constant 16 : index
          %get3A_327 = tpu.vector_load %arg11[%get3A_325, %get3A_326] {strides = array<i32>} : memref<128x64xf32, #tpu.memory_space<vmem>>, vector<16xf32>,
          %bitcast3A_328 = vector.bitcast %get3A_327 : vector<16xf32> to vector<32xbf16>
          %add3A_329 = arith.addi %mul3A_281, %add3A_309 : i32
          %get3A_330 = arith.index_cast %add3A_329 : i32 to index
          %get3A_331 = arith.constant 16 : index
          %get3A_332 = tpu.vector_load %arg12[%get3A_330, %get3A_331] {strides = array<i32>} : memref<128x64xf32, #tpu.memory_space<vmem>>, vector<16xf32>,
          %bitcast3A_333 = vector.bitcast %get3A_332 : vector<16xf32> to vector<32xbf16>
          %mul3A_334 = arith.mulf %bitcast3A_328, %bitcast3A_333 : vector<32xbf16>
          %unpack3A_335 = tpu.unpack_subelements %mul3A_334, 0 {pack_format = #tpu.pack_format<interleaved>} : vector<32xbf16> -> vector<16xf32>
          %unpack3A_336 = tpu.unpack_subelements %mul3A_334, 1 {pack_format = #tpu.pack_format<interleaved>} : vector<32xbf16> -> vector<16xf32>
          %mul3A_337 = arith.mulf %unpack3A_335, %get3A_23 : vector<16xf32>
          %mul3A_338 = arith.mulf %unpack3A_336, %get3A_25 : vector<16xf32>
          %add3A_339 = arith.addf %mul3A_337, %mul3A_338 : vector<16xf32>
          %add3A_340 = arith.addf %add3A_323, %add3A_339 : vector<16xf32>
          %add3A_341 = arith.addi %mul3A_281, %add3A_309 : i32
          %get3A_342 = arith.index_cast %add3A_341 : i32 to index
          %get3A_343 = arith.constant 32 : index
          %get3A_344 = tpu.vector_load %arg11[%get3A_342, %get3A_343] {strides = array<i32>} : memref<128x64xf32, #tpu.memory_space<vmem>>, vector<16xf32>,
          %bitcast3A_345 = vector.bitcast %get3A_344 : vector<16xf32> to vector<32xbf16>
          %add3A_346 = arith.addi %mul3A_281, %add3A_309 : i32
          %get3A_347 = arith.index_cast %add3A_346 : i32 to index
          %get3A_348 = arith.constant 32 : index
          %get3A_349 = tpu.vector_load %arg12[%get3A_347, %get3A_348] {strides = array<i32>} : memref<128x64xf32, #tpu.memory_space<vmem>>, vector<16xf32>,
          %bitcast3A_350 = vector.bitcast %get3A_349 : vector<16xf32> to vector<32xbf16>
          %mul3A_351 = arith.mulf %bitcast3A_345, %bitcast3A_350 : vector<32xbf16>
          %unpack3A_352 = tpu.unpack_subelements %mul3A_351, 0 {pack_format = #tpu.pack_format<interleaved>} : vector<32xbf16> -> vector<16xf32>
          %unpack3A_353 = tpu.unpack_subelements %mul3A_351, 1 {pack_format = #tpu.pack_format<interleaved>} : vector<32xbf16> -> vector<16xf32>
          %mul3A_354 = arith.mulf %unpack3A_352, %get3A_27 : vector<16xf32>
          %mul3A_355 = arith.mulf %unpack3A_353, %get3A_29 : vector<16xf32>
          %add3A_356 = arith.addf %mul3A_354, %mul3A_355 : vector<16xf32>
          %add3A_357 = arith.addf %add3A_340, %add3A_356 : vector<16xf32>
          %add3A_358 = arith.addi %mul3A_281, %add3A_309 : i32
          %get3A_359 = arith.index_cast %add3A_358 : i32 to index
          %get3A_360 = arith.constant 48 : index
          %get3A_361 = tpu.vector_load %arg11[%get3A_359, %get3A_360] {strides = array<i32>} : memref<128x64xf32, #tpu.memory_space<vmem>>, vector<16xf32>,
          %bitcast3A_362 = vector.bitcast %get3A_361 : vector<16xf32> to vector<32xbf16>
          %add3A_363 = arith.addi %mul3A_281, %add3A_309 : i32
          %get3A_364 = arith.index_cast %add3A_363 : i32 to index
          %get3A_365 = arith.constant 48 : index
          %get3A_366 = tpu.vector_load %arg12[%get3A_364, %get3A_365] {strides = array<i32>} : memref<128x64xf32, #tpu.memory_space<vmem>>, vector<16xf32>,
          %bitcast3A_367 = vector.bitcast %get3A_366 : vector<16xf32> to vector<32xbf16>
          %mul3A_368 = arith.mulf %bitcast3A_362, %bitcast3A_367 : vector<32xbf16>
          %unpack3A_369 = tpu.unpack_subelements %mul3A_368, 0 {pack_format = #tpu.pack_format<interleaved>} : vector<32xbf16> -> vector<16xf32>
          %unpack3A_370 = tpu.unpack_subelements %mul3A_368, 1 {pack_format = #tpu.pack_format<interleaved>} : vector<32xbf16> -> vector<16xf32>
          %mul3A_371 = arith.mulf %unpack3A_369, %get3A_31 : vector<16xf32>
          %mul3A_372 = arith.mulf %unpack3A_370, %get3A_33 : vector<16xf32>
          %add3A_373 = arith.addf %mul3A_371, %mul3A_372 : vector<16xf32>
          %add3A_374 = arith.addf %add3A_357, %add3A_373 : vector<16xf32>
          %eq3A_375 = vector.broadcast %add3A_309 : i32 to vector<16xi32>
          %eq3A_376 = arith.cmpi eq, %iota3A, %eq3A_375 : vector<16xi32>
          %reduce_sum3A = arith.constant true
          %reduce_sum3A_377 = vector.broadcast %reduce_sum3A : i1 to vector<16xi1>
          %reduce_sum3A_378 = tpu.scan <sum>, %add3A_374 masked %reduce_sum3A_377 : vector<16xf32>, vector<16xi1> -> vector<16xf32>
          %reduce_sum3A_379 = vector.extract %reduce_sum3A_378[15] : f32 from vector<16xf32>
          %broadcast_in_dim3A_380 = vector.broadcast %reduce_sum3A_379 : f32 to vector<16xf32>
          %select_n3A_381 = arith.select %eq3A_376, %broadcast_in_dim3A_380, %scan3A_305 : vector<16xi1>, vector<16xf32>
          %mul3A_382 = arith.constant 4 : i32
          %mul3A_383 = arith.muli %scan3A_304, %mul3A_382 : i32
          %add3A_384 = arith.constant 1 : i32
          %add3A_385 = arith.addi %mul3A_383, %add3A_384 : i32
          %add3A_386 = arith.addi %mul3A_281, %add3A_385 : i32
          %get3A_387 = arith.index_cast %add3A_386 : i32 to index
          %get3A_388 = arith.constant 0 : index
          %get3A_389 = tpu.vector_load %arg11[%get3A_387, %get3A_388] {strides = array<i32>} : memref<128x64xf32, #tpu.memory_space<vmem>>, vector<16xf32>,
          %bitcast3A_390 = vector.bitcast %get3A_389 : vector<16xf32> to vector<32xbf16>
          %add3A_391 = arith.addi %mul3A_281, %add3A_385 : i32
          %get3A_392 = arith.index_cast %add3A_391 : i32 to index
          %get3A_393 = arith.constant 0 : index
          %get3A_394 = tpu.vector_load %arg12[%get3A_392, %get3A_393] {strides = array<i32>} : memref<128x64xf32, #tpu.memory_space<vmem>>, vector<16xf32>,
          %bitcast3A_395 = vector.bitcast %get3A_394 : vector<16xf32> to vector<32xbf16>
          %mul3A_396 = arith.mulf %bitcast3A_390, %bitcast3A_395 : vector<32xbf16>
          %unpack3A_397 = tpu.unpack_subelements %mul3A_396, 0 {pack_format = #tpu.pack_format<interleaved>} : vector<32xbf16> -> vector<16xf32>
          %unpack3A_398 = tpu.unpack_subelements %mul3A_396, 1 {pack_format = #tpu.pack_format<interleaved>} : vector<32xbf16> -> vector<16xf32>
          %mul3A_399 = arith.mulf %unpack3A_397, %get3A_19 : vector<16xf32>
          %mul3A_400 = arith.mulf %unpack3A_398, %get3A_21 : vector<16xf32>
          %add3A_401 = arith.addf %mul3A_399, %mul3A_400 : vector<16xf32>
          %add3A_402 = arith.addi %mul3A_281, %add3A_385 : i32
          %get3A_403 = arith.index_cast %add3A_402 : i32 to index
          %get3A_404 = arith.constant 16 : index
          %get3A_405 = tpu.vector_load %arg11[%get3A_403, %get3A_404] {strides = array<i32>} : memref<128x64xf32, #tpu.memory_space<vmem>>, vector<16xf32>,
          %bitcast3A_406 = vector.bitcast %get3A_405 : vector<16xf32> to vector<32xbf16>
          %add3A_407 = arith.addi %mul3A_281, %add3A_385 : i32
          %get3A_408 = arith.index_cast %add3A_407 : i32 to index
          %get3A_409 = arith.constant 16 : index
          %get3A_410 = tpu.vector_load %arg12[%get3A_408, %get3A_409] {strides = array<i32>} : memref<128x64xf32, #tpu.memory_space<vmem>>, vector<16xf32>,
          %bitcast3A_411 = vector.bitcast %get3A_410 : vector<16xf32> to vector<32xbf16>
          %mul3A_412 = arith.mulf %bitcast3A_406, %bitcast3A_411 : vector<32xbf16>
          %unpack3A_413 = tpu.unpack_subelements %mul3A_412, 0 {pack_format = #tpu.pack_format<interleaved>} : vector<32xbf16> -> vector<16xf32>
          %unpack3A_414 = tpu.unpack_subelements %mul3A_412, 1 {pack_format = #tpu.pack_format<interleaved>} : vector<32xbf16> -> vector<16xf32>
          %mul3A_415 = arith.mulf %unpack3A_413, %get3A_23 : vector<16xf32>
          %mul3A_416 = arith.mulf %unpack3A_414, %get3A_25 : vector<16xf32>
          %add3A_417 = arith.addf %mul3A_415, %mul3A_416 : vector<16xf32>
          %add3A_418 = arith.addf %add3A_401, %add3A_417 : vector<16xf32>
          %add3A_419 = arith.addi %mul3A_281, %add3A_385 : i32
          %get3A_420 = arith.index_cast %add3A_419 : i32 to index
          %get3A_421 = arith.constant 32 : index
          %get3A_422 = tpu.vector_load %arg11[%get3A_420, %get3A_421] {strides = array<i32>} : memref<128x64xf32, #tpu.memory_space<vmem>>, vector<16xf32>,
          %bitcast3A_423 = vector.bitcast %get3A_422 : vector<16xf32> to vector<32xbf16>
          %add3A_424 = arith.addi %mul3A_281, %add3A_385 : i32
          %get3A_425 = arith.index_cast %add3A_424 : i32 to index
          %get3A_426 = arith.constant 32 : index
          %get3A_427 = tpu.vector_load %arg12[%get3A_425, %get3A_426] {strides = array<i32>} : memref<128x64xf32, #tpu.memory_space<vmem>>, vector<16xf32>,
          %bitcast3A_428 = vector.bitcast %get3A_427 : vector<16xf32> to vector<32xbf16>
          %mul3A_429 = arith.mulf %bitcast3A_423, %bitcast3A_428 : vector<32xbf16>
          %unpack3A_430 = tpu.unpack_subelements %mul3A_429, 0 {pack_format = #tpu.pack_format<interleaved>} : vector<32xbf16> -> vector<16xf32>
          %unpack3A_431 = tpu.unpack_subelements %mul3A_429, 1 {pack_format = #tpu.pack_format<interleaved>} : vector<32xbf16> -> vector<16xf32>
          %mul3A_432 = arith.mulf %unpack3A_430, %get3A_27 : vector<16xf32>
          %mul3A_433 = arith.mulf %unpack3A_431, %get3A_29 : vector<16xf32>
          %add3A_434 = arith.addf %mul3A_432, %mul3A_433 : vector<16xf32>
          %add3A_435 = arith.addf %add3A_418, %add3A_434 : vector<16xf32>
          %add3A_436 = arith.addi %mul3A_281, %add3A_385 : i32
          %get3A_437 = arith.index_cast %add3A_436 : i32 to index
          %get3A_438 = arith.constant 48 : index
          %get3A_439 = tpu.vector_load %arg11[%get3A_437, %get3A_438] {strides = array<i32>} : memref<128x64xf32, #tpu.memory_space<vmem>>, vector<16xf32>,
          %bitcast3A_440 = vector.bitcast %get3A_439 : vector<16xf32> to vector<32xbf16>
          %add3A_441 = arith.addi %mul3A_281, %add3A_385 : i32
          %get3A_442 = arith.index_cast %add3A_441 : i32 to index
          %get3A_443 = arith.constant 48 : index
          %get3A_444 = tpu.vector_load %arg12[%get3A_442, %get3A_443] {strides = array<i32>} : memref<128x64xf32, #tpu.memory_space<vmem>>, vector<16xf32>,
          %bitcast3A_445 = vector.bitcast %get3A_444 : vector<16xf32> to vector<32xbf16>
          %mul3A_446 = arith.mulf %bitcast3A_440, %bitcast3A_445 : vector<32xbf16>
          %unpack3A_447 = tpu.unpack_subelements %mul3A_446, 0 {pack_format = #tpu.pack_format<interleaved>} : vector<32xbf16> -> vector<16xf32>
          %unpack3A_448 = tpu.unpack_subelements %mul3A_446, 1 {pack_format = #tpu.pack_format<interleaved>} : vector<32xbf16> -> vector<16xf32>
          %mul3A_449 = arith.mulf %unpack3A_447, %get3A_31 : vector<16xf32>
          %mul3A_450 = arith.mulf %unpack3A_448, %get3A_33 : vector<16xf32>
          %add3A_451 = arith.addf %mul3A_449, %mul3A_450 : vector<16xf32>
          %add3A_452 = arith.addf %add3A_435, %add3A_451 : vector<16xf32>
          %eq3A_453 = vector.broadcast %add3A_385 : i32 to vector<16xi32>
          %eq3A_454 = arith.cmpi eq, %iota3A, %eq3A_453 : vector<16xi32>
          %reduce_sum3A_455 = arith.constant true
          %reduce_sum3A_456 = vector.broadcast %reduce_sum3A_455 : i1 to vector<16xi1>
          %reduce_sum3A_457 = tpu.scan <sum>, %add3A_452 masked %reduce_sum3A_456 : vector<16xf32>, vector<16xi1> -> vector<16xf32>
          %reduce_sum3A_458 = vector.extract %reduce_sum3A_457[15] : f32 from vector<16xf32>
          %broadcast_in_dim3A_459 = vector.broadcast %reduce_sum3A_458 : f32 to vector<16xf32>
          %select_n3A_460 = arith.select %eq3A_454, %broadcast_in_dim3A_459, %select_n3A_381 : vector<16xi1>, vector<16xf32>
          %mul3A_461 = arith.constant 4 : i32
          %mul3A_462 = arith.muli %scan3A_304, %mul3A_461 : i32
          %add3A_463 = arith.constant 2 : i32
          %add3A_464 = arith.addi %mul3A_462, %add3A_463 : i32
          %add3A_465 = arith.addi %mul3A_281, %add3A_464 : i32
          %get3A_466 = arith.index_cast %add3A_465 : i32 to index
          %get3A_467 = arith.constant 0 : index
          %get3A_468 = tpu.vector_load %arg11[%get3A_466, %get3A_467] {strides = array<i32>} : memref<128x64xf32, #tpu.memory_space<vmem>>, vector<16xf32>,
          %bitcast3A_469 = vector.bitcast %get3A_468 : vector<16xf32> to vector<32xbf16>
          %add3A_470 = arith.addi %mul3A_281, %add3A_464 : i32
          %get3A_471 = arith.index_cast %add3A_470 : i32 to index
          %get3A_472 = arith.constant 0 : index
          %get3A_473 = tpu.vector_load %arg12[%get3A_471, %get3A_472] {strides = array<i32>} : memref<128x64xf32, #tpu.memory_space<vmem>>, vector<16xf32>,
          %bitcast3A_474 = vector.bitcast %get3A_473 : vector<16xf32> to vector<32xbf16>
          %mul3A_475 = arith.mulf %bitcast3A_469, %bitcast3A_474 : vector<32xbf16>
          %unpack3A_476 = tpu.unpack_subelements %mul3A_475, 0 {pack_format = #tpu.pack_format<interleaved>} : vector<32xbf16> -> vector<16xf32>
          %unpack3A_477 = tpu.unpack_subelements %mul3A_475, 1 {pack_format = #tpu.pack_format<interleaved>} : vector<32xbf16> -> vector<16xf32>
          %mul3A_478 = arith.mulf %unpack3A_476, %get3A_19 : vector<16xf32>
          %mul3A_479 = arith.mulf %unpack3A_477, %get3A_21 : vector<16xf32>
          %add3A_480 = arith.addf %mul3A_478, %mul3A_479 : vector<16xf32>
          %add3A_481 = arith.addi %mul3A_281, %add3A_464 : i32
          %get3A_482 = arith.index_cast %add3A_481 : i32 to index
          %get3A_483 = arith.constant 16 : index
          %get3A_484 = tpu.vector_load %arg11[%get3A_482, %get3A_483] {strides = array<i32>} : memref<128x64xf32, #tpu.memory_space<vmem>>, vector<16xf32>,
          %bitcast3A_485 = vector.bitcast %get3A_484 : vector<16xf32> to vector<32xbf16>
          %add3A_486 = arith.addi %mul3A_281, %add3A_464 : i32
          %get3A_487 = arith.index_cast %add3A_486 : i32 to index
          %get3A_488 = arith.constant 16 : index
          %get3A_489 = tpu.vector_load %arg12[%get3A_487, %get3A_488] {strides = array<i32>} : memref<128x64xf32, #tpu.memory_space<vmem>>, vector<16xf32>,
          %bitcast3A_490 = vector.bitcast %get3A_489 : vector<16xf32> to vector<32xbf16>
          %mul3A_491 = arith.mulf %bitcast3A_485, %bitcast3A_490 : vector<32xbf16>
          %unpack3A_492 = tpu.unpack_subelements %mul3A_491, 0 {pack_format = #tpu.pack_format<interleaved>} : vector<32xbf16> -> vector<16xf32>
          %unpack3A_493 = tpu.unpack_subelements %mul3A_491, 1 {pack_format = #tpu.pack_format<interleaved>} : vector<32xbf16> -> vector<16xf32>
          %mul3A_494 = arith.mulf %unpack3A_492, %get3A_23 : vector<16xf32>
          %mul3A_495 = arith.mulf %unpack3A_493, %get3A_25 : vector<16xf32>
          %add3A_496 = arith.addf %mul3A_494, %mul3A_495 : vector<16xf32>
          %add3A_497 = arith.addf %add3A_480, %add3A_496 : vector<16xf32>
          %add3A_498 = arith.addi %mul3A_281, %add3A_464 : i32
          %get3A_499 = arith.index_cast %add3A_498 : i32 to index
          %get3A_500 = arith.constant 32 : index
          %get3A_501 = tpu.vector_load %arg11[%get3A_499, %get3A_500] {strides = array<i32>} : memref<128x64xf32, #tpu.memory_space<vmem>>, vector<16xf32>,
          %bitcast3A_502 = vector.bitcast %get3A_501 : vector<16xf32> to vector<32xbf16>
          %add3A_503 = arith.addi %mul3A_281, %add3A_464 : i32
          %get3A_504 = arith.index_cast %add3A_503 : i32 to index
          %get3A_505 = arith.constant 32 : index
          %get3A_506 = tpu.vector_load %arg12[%get3A_504, %get3A_505] {strides = array<i32>} : memref<128x64xf32, #tpu.memory_space<vmem>>, vector<16xf32>,
          %bitcast3A_507 = vector.bitcast %get3A_506 : vector<16xf32> to vector<32xbf16>
          %mul3A_508 = arith.mulf %bitcast3A_502, %bitcast3A_507 : vector<32xbf16>
          %unpack3A_509 = tpu.unpack_subelements %mul3A_508, 0 {pack_format = #tpu.pack_format<interleaved>} : vector<32xbf16> -> vector<16xf32>
          %unpack3A_510 = tpu.unpack_subelements %mul3A_508, 1 {pack_format = #tpu.pack_format<interleaved>} : vector<32xbf16> -> vector<16xf32>
          %mul3A_511 = arith.mulf %unpack3A_509, %get3A_27 : vector<16xf32>
          %mul3A_512 = arith.mulf %unpack3A_510, %get3A_29 : vector<16xf32>
          %add3A_513 = arith.addf %mul3A_511, %mul3A_512 : vector<16xf32>
          %add3A_514 = arith.addf %add3A_497, %add3A_513 : vector<16xf32>
          %add3A_515 = arith.addi %mul3A_281, %add3A_464 : i32
          %get3A_516 = arith.index_cast %add3A_515 : i32 to index
          %get3A_517 = arith.constant 48 : index
          %get3A_518 = tpu.vector_load %arg11[%get3A_516, %get3A_517] {strides = array<i32>} : memref<128x64xf32, #tpu.memory_space<vmem>>, vector<16xf32>,
          %bitcast3A_519 = vector.bitcast %get3A_518 : vector<16xf32> to vector<32xbf16>
          %add3A_520 = arith.addi %mul3A_281, %add3A_464 : i32
          %get3A_521 = arith.index_cast %add3A_520 : i32 to index
          %get3A_522 = arith.constant 48 : index
          %get3A_523 = tpu.vector_load %arg12[%get3A_521, %get3A_522] {strides = array<i32>} : memref<128x64xf32, #tpu.memory_space<vmem>>, vector<16xf32>,
          %bitcast3A_524 = vector.bitcast %get3A_523 : vector<16xf32> to vector<32xbf16>
          %mul3A_525 = arith.mulf %bitcast3A_519, %bitcast3A_524 : vector<32xbf16>
          %unpack3A_526 = tpu.unpack_subelements %mul3A_525, 0 {pack_format = #tpu.pack_format<interleaved>} : vector<32xbf16> -> vector<16xf32>
          %unpack3A_527 = tpu.unpack_subelements %mul3A_525, 1 {pack_format = #tpu.pack_format<interleaved>} : vector<32xbf16> -> vector<16xf32>
          %mul3A_528 = arith.mulf %unpack3A_526, %get3A_31 : vector<16xf32>
          %mul3A_529 = arith.mulf %unpack3A_527, %get3A_33 : vector<16xf32>
          %add3A_530 = arith.addf %mul3A_528, %mul3A_529 : vector<16xf32>
          %add3A_531 = arith.addf %add3A_514, %add3A_530 : vector<16xf32>
          %eq3A_532 = vector.broadcast %add3A_464 : i32 to vector<16xi32>
          %eq3A_533 = arith.cmpi eq, %iota3A, %eq3A_532 : vector<16xi32>
          %reduce_sum3A_534 = arith.constant true
          %reduce_sum3A_535 = vector.broadcast %reduce_sum3A_534 : i1 to vector<16xi1>
          %reduce_sum3A_536 = tpu.scan <sum>, %add3A_531 masked %reduce_sum3A_535 : vector<16xf32>, vector<16xi1> -> vector<16xf32>
          %reduce_sum3A_537 = vector.extract %reduce_sum3A_536[15] : f32 from vector<16xf32>
          %broadcast_in_dim3A_538 = vector.broadcast %reduce_sum3A_537 : f32 to vector<16xf32>
          %select_n3A_539 = arith.select %eq3A_533, %broadcast_in_dim3A_538, %select_n3A_460 : vector<16xi1>, vector<16xf32>
          %mul3A_540 = arith.constant 4 : i32
          %mul3A_541 = arith.muli %scan3A_304, %mul3A_540 : i32
          %add3A_542 = arith.constant 3 : i32
          %add3A_543 = arith.addi %mul3A_541, %add3A_542 : i32
          %add3A_544 = arith.addi %mul3A_281, %add3A_543 : i32
          %get3A_545 = arith.index_cast %add3A_544 : i32 to index
          %get3A_546 = arith.constant 0 : index
          %get3A_547 = tpu.vector_load %arg11[%get3A_545, %get3A_546] {strides = array<i32>} : memref<128x64xf32, #tpu.memory_space<vmem>>, vector<16xf32>,
          %bitcast3A_548 = vector.bitcast %get3A_547 : vector<16xf32> to vector<32xbf16>
          %add3A_549 = arith.addi %mul3A_281, %add3A_543 : i32
          %get3A_550 = arith.index_cast %add3A_549 : i32 to index
          %get3A_551 = arith.constant 0 : index
          %get3A_552 = tpu.vector_load %arg12[%get3A_550, %get3A_551] {strides = array<i32>} : memref<128x64xf32, #tpu.memory_space<vmem>>, vector<16xf32>,
          %bitcast3A_553 = vector.bitcast %get3A_552 : vector<16xf32> to vector<32xbf16>
          %mul3A_554 = arith.mulf %bitcast3A_548, %bitcast3A_553 : vector<32xbf16>
          %unpack3A_555 = tpu.unpack_subelements %mul3A_554, 0 {pack_format = #tpu.pack_format<interleaved>} : vector<32xbf16> -> vector<16xf32>
          %unpack3A_556 = tpu.unpack_subelements %mul3A_554, 1 {pack_format = #tpu.pack_format<interleaved>} : vector<32xbf16> -> vector<16xf32>
          %mul3A_557 = arith.mulf %unpack3A_555, %get3A_19 : vector<16xf32>
          %mul3A_558 = arith.mulf %unpack3A_556, %get3A_21 : vector<16xf32>
          %add3A_559 = arith.addf %mul3A_557, %mul3A_558 : vector<16xf32>
          %add3A_560 = arith.addi %mul3A_281, %add3A_543 : i32
          %get3A_561 = arith.index_cast %add3A_560 : i32 to index
          %get3A_562 = arith.constant 16 : index
          %get3A_563 = tpu.vector_load %arg11[%get3A_561, %get3A_562] {strides = array<i32>} : memref<128x64xf32, #tpu.memory_space<vmem>>, vector<16xf32>,
          %bitcast3A_564 = vector.bitcast %get3A_563 : vector<16xf32> to vector<32xbf16>
          %add3A_565 = arith.addi %mul3A_281, %add3A_543 : i32
          %get3A_566 = arith.index_cast %add3A_565 : i32 to index
          %get3A_567 = arith.constant 16 : index
          %get3A_568 = tpu.vector_load %arg12[%get3A_566, %get3A_567] {strides = array<i32>} : memref<128x64xf32, #tpu.memory_space<vmem>>, vector<16xf32>,
          %bitcast3A_569 = vector.bitcast %get3A_568 : vector<16xf32> to vector<32xbf16>
          %mul3A_570 = arith.mulf %bitcast3A_564, %bitcast3A_569 : vector<32xbf16>
          %unpack3A_571 = tpu.unpack_subelements %mul3A_570, 0 {pack_format = #tpu.pack_format<interleaved>} : vector<32xbf16> -> vector<16xf32>
          %unpack3A_572 = tpu.unpack_subelements %mul3A_570, 1 {pack_format = #tpu.pack_format<interleaved>} : vector<32xbf16> -> vector<16xf32>
          %mul3A_573 = arith.mulf %unpack3A_571, %get3A_23 : vector<16xf32>
          %mul3A_574 = arith.mulf %unpack3A_572, %get3A_25 : vector<16xf32>
          %add3A_575 = arith.addf %mul3A_573, %mul3A_574 : vector<16xf32>
          %add3A_576 = arith.addf %add3A_559, %add3A_575 : vector<16xf32>
          %add3A_577 = arith.addi %mul3A_281, %add3A_543 : i32
          %get3A_578 = arith.index_cast %add3A_577 : i32 to index
          %get3A_579 = arith.constant 32 : index
          %get3A_580 = tpu.vector_load %arg11[%get3A_578, %get3A_579] {strides = array<i32>} : memref<128x64xf32, #tpu.memory_space<vmem>>, vector<16xf32>,
          %bitcast3A_581 = vector.bitcast %get3A_580 : vector<16xf32> to vector<32xbf16>
          %add3A_582 = arith.addi %mul3A_281, %add3A_543 : i32
          %get3A_583 = arith.index_cast %add3A_582 : i32 to index
          %get3A_584 = arith.constant 32 : index
          %get3A_585 = tpu.vector_load %arg12[%get3A_583, %get3A_584] {strides = array<i32>} : memref<128x64xf32, #tpu.memory_space<vmem>>, vector<16xf32>,
          %bitcast3A_586 = vector.bitcast %get3A_585 : vector<16xf32> to vector<32xbf16>
          %mul3A_587 = arith.mulf %bitcast3A_581, %bitcast3A_586 : vector<32xbf16>
          %unpack3A_588 = tpu.unpack_subelements %mul3A_587, 0 {pack_format = #tpu.pack_format<interleaved>} : vector<32xbf16> -> vector<16xf32>
          %unpack3A_589 = tpu.unpack_subelements %mul3A_587, 1 {pack_format = #tpu.pack_format<interleaved>} : vector<32xbf16> -> vector<16xf32>
          %mul3A_590 = arith.mulf %unpack3A_588, %get3A_27 : vector<16xf32>
          %mul3A_591 = arith.mulf %unpack3A_589, %get3A_29 : vector<16xf32>
          %add3A_592 = arith.addf %mul3A_590, %mul3A_591 : vector<16xf32>
          %add3A_593 = arith.addf %add3A_576, %add3A_592 : vector<16xf32>
          %add3A_594 = arith.addi %mul3A_281, %add3A_543 : i32
          %get3A_595 = arith.index_cast %add3A_594 : i32 to index
          %get3A_596 = arith.constant 48 : index
          %get3A_597 = tpu.vector_load %arg11[%get3A_595, %get3A_596] {strides = array<i32>} : memref<128x64xf32, #tpu.memory_space<vmem>>, vector<16xf32>,
          %bitcast3A_598 = vector.bitcast %get3A_597 : vector<16xf32> to vector<32xbf16>
          %add3A_599 = arith.addi %mul3A_281, %add3A_543 : i32
          %get3A_600 = arith.index_cast %add3A_599 : i32 to index
          %get3A_601 = arith.constant 48 : index
          %get3A_602 = tpu.vector_load %arg12[%get3A_600, %get3A_601] {strides = array<i32>} : memref<128x64xf32, #tpu.memory_space<vmem>>, vector<16xf32>,
          %bitcast3A_603 = vector.bitcast %get3A_602 : vector<16xf32> to vector<32xbf16>
          %mul3A_604 = arith.mulf %bitcast3A_598, %bitcast3A_603 : vector<32xbf16>
          %unpack3A_605 = tpu.unpack_subelements %mul3A_604, 0 {pack_format = #tpu.pack_format<interleaved>} : vector<32xbf16> -> vector<16xf32>
          %unpack3A_606 = tpu.unpack_subelements %mul3A_604, 1 {pack_format = #tpu.pack_format<interleaved>} : vector<32xbf16> -> vector<16xf32>
          %mul3A_607 = arith.mulf %unpack3A_605, %get3A_31 : vector<16xf32>
          %mul3A_608 = arith.mulf %unpack3A_606, %get3A_33 : vector<16xf32>
          %add3A_609 = arith.addf %mul3A_607, %mul3A_608 : vector<16xf32>
          %add3A_610 = arith.addf %add3A_593, %add3A_609 : vector<16xf32>
          %eq3A_611 = vector.broadcast %add3A_543 : i32 to vector<16xi32>
          %eq3A_612 = arith.cmpi eq, %iota3A, %eq3A_611 : vector<16xi32>
          %reduce_sum3A_613 = arith.constant true
          %reduce_sum3A_614 = vector.broadcast %reduce_sum3A_613 : i1 to vector<16xi1>
          %reduce_sum3A_615 = tpu.scan <sum>, %add3A_610 masked %reduce_sum3A_614 : vector<16xf32>, vector<16xi1> -> vector<16xf32>
          %reduce_sum3A_616 = vector.extract %reduce_sum3A_615[15] : f32 from vector<16xf32>
          %broadcast_in_dim3A_617 = vector.broadcast %reduce_sum3A_616 : f32 to vector<16xf32>
          %select_n3A_618 = arith.select %eq3A_612, %broadcast_in_dim3A_617, %select_n3A_539 : vector<16xi1>, vector<16xf32>
          scf.yield %select_n3A_618 : vector<16xf32>
        }
        %scan3A_288 = arith.constant 4 : i32
        %neg3A = arith.constant 0.000000e+00 : f32
        %neg3A_289 = vector.broadcast %neg3A : f32 to vector<16xf32>
        %neg3A_290 = arith.subf %neg3A_289, %scan3A_287 : vector<16xf32>
        %exp3A = math.exp %neg3A_290 : vector<16xf32>
        %add3A_291 = arith.constant 1.000000e+00 : f32
        %add3A_292 = vector.broadcast %add3A_291 : f32 to vector<16xf32>
        %add3A_293 = arith.addf %add3A_292, %exp3A : vector<16xf32>
        %div3A_294 = arith.constant 1.000000e+00 : f32
        %div3A_295 = vector.broadcast %div3A_294 : f32 to vector<16xf32>
        %div3A_296 = arith.divf %div3A_295, %add3A_293 : vector<16xf32>
        %mul3A_297 = arith.constant 128 : i32
        %mul3A_298 = arith.muli %add3A_167, %mul3A_297 : i32
        %mul3A_299 = arith.constant 16 : i32
        %mul3A_300 = arith.muli %scan3A_278, %mul3A_299 : i32
        %add3A_301 = arith.addi %mul3A_298, %mul3A_300 : i32
        %swap3A = arith.index_cast %add3A_301 : i32 to index
        %swap3A_302 = tpu.vector_load %arg18[%swap3A] {strides = array<i32>} : memref<18944xf32, #tpu.memory_space<vmem>>, vector<16xf32>,
        tpu.vector_store %arg18[%swap3A], %div3A_296 {strides = array<i32>} : memref<18944xf32, #tpu.memory_space<vmem>>, vector<16xf32>,
        %scan3A_303 = arith.constant 0 : i32
        scf.yield %scan3A_303 : i32
      }
      %scan3A_202 = arith.constant 8 : i32
      %add3A_203 = arith.constant 2 : i32
      %add3A_204 = arith.addi %mul3A_128, %add3A_203 : i32
      %add3A_205 = arith.constant 4 : i32
      %add3A_206 = arith.addi %add3A_204, %add3A_205 : i32
      %sub3A_207 = arith.constant 1 : i32
      %sub3A_208 = arith.subi %add3A_206, %sub3A_207 : i32
      %mul3A_209 = arith.constant 128 : i32
      %mul3A_210 = arith.muli %sub3A_208, %mul3A_209 : i32
      %dma_start3A_211 = tpu.memref_slice %arg7[%mul3A_210] : memref<19328xi32, #tpu.memory_space<vmem>> -> memref<128xi32, #tpu.memory_space<vmem>>
      %dma_start3A_212 = arith.constant 0 : i32
      %dma_start3A_213 = arith.constant 0 : i32
      %dma_start3A_214 = tpu.memref_slice %arg2[%dma_start3A_212, %dma_start3A_213] : memref<50000x64xf32, #tpu.memory_space<hbm>> -> memref<50000x64xf32, #tpu.memory_space<hbm>>
      tpu.enqueue_indirect_dma source(%dma_start3A_214 : memref<50000x64xf32, #tpu.memory_space<hbm>>) target(%arg11 : memref<128x64xf32, #tpu.memory_space<vmem>>) offsets(%dma_start3A_211 : memref<128xi32, #tpu.memory_space<vmem>>) semaphore(%arg20 : memref<!tpu.dma_semaphore, #tpu.memory_space<semaphore_mem>>)
      %mul3A_215 = arith.constant 128 : i32
      %mul3A_216 = arith.muli %sub3A_208, %mul3A_215 : i32
      %dma_start3A_217 = tpu.memref_slice %arg8[%mul3A_216] : memref<19328xi32, #tpu.memory_space<vmem>> -> memref<128xi32, #tpu.memory_space<vmem>>
      %dma_start3A_218 = arith.constant 0 : i32
      %dma_start3A_219 = arith.constant 0 : i32
      %dma_start3A_220 = tpu.memref_slice %arg2[%dma_start3A_218, %dma_start3A_219] : memref<50000x64xf32, #tpu.memory_space<hbm>> -> memref<50000x64xf32, #tpu.memory_space<hbm>>
      tpu.enqueue_indirect_dma source(%dma_start3A_220 : memref<50000x64xf32, #tpu.memory_space<hbm>>) target(%arg12 : memref<128x64xf32, #tpu.memory_space<vmem>>) offsets(%dma_start3A_217 : memref<128xi32, #tpu.memory_space<vmem>>) semaphore(%arg20 : memref<!tpu.dma_semaphore, #tpu.memory_space<semaphore_mem>>)
      %mul3A_221 = arith.constant 128 : i32
      %mul3A_222 = arith.muli %add3A_204, %mul3A_221 : i32
      %dma_wait3A_223 = tpu.memref_slice %arg7[%mul3A_222] : memref<19328xi32, #tpu.memory_space<vmem>> -> memref<128xi32, #tpu.memory_space<vmem>>
      %dma_wait3A_224 = arith.constant 0 : i32
      %dma_wait3A_225 = arith.constant 0 : i32
      %dma_wait3A_226 = tpu.memref_slice %arg2[%dma_wait3A_224, %dma_wait3A_225] : memref<50000x64xf32, #tpu.memory_space<hbm>> -> memref<50000x64xf32, #tpu.memory_space<hbm>>
      tpu.wait_indirect_dma semaphore(%arg21 : memref<!tpu.dma_semaphore, #tpu.memory_space<semaphore_mem>>) src(%dma_wait3A_226 : memref<50000x64xf32, #tpu.memory_space<hbm>>) dst(%arg13 : memref<128x64xf32, #tpu.memory_space<vmem>>)
      %mul3A_227 = arith.constant 128 : i32
      %mul3A_228 = arith.muli %add3A_204, %mul3A_227 : i32
      %dma_wait3A_229 = tpu.memref_slice %arg8[%mul3A_228] : memref<19328xi32, #tpu.memory_space<vmem>> -> memref<128xi32, #tpu.memory_space<vmem>>
      %dma_wait3A_230 = arith.constant 0 : i32
      %dma_wait3A_231 = arith.constant 0 : i32
      %dma_wait3A_232 = tpu.memref_slice %arg2[%dma_wait3A_230, %dma_wait3A_231] : memref<50000x64xf32, #tpu.memory_space<hbm>> -> memref<50000x64xf32, #tpu.memory_space<hbm>>
      tpu.wait_indirect_dma semaphore(%arg21 : memref<!tpu.dma_semaphore, #tpu.memory_space<semaphore_mem>>) src(%dma_wait3A_232 : memref<50000x64xf32, #tpu.memory_space<hbm>>) dst(%arg14 : memref<128x64xf32, #tpu.memory_space<vmem>>)
      %scan3A_233 = arith.constant 0 : i32
      %scan3A_234 = arith.constant 0 : i32
      %scan3A_235 = arith.constant 8 : i32
      %scan3A_236 = arith.addi %scan3A_234, %scan3A_235 : i32
      %scan3A_237 = arith.constant 1 : i32
      %scan3A_238 = scf.for %scan3A_278 = %scan3A_234 to %scan3A_236 step %scan3A_237 iter_args(%scan3A_279 = %scan3A_233) -> (i32)  : i32 {
        %mul3A_280 = arith.constant 16 : i32
        %mul3A_281 = arith.muli %scan3A_278, %mul3A_280 : i32
        %broadcast_in_dim3A = arith.constant 0.000000e+00 : f32
        %broadcast_in_dim3A_282 = vector.broadcast %broadcast_in_dim3A : f32 to vector<16xf32>
        %scan3A_283 = arith.constant 0 : i32
        %scan3A_284 = arith.constant 4 : i32
        %scan3A_285 = arith.addi %scan3A_283, %scan3A_284 : i32
        %scan3A_286 = arith.constant 1 : i32
        %scan3A_287 = scf.for %scan3A_304 = %scan3A_283 to %scan3A_285 step %scan3A_286 iter_args(%scan3A_305 = %broadcast_in_dim3A_282) -> (vector<16xf32>)  : i32 {
          %mul3A_306 = arith.constant 4 : i32
          %mul3A_307 = arith.muli %scan3A_304, %mul3A_306 : i32
          %add3A_308 = arith.constant 0 : i32
          %add3A_309 = arith.addi %mul3A_307, %add3A_308 : i32
          %add3A_310 = arith.addi %mul3A_281, %add3A_309 : i32
          %get3A_311 = arith.index_cast %add3A_310 : i32 to index
          %get3A_312 = arith.constant 0 : index
          %get3A_313 = tpu.vector_load %arg13[%get3A_311, %get3A_312] {strides = array<i32>} : memref<128x64xf32, #tpu.memory_space<vmem>>, vector<16xf32>,
          %bitcast3A = vector.bitcast %get3A_313 : vector<16xf32> to vector<32xbf16>
          %add3A_314 = arith.addi %mul3A_281, %add3A_309 : i32
          %get3A_315 = arith.index_cast %add3A_314 : i32 to index
          %get3A_316 = arith.constant 0 : index
          %get3A_317 = tpu.vector_load %arg14[%get3A_315, %get3A_316] {strides = array<i32>} : memref<128x64xf32, #tpu.memory_space<vmem>>, vector<16xf32>,
          %bitcast3A_318 = vector.bitcast %get3A_317 : vector<16xf32> to vector<32xbf16>
          %mul3A_319 = arith.mulf %bitcast3A, %bitcast3A_318 : vector<32xbf16>
          %unpack3A = tpu.unpack_subelements %mul3A_319, 0 {pack_format = #tpu.pack_format<interleaved>} : vector<32xbf16> -> vector<16xf32>
          %unpack3A_320 = tpu.unpack_subelements %mul3A_319, 1 {pack_format = #tpu.pack_format<interleaved>} : vector<32xbf16> -> vector<16xf32>
          %mul3A_321 = arith.mulf %unpack3A, %get3A_19 : vector<16xf32>
          %mul3A_322 = arith.mulf %unpack3A_320, %get3A_21 : vector<16xf32>
          %add3A_323 = arith.addf %mul3A_321, %mul3A_322 : vector<16xf32>
          %add3A_324 = arith.addi %mul3A_281, %add3A_309 : i32
          %get3A_325 = arith.index_cast %add3A_324 : i32 to index
          %get3A_326 = arith.constant 16 : index
          %get3A_327 = tpu.vector_load %arg13[%get3A_325, %get3A_326] {strides = array<i32>} : memref<128x64xf32, #tpu.memory_space<vmem>>, vector<16xf32>,
          %bitcast3A_328 = vector.bitcast %get3A_327 : vector<16xf32> to vector<32xbf16>
          %add3A_329 = arith.addi %mul3A_281, %add3A_309 : i32
          %get3A_330 = arith.index_cast %add3A_329 : i32 to index
          %get3A_331 = arith.constant 16 : index
          %get3A_332 = tpu.vector_load %arg14[%get3A_330, %get3A_331] {strides = array<i32>} : memref<128x64xf32, #tpu.memory_space<vmem>>, vector<16xf32>,
          %bitcast3A_333 = vector.bitcast %get3A_332 : vector<16xf32> to vector<32xbf16>
          %mul3A_334 = arith.mulf %bitcast3A_328, %bitcast3A_333 : vector<32xbf16>
          %unpack3A_335 = tpu.unpack_subelements %mul3A_334, 0 {pack_format = #tpu.pack_format<interleaved>} : vector<32xbf16> -> vector<16xf32>
          %unpack3A_336 = tpu.unpack_subelements %mul3A_334, 1 {pack_format = #tpu.pack_format<interleaved>} : vector<32xbf16> -> vector<16xf32>
          %mul3A_337 = arith.mulf %unpack3A_335, %get3A_23 : vector<16xf32>
          %mul3A_338 = arith.mulf %unpack3A_336, %get3A_25 : vector<16xf32>
          %add3A_339 = arith.addf %mul3A_337, %mul3A_338 : vector<16xf32>
          %add3A_340 = arith.addf %add3A_323, %add3A_339 : vector<16xf32>
          %add3A_341 = arith.addi %mul3A_281, %add3A_309 : i32
          %get3A_342 = arith.index_cast %add3A_341 : i32 to index
          %get3A_343 = arith.constant 32 : index
          %get3A_344 = tpu.vector_load %arg13[%get3A_342, %get3A_343] {strides = array<i32>} : memref<128x64xf32, #tpu.memory_space<vmem>>, vector<16xf32>,
          %bitcast3A_345 = vector.bitcast %get3A_344 : vector<16xf32> to vector<32xbf16>
          %add3A_346 = arith.addi %mul3A_281, %add3A_309 : i32
          %get3A_347 = arith.index_cast %add3A_346 : i32 to index
          %get3A_348 = arith.constant 32 : index
          %get3A_349 = tpu.vector_load %arg14[%get3A_347, %get3A_348] {strides = array<i32>} : memref<128x64xf32, #tpu.memory_space<vmem>>, vector<16xf32>,
          %bitcast3A_350 = vector.bitcast %get3A_349 : vector<16xf32> to vector<32xbf16>
          %mul3A_351 = arith.mulf %bitcast3A_345, %bitcast3A_350 : vector<32xbf16>
          %unpack3A_352 = tpu.unpack_subelements %mul3A_351, 0 {pack_format = #tpu.pack_format<interleaved>} : vector<32xbf16> -> vector<16xf32>
          %unpack3A_353 = tpu.unpack_subelements %mul3A_351, 1 {pack_format = #tpu.pack_format<interleaved>} : vector<32xbf16> -> vector<16xf32>
          %mul3A_354 = arith.mulf %unpack3A_352, %get3A_27 : vector<16xf32>
          %mul3A_355 = arith.mulf %unpack3A_353, %get3A_29 : vector<16xf32>
          %add3A_356 = arith.addf %mul3A_354, %mul3A_355 : vector<16xf32>
          %add3A_357 = arith.addf %add3A_340, %add3A_356 : vector<16xf32>
          %add3A_358 = arith.addi %mul3A_281, %add3A_309 : i32
          %get3A_359 = arith.index_cast %add3A_358 : i32 to index
          %get3A_360 = arith.constant 48 : index
          %get3A_361 = tpu.vector_load %arg13[%get3A_359, %get3A_360] {strides = array<i32>} : memref<128x64xf32, #tpu.memory_space<vmem>>, vector<16xf32>,
          %bitcast3A_362 = vector.bitcast %get3A_361 : vector<16xf32> to vector<32xbf16>
          %add3A_363 = arith.addi %mul3A_281, %add3A_309 : i32
          %get3A_364 = arith.index_cast %add3A_363 : i32 to index
          %get3A_365 = arith.constant 48 : index
          %get3A_366 = tpu.vector_load %arg14[%get3A_364, %get3A_365] {strides = array<i32>} : memref<128x64xf32, #tpu.memory_space<vmem>>, vector<16xf32>,
          %bitcast3A_367 = vector.bitcast %get3A_366 : vector<16xf32> to vector<32xbf16>
          %mul3A_368 = arith.mulf %bitcast3A_362, %bitcast3A_367 : vector<32xbf16>
          %unpack3A_369 = tpu.unpack_subelements %mul3A_368, 0 {pack_format = #tpu.pack_format<interleaved>} : vector<32xbf16> -> vector<16xf32>
          %unpack3A_370 = tpu.unpack_subelements %mul3A_368, 1 {pack_format = #tpu.pack_format<interleaved>} : vector<32xbf16> -> vector<16xf32>
          %mul3A_371 = arith.mulf %unpack3A_369, %get3A_31 : vector<16xf32>
          %mul3A_372 = arith.mulf %unpack3A_370, %get3A_33 : vector<16xf32>
          %add3A_373 = arith.addf %mul3A_371, %mul3A_372 : vector<16xf32>
          %add3A_374 = arith.addf %add3A_357, %add3A_373 : vector<16xf32>
          %eq3A_375 = vector.broadcast %add3A_309 : i32 to vector<16xi32>
          %eq3A_376 = arith.cmpi eq, %iota3A, %eq3A_375 : vector<16xi32>
          %reduce_sum3A = arith.constant true
          %reduce_sum3A_377 = vector.broadcast %reduce_sum3A : i1 to vector<16xi1>
          %reduce_sum3A_378 = tpu.scan <sum>, %add3A_374 masked %reduce_sum3A_377 : vector<16xf32>, vector<16xi1> -> vector<16xf32>
          %reduce_sum3A_379 = vector.extract %reduce_sum3A_378[15] : f32 from vector<16xf32>
          %broadcast_in_dim3A_380 = vector.broadcast %reduce_sum3A_379 : f32 to vector<16xf32>
          %select_n3A_381 = arith.select %eq3A_376, %broadcast_in_dim3A_380, %scan3A_305 : vector<16xi1>, vector<16xf32>
          %mul3A_382 = arith.constant 4 : i32
          %mul3A_383 = arith.muli %scan3A_304, %mul3A_382 : i32
          %add3A_384 = arith.constant 1 : i32
          %add3A_385 = arith.addi %mul3A_383, %add3A_384 : i32
          %add3A_386 = arith.addi %mul3A_281, %add3A_385 : i32
          %get3A_387 = arith.index_cast %add3A_386 : i32 to index
          %get3A_388 = arith.constant 0 : index
          %get3A_389 = tpu.vector_load %arg13[%get3A_387, %get3A_388] {strides = array<i32>} : memref<128x64xf32, #tpu.memory_space<vmem>>, vector<16xf32>,
          %bitcast3A_390 = vector.bitcast %get3A_389 : vector<16xf32> to vector<32xbf16>
          %add3A_391 = arith.addi %mul3A_281, %add3A_385 : i32
          %get3A_392 = arith.index_cast %add3A_391 : i32 to index
          %get3A_393 = arith.constant 0 : index
          %get3A_394 = tpu.vector_load %arg14[%get3A_392, %get3A_393] {strides = array<i32>} : memref<128x64xf32, #tpu.memory_space<vmem>>, vector<16xf32>,
          %bitcast3A_395 = vector.bitcast %get3A_394 : vector<16xf32> to vector<32xbf16>
          %mul3A_396 = arith.mulf %bitcast3A_390, %bitcast3A_395 : vector<32xbf16>
          %unpack3A_397 = tpu.unpack_subelements %mul3A_396, 0 {pack_format = #tpu.pack_format<interleaved>} : vector<32xbf16> -> vector<16xf32>
          %unpack3A_398 = tpu.unpack_subelements %mul3A_396, 1 {pack_format = #tpu.pack_format<interleaved>} : vector<32xbf16> -> vector<16xf32>
          %mul3A_399 = arith.mulf %unpack3A_397, %get3A_19 : vector<16xf32>
          %mul3A_400 = arith.mulf %unpack3A_398, %get3A_21 : vector<16xf32>
          %add3A_401 = arith.addf %mul3A_399, %mul3A_400 : vector<16xf32>
          %add3A_402 = arith.addi %mul3A_281, %add3A_385 : i32
          %get3A_403 = arith.index_cast %add3A_402 : i32 to index
          %get3A_404 = arith.constant 16 : index
          %get3A_405 = tpu.vector_load %arg13[%get3A_403, %get3A_404] {strides = array<i32>} : memref<128x64xf32, #tpu.memory_space<vmem>>, vector<16xf32>,
          %bitcast3A_406 = vector.bitcast %get3A_405 : vector<16xf32> to vector<32xbf16>
          %add3A_407 = arith.addi %mul3A_281, %add3A_385 : i32
          %get3A_408 = arith.index_cast %add3A_407 : i32 to index
          %get3A_409 = arith.constant 16 : index
          %get3A_410 = tpu.vector_load %arg14[%get3A_408, %get3A_409] {strides = array<i32>} : memref<128x64xf32, #tpu.memory_space<vmem>>, vector<16xf32>,
          %bitcast3A_411 = vector.bitcast %get3A_410 : vector<16xf32> to vector<32xbf16>
          %mul3A_412 = arith.mulf %bitcast3A_406, %bitcast3A_411 : vector<32xbf16>
          %unpack3A_413 = tpu.unpack_subelements %mul3A_412, 0 {pack_format = #tpu.pack_format<interleaved>} : vector<32xbf16> -> vector<16xf32>
          %unpack3A_414 = tpu.unpack_subelements %mul3A_412, 1 {pack_format = #tpu.pack_format<interleaved>} : vector<32xbf16> -> vector<16xf32>
          %mul3A_415 = arith.mulf %unpack3A_413, %get3A_23 : vector<16xf32>
          %mul3A_416 = arith.mulf %unpack3A_414, %get3A_25 : vector<16xf32>
          %add3A_417 = arith.addf %mul3A_415, %mul3A_416 : vector<16xf32>
          %add3A_418 = arith.addf %add3A_401, %add3A_417 : vector<16xf32>
          %add3A_419 = arith.addi %mul3A_281, %add3A_385 : i32
          %get3A_420 = arith.index_cast %add3A_419 : i32 to index
          %get3A_421 = arith.constant 32 : index
          %get3A_422 = tpu.vector_load %arg13[%get3A_420, %get3A_421] {strides = array<i32>} : memref<128x64xf32, #tpu.memory_space<vmem>>, vector<16xf32>,
          %bitcast3A_423 = vector.bitcast %get3A_422 : vector<16xf32> to vector<32xbf16>
          %add3A_424 = arith.addi %mul3A_281, %add3A_385 : i32
          %get3A_425 = arith.index_cast %add3A_424 : i32 to index
          %get3A_426 = arith.constant 32 : index
          %get3A_427 = tpu.vector_load %arg14[%get3A_425, %get3A_426] {strides = array<i32>} : memref<128x64xf32, #tpu.memory_space<vmem>>, vector<16xf32>,
          %bitcast3A_428 = vector.bitcast %get3A_427 : vector<16xf32> to vector<32xbf16>
          %mul3A_429 = arith.mulf %bitcast3A_423, %bitcast3A_428 : vector<32xbf16>
          %unpack3A_430 = tpu.unpack_subelements %mul3A_429, 0 {pack_format = #tpu.pack_format<interleaved>} : vector<32xbf16> -> vector<16xf32>
          %unpack3A_431 = tpu.unpack_subelements %mul3A_429, 1 {pack_format = #tpu.pack_format<interleaved>} : vector<32xbf16> -> vector<16xf32>
          %mul3A_432 = arith.mulf %unpack3A_430, %get3A_27 : vector<16xf32>
          %mul3A_433 = arith.mulf %unpack3A_431, %get3A_29 : vector<16xf32>
          %add3A_434 = arith.addf %mul3A_432, %mul3A_433 : vector<16xf32>
          %add3A_435 = arith.addf %add3A_418, %add3A_434 : vector<16xf32>
          %add3A_436 = arith.addi %mul3A_281, %add3A_385 : i32
          %get3A_437 = arith.index_cast %add3A_436 : i32 to index
          %get3A_438 = arith.constant 48 : index
          %get3A_439 = tpu.vector_load %arg13[%get3A_437, %get3A_438] {strides = array<i32>} : memref<128x64xf32, #tpu.memory_space<vmem>>, vector<16xf32>,
          %bitcast3A_440 = vector.bitcast %get3A_439 : vector<16xf32> to vector<32xbf16>
          %add3A_441 = arith.addi %mul3A_281, %add3A_385 : i32
          %get3A_442 = arith.index_cast %add3A_441 : i32 to index
          %get3A_443 = arith.constant 48 : index
          %get3A_444 = tpu.vector_load %arg14[%get3A_442, %get3A_443] {strides = array<i32>} : memref<128x64xf32, #tpu.memory_space<vmem>>, vector<16xf32>,
          %bitcast3A_445 = vector.bitcast %get3A_444 : vector<16xf32> to vector<32xbf16>
          %mul3A_446 = arith.mulf %bitcast3A_440, %bitcast3A_445 : vector<32xbf16>
          %unpack3A_447 = tpu.unpack_subelements %mul3A_446, 0 {pack_format = #tpu.pack_format<interleaved>} : vector<32xbf16> -> vector<16xf32>
          %unpack3A_448 = tpu.unpack_subelements %mul3A_446, 1 {pack_format = #tpu.pack_format<interleaved>} : vector<32xbf16> -> vector<16xf32>
          %mul3A_449 = arith.mulf %unpack3A_447, %get3A_31 : vector<16xf32>
          %mul3A_450 = arith.mulf %unpack3A_448, %get3A_33 : vector<16xf32>
          %add3A_451 = arith.addf %mul3A_449, %mul3A_450 : vector<16xf32>
          %add3A_452 = arith.addf %add3A_435, %add3A_451 : vector<16xf32>
          %eq3A_453 = vector.broadcast %add3A_385 : i32 to vector<16xi32>
          %eq3A_454 = arith.cmpi eq, %iota3A, %eq3A_453 : vector<16xi32>
          %reduce_sum3A_455 = arith.constant true
          %reduce_sum3A_456 = vector.broadcast %reduce_sum3A_455 : i1 to vector<16xi1>
          %reduce_sum3A_457 = tpu.scan <sum>, %add3A_452 masked %reduce_sum3A_456 : vector<16xf32>, vector<16xi1> -> vector<16xf32>
          %reduce_sum3A_458 = vector.extract %reduce_sum3A_457[15] : f32 from vector<16xf32>
          %broadcast_in_dim3A_459 = vector.broadcast %reduce_sum3A_458 : f32 to vector<16xf32>
          %select_n3A_460 = arith.select %eq3A_454, %broadcast_in_dim3A_459, %select_n3A_381 : vector<16xi1>, vector<16xf32>
          %mul3A_461 = arith.constant 4 : i32
          %mul3A_462 = arith.muli %scan3A_304, %mul3A_461 : i32
          %add3A_463 = arith.constant 2 : i32
          %add3A_464 = arith.addi %mul3A_462, %add3A_463 : i32
          %add3A_465 = arith.addi %mul3A_281, %add3A_464 : i32
          %get3A_466 = arith.index_cast %add3A_465 : i32 to index
          %get3A_467 = arith.constant 0 : index
          %get3A_468 = tpu.vector_load %arg13[%get3A_466, %get3A_467] {strides = array<i32>} : memref<128x64xf32, #tpu.memory_space<vmem>>, vector<16xf32>,
          %bitcast3A_469 = vector.bitcast %get3A_468 : vector<16xf32> to vector<32xbf16>
          %add3A_470 = arith.addi %mul3A_281, %add3A_464 : i32
          %get3A_471 = arith.index_cast %add3A_470 : i32 to index
          %get3A_472 = arith.constant 0 : index
          %get3A_473 = tpu.vector_load %arg14[%get3A_471, %get3A_472] {strides = array<i32>} : memref<128x64xf32, #tpu.memory_space<vmem>>, vector<16xf32>,
          %bitcast3A_474 = vector.bitcast %get3A_473 : vector<16xf32> to vector<32xbf16>
          %mul3A_475 = arith.mulf %bitcast3A_469, %bitcast3A_474 : vector<32xbf16>
          %unpack3A_476 = tpu.unpack_subelements %mul3A_475, 0 {pack_format = #tpu.pack_format<interleaved>} : vector<32xbf16> -> vector<16xf32>
          %unpack3A_477 = tpu.unpack_subelements %mul3A_475, 1 {pack_format = #tpu.pack_format<interleaved>} : vector<32xbf16> -> vector<16xf32>
          %mul3A_478 = arith.mulf %unpack3A_476, %get3A_19 : vector<16xf32>
          %mul3A_479 = arith.mulf %unpack3A_477, %get3A_21 : vector<16xf32>
          %add3A_480 = arith.addf %mul3A_478, %mul3A_479 : vector<16xf32>
          %add3A_481 = arith.addi %mul3A_281, %add3A_464 : i32
          %get3A_482 = arith.index_cast %add3A_481 : i32 to index
          %get3A_483 = arith.constant 16 : index
          %get3A_484 = tpu.vector_load %arg13[%get3A_482, %get3A_483] {strides = array<i32>} : memref<128x64xf32, #tpu.memory_space<vmem>>, vector<16xf32>,
          %bitcast3A_485 = vector.bitcast %get3A_484 : vector<16xf32> to vector<32xbf16>
          %add3A_486 = arith.addi %mul3A_281, %add3A_464 : i32
          %get3A_487 = arith.index_cast %add3A_486 : i32 to index
          %get3A_488 = arith.constant 16 : index
          %get3A_489 = tpu.vector_load %arg14[%get3A_487, %get3A_488] {strides = array<i32>} : memref<128x64xf32, #tpu.memory_space<vmem>>, vector<16xf32>,
          %bitcast3A_490 = vector.bitcast %get3A_489 : vector<16xf32> to vector<32xbf16>
          %mul3A_491 = arith.mulf %bitcast3A_485, %bitcast3A_490 : vector<32xbf16>
          %unpack3A_492 = tpu.unpack_subelements %mul3A_491, 0 {pack_format = #tpu.pack_format<interleaved>} : vector<32xbf16> -> vector<16xf32>
          %unpack3A_493 = tpu.unpack_subelements %mul3A_491, 1 {pack_format = #tpu.pack_format<interleaved>} : vector<32xbf16> -> vector<16xf32>
          %mul3A_494 = arith.mulf %unpack3A_492, %get3A_23 : vector<16xf32>
          %mul3A_495 = arith.mulf %unpack3A_493, %get3A_25 : vector<16xf32>
          %add3A_496 = arith.addf %mul3A_494, %mul3A_495 : vector<16xf32>
          %add3A_497 = arith.addf %add3A_480, %add3A_496 : vector<16xf32>
          %add3A_498 = arith.addi %mul3A_281, %add3A_464 : i32
          %get3A_499 = arith.index_cast %add3A_498 : i32 to index
          %get3A_500 = arith.constant 32 : index
          %get3A_501 = tpu.vector_load %arg13[%get3A_499, %get3A_500] {strides = array<i32>} : memref<128x64xf32, #tpu.memory_space<vmem>>, vector<16xf32>,
          %bitcast3A_502 = vector.bitcast %get3A_501 : vector<16xf32> to vector<32xbf16>
          %add3A_503 = arith.addi %mul3A_281, %add3A_464 : i32
          %get3A_504 = arith.index_cast %add3A_503 : i32 to index
          %get3A_505 = arith.constant 32 : index
          %get3A_506 = tpu.vector_load %arg14[%get3A_504, %get3A_505] {strides = array<i32>} : memref<128x64xf32, #tpu.memory_space<vmem>>, vector<16xf32>,
          %bitcast3A_507 = vector.bitcast %get3A_506 : vector<16xf32> to vector<32xbf16>
          %mul3A_508 = arith.mulf %bitcast3A_502, %bitcast3A_507 : vector<32xbf16>
          %unpack3A_509 = tpu.unpack_subelements %mul3A_508, 0 {pack_format = #tpu.pack_format<interleaved>} : vector<32xbf16> -> vector<16xf32>
          %unpack3A_510 = tpu.unpack_subelements %mul3A_508, 1 {pack_format = #tpu.pack_format<interleaved>} : vector<32xbf16> -> vector<16xf32>
          %mul3A_511 = arith.mulf %unpack3A_509, %get3A_27 : vector<16xf32>
          %mul3A_512 = arith.mulf %unpack3A_510, %get3A_29 : vector<16xf32>
          %add3A_513 = arith.addf %mul3A_511, %mul3A_512 : vector<16xf32>
          %add3A_514 = arith.addf %add3A_497, %add3A_513 : vector<16xf32>
          %add3A_515 = arith.addi %mul3A_281, %add3A_464 : i32
          %get3A_516 = arith.index_cast %add3A_515 : i32 to index
          %get3A_517 = arith.constant 48 : index
          %get3A_518 = tpu.vector_load %arg13[%get3A_516, %get3A_517] {strides = array<i32>} : memref<128x64xf32, #tpu.memory_space<vmem>>, vector<16xf32>,
          %bitcast3A_519 = vector.bitcast %get3A_518 : vector<16xf32> to vector<32xbf16>
          %add3A_520 = arith.addi %mul3A_281, %add3A_464 : i32
          %get3A_521 = arith.index_cast %add3A_520 : i32 to index
          %get3A_522 = arith.constant 48 : index
          %get3A_523 = tpu.vector_load %arg14[%get3A_521, %get3A_522] {strides = array<i32>} : memref<128x64xf32, #tpu.memory_space<vmem>>, vector<16xf32>,
          %bitcast3A_524 = vector.bitcast %get3A_523 : vector<16xf32> to vector<32xbf16>
          %mul3A_525 = arith.mulf %bitcast3A_519, %bitcast3A_524 : vector<32xbf16>
          %unpack3A_526 = tpu.unpack_subelements %mul3A_525, 0 {pack_format = #tpu.pack_format<interleaved>} : vector<32xbf16> -> vector<16xf32>
          %unpack3A_527 = tpu.unpack_subelements %mul3A_525, 1 {pack_format = #tpu.pack_format<interleaved>} : vector<32xbf16> -> vector<16xf32>
          %mul3A_528 = arith.mulf %unpack3A_526, %get3A_31 : vector<16xf32>
          %mul3A_529 = arith.mulf %unpack3A_527, %get3A_33 : vector<16xf32>
          %add3A_530 = arith.addf %mul3A_528, %mul3A_529 : vector<16xf32>
          %add3A_531 = arith.addf %add3A_514, %add3A_530 : vector<16xf32>
          %eq3A_532 = vector.broadcast %add3A_464 : i32 to vector<16xi32>
          %eq3A_533 = arith.cmpi eq, %iota3A, %eq3A_532 : vector<16xi32>
          %reduce_sum3A_534 = arith.constant true
          %reduce_sum3A_535 = vector.broadcast %reduce_sum3A_534 : i1 to vector<16xi1>
          %reduce_sum3A_536 = tpu.scan <sum>, %add3A_531 masked %reduce_sum3A_535 : vector<16xf32>, vector<16xi1> -> vector<16xf32>
          %reduce_sum3A_537 = vector.extract %reduce_sum3A_536[15] : f32 from vector<16xf32>
          %broadcast_in_dim3A_538 = vector.broadcast %reduce_sum3A_537 : f32 to vector<16xf32>
          %select_n3A_539 = arith.select %eq3A_533, %broadcast_in_dim3A_538, %select_n3A_460 : vector<16xi1>, vector<16xf32>
          %mul3A_540 = arith.constant 4 : i32
          %mul3A_541 = arith.muli %scan3A_304, %mul3A_540 : i32
          %add3A_542 = arith.constant 3 : i32
          %add3A_543 = arith.addi %mul3A_541, %add3A_542 : i32
          %add3A_544 = arith.addi %mul3A_281, %add3A_543 : i32
          %get3A_545 = arith.index_cast %add3A_544 : i32 to index
          %get3A_546 = arith.constant 0 : index
          %get3A_547 = tpu.vector_load %arg13[%get3A_545, %get3A_546] {strides = array<i32>} : memref<128x64xf32, #tpu.memory_space<vmem>>, vector<16xf32>,
          %bitcast3A_548 = vector.bitcast %get3A_547 : vector<16xf32> to vector<32xbf16>
          %add3A_549 = arith.addi %mul3A_281, %add3A_543 : i32
          %get3A_550 = arith.index_cast %add3A_549 : i32 to index
          %get3A_551 = arith.constant 0 : index
          %get3A_552 = tpu.vector_load %arg14[%get3A_550, %get3A_551] {strides = array<i32>} : memref<128x64xf32, #tpu.memory_space<vmem>>, vector<16xf32>,
          %bitcast3A_553 = vector.bitcast %get3A_552 : vector<16xf32> to vector<32xbf16>
          %mul3A_554 = arith.mulf %bitcast3A_548, %bitcast3A_553 : vector<32xbf16>
          %unpack3A_555 = tpu.unpack_subelements %mul3A_554, 0 {pack_format = #tpu.pack_format<interleaved>} : vector<32xbf16> -> vector<16xf32>
          %unpack3A_556 = tpu.unpack_subelements %mul3A_554, 1 {pack_format = #tpu.pack_format<interleaved>} : vector<32xbf16> -> vector<16xf32>
          %mul3A_557 = arith.mulf %unpack3A_555, %get3A_19 : vector<16xf32>
          %mul3A_558 = arith.mulf %unpack3A_556, %get3A_21 : vector<16xf32>
          %add3A_559 = arith.addf %mul3A_557, %mul3A_558 : vector<16xf32>
          %add3A_560 = arith.addi %mul3A_281, %add3A_543 : i32
          %get3A_561 = arith.index_cast %add3A_560 : i32 to index
          %get3A_562 = arith.constant 16 : index
          %get3A_563 = tpu.vector_load %arg13[%get3A_561, %get3A_562] {strides = array<i32>} : memref<128x64xf32, #tpu.memory_space<vmem>>, vector<16xf32>,
          %bitcast3A_564 = vector.bitcast %get3A_563 : vector<16xf32> to vector<32xbf16>
          %add3A_565 = arith.addi %mul3A_281, %add3A_543 : i32
          %get3A_566 = arith.index_cast %add3A_565 : i32 to index
          %get3A_567 = arith.constant 16 : index
          %get3A_568 = tpu.vector_load %arg14[%get3A_566, %get3A_567] {strides = array<i32>} : memref<128x64xf32, #tpu.memory_space<vmem>>, vector<16xf32>,
          %bitcast3A_569 = vector.bitcast %get3A_568 : vector<16xf32> to vector<32xbf16>
          %mul3A_570 = arith.mulf %bitcast3A_564, %bitcast3A_569 : vector<32xbf16>
          %unpack3A_571 = tpu.unpack_subelements %mul3A_570, 0 {pack_format = #tpu.pack_format<interleaved>} : vector<32xbf16> -> vector<16xf32>
          %unpack3A_572 = tpu.unpack_subelements %mul3A_570, 1 {pack_format = #tpu.pack_format<interleaved>} : vector<32xbf16> -> vector<16xf32>
          %mul3A_573 = arith.mulf %unpack3A_571, %get3A_23 : vector<16xf32>
          %mul3A_574 = arith.mulf %unpack3A_572, %get3A_25 : vector<16xf32>
          %add3A_575 = arith.addf %mul3A_573, %mul3A_574 : vector<16xf32>
          %add3A_576 = arith.addf %add3A_559, %add3A_575 : vector<16xf32>
          %add3A_577 = arith.addi %mul3A_281, %add3A_543 : i32
          %get3A_578 = arith.index_cast %add3A_577 : i32 to index
          %get3A_579 = arith.constant 32 : index
          %get3A_580 = tpu.vector_load %arg13[%get3A_578, %get3A_579] {strides = array<i32>} : memref<128x64xf32, #tpu.memory_space<vmem>>, vector<16xf32>,
          %bitcast3A_581 = vector.bitcast %get3A_580 : vector<16xf32> to vector<32xbf16>
          %add3A_582 = arith.addi %mul3A_281, %add3A_543 : i32
          %get3A_583 = arith.index_cast %add3A_582 : i32 to index
          %get3A_584 = arith.constant 32 : index
          %get3A_585 = tpu.vector_load %arg14[%get3A_583, %get3A_584] {strides = array<i32>} : memref<128x64xf32, #tpu.memory_space<vmem>>, vector<16xf32>,
          %bitcast3A_586 = vector.bitcast %get3A_585 : vector<16xf32> to vector<32xbf16>
          %mul3A_587 = arith.mulf %bitcast3A_581, %bitcast3A_586 : vector<32xbf16>
          %unpack3A_588 = tpu.unpack_subelements %mul3A_587, 0 {pack_format = #tpu.pack_format<interleaved>} : vector<32xbf16> -> vector<16xf32>
          %unpack3A_589 = tpu.unpack_subelements %mul3A_587, 1 {pack_format = #tpu.pack_format<interleaved>} : vector<32xbf16> -> vector<16xf32>
          %mul3A_590 = arith.mulf %unpack3A_588, %get3A_27 : vector<16xf32>
          %mul3A_591 = arith.mulf %unpack3A_589, %get3A_29 : vector<16xf32>
          %add3A_592 = arith.addf %mul3A_590, %mul3A_591 : vector<16xf32>
          %add3A_593 = arith.addf %add3A_576, %add3A_592 : vector<16xf32>
          %add3A_594 = arith.addi %mul3A_281, %add3A_543 : i32
          %get3A_595 = arith.index_cast %add3A_594 : i32 to index
          %get3A_596 = arith.constant 48 : index
          %get3A_597 = tpu.vector_load %arg13[%get3A_595, %get3A_596] {strides = array<i32>} : memref<128x64xf32, #tpu.memory_space<vmem>>, vector<16xf32>,
          %bitcast3A_598 = vector.bitcast %get3A_597 : vector<16xf32> to vector<32xbf16>
          %add3A_599 = arith.addi %mul3A_281, %add3A_543 : i32
          %get3A_600 = arith.index_cast %add3A_599 : i32 to index
          %get3A_601 = arith.constant 48 : index
          %get3A_602 = tpu.vector_load %arg14[%get3A_600, %get3A_601] {strides = array<i32>} : memref<128x64xf32, #tpu.memory_space<vmem>>, vector<16xf32>,
          %bitcast3A_603 = vector.bitcast %get3A_602 : vector<16xf32> to vector<32xbf16>
          %mul3A_604 = arith.mulf %bitcast3A_598, %bitcast3A_603 : vector<32xbf16>
          %unpack3A_605 = tpu.unpack_subelements %mul3A_604, 0 {pack_format = #tpu.pack_format<interleaved>} : vector<32xbf16> -> vector<16xf32>
          %unpack3A_606 = tpu.unpack_subelements %mul3A_604, 1 {pack_format = #tpu.pack_format<interleaved>} : vector<32xbf16> -> vector<16xf32>
          %mul3A_607 = arith.mulf %unpack3A_605, %get3A_31 : vector<16xf32>
          %mul3A_608 = arith.mulf %unpack3A_606, %get3A_33 : vector<16xf32>
          %add3A_609 = arith.addf %mul3A_607, %mul3A_608 : vector<16xf32>
          %add3A_610 = arith.addf %add3A_593, %add3A_609 : vector<16xf32>
          %eq3A_611 = vector.broadcast %add3A_543 : i32 to vector<16xi32>
          %eq3A_612 = arith.cmpi eq, %iota3A, %eq3A_611 : vector<16xi32>
          %reduce_sum3A_613 = arith.constant true
          %reduce_sum3A_614 = vector.broadcast %reduce_sum3A_613 : i1 to vector<16xi1>
          %reduce_sum3A_615 = tpu.scan <sum>, %add3A_610 masked %reduce_sum3A_614 : vector<16xf32>, vector<16xi1> -> vector<16xf32>
          %reduce_sum3A_616 = vector.extract %reduce_sum3A_615[15] : f32 from vector<16xf32>
          %broadcast_in_dim3A_617 = vector.broadcast %reduce_sum3A_616 : f32 to vector<16xf32>
          %select_n3A_618 = arith.select %eq3A_612, %broadcast_in_dim3A_617, %select_n3A_539 : vector<16xi1>, vector<16xf32>
          scf.yield %select_n3A_618 : vector<16xf32>
        }
        %scan3A_288 = arith.constant 4 : i32
        %neg3A = arith.constant 0.000000e+00 : f32
        %neg3A_289 = vector.broadcast %neg3A : f32 to vector<16xf32>
        %neg3A_290 = arith.subf %neg3A_289, %scan3A_287 : vector<16xf32>
        %exp3A = math.exp %neg3A_290 : vector<16xf32>
        %add3A_291 = arith.constant 1.000000e+00 : f32
        %add3A_292 = vector.broadcast %add3A_291 : f32 to vector<16xf32>
        %add3A_293 = arith.addf %add3A_292, %exp3A : vector<16xf32>
        %div3A_294 = arith.constant 1.000000e+00 : f32
        %div3A_295 = vector.broadcast %div3A_294 : f32 to vector<16xf32>
        %div3A_296 = arith.divf %div3A_295, %add3A_293 : vector<16xf32>
        %mul3A_297 = arith.constant 128 : i32
        %mul3A_298 = arith.muli %add3A_204, %mul3A_297 : i32
        %mul3A_299 = arith.constant 16 : i32
        %mul3A_300 = arith.muli %scan3A_278, %mul3A_299 : i32
        %add3A_301 = arith.addi %mul3A_298, %mul3A_300 : i32
        %swap3A = arith.index_cast %add3A_301 : i32 to index
        %swap3A_302 = tpu.vector_load %arg18[%swap3A] {strides = array<i32>} : memref<18944xf32, #tpu.memory_space<vmem>>, vector<16xf32>,
        tpu.vector_store %arg18[%swap3A], %div3A_296 {strides = array<i32>} : memref<18944xf32, #tpu.memory_space<vmem>>, vector<16xf32>,
        %scan3A_303 = arith.constant 0 : i32
        scf.yield %scan3A_303 : i32
      }
      %scan3A_239 = arith.constant 8 : i32
      %add3A_240 = arith.constant 3 : i32
      %add3A_241 = arith.addi %mul3A_128, %add3A_240 : i32
      %add3A_242 = arith.constant 4 : i32
      %add3A_243 = arith.addi %add3A_241, %add3A_242 : i32
      %sub3A_244 = arith.constant 1 : i32
      %sub3A_245 = arith.subi %add3A_243, %sub3A_244 : i32
      %mul3A_246 = arith.constant 128 : i32
      %mul3A_247 = arith.muli %sub3A_245, %mul3A_246 : i32
      %dma_start3A_248 = tpu.memref_slice %arg7[%mul3A_247] : memref<19328xi32, #tpu.memory_space<vmem>> -> memref<128xi32, #tpu.memory_space<vmem>>
      %dma_start3A_249 = arith.constant 0 : i32
      %dma_start3A_250 = arith.constant 0 : i32
      %dma_start3A_251 = tpu.memref_slice %arg2[%dma_start3A_249, %dma_start3A_250] : memref<50000x64xf32, #tpu.memory_space<hbm>> -> memref<50000x64xf32, #tpu.memory_space<hbm>>
      tpu.enqueue_indirect_dma source(%dma_start3A_251 : memref<50000x64xf32, #tpu.memory_space<hbm>>) target(%arg13 : memref<128x64xf32, #tpu.memory_space<vmem>>) offsets(%dma_start3A_248 : memref<128xi32, #tpu.memory_space<vmem>>) semaphore(%arg21 : memref<!tpu.dma_semaphore, #tpu.memory_space<semaphore_mem>>)
      %mul3A_252 = arith.constant 128 : i32
      %mul3A_253 = arith.muli %sub3A_245, %mul3A_252 : i32
      %dma_start3A_254 = tpu.memref_slice %arg8[%mul3A_253] : memref<19328xi32, #tpu.memory_space<vmem>> -> memref<128xi32, #tpu.memory_space<vmem>>
      %dma_start3A_255 = arith.constant 0 : i32
      %dma_start3A_256 = arith.constant 0 : i32
      %dma_start3A_257 = tpu.memref_slice %arg2[%dma_start3A_255, %dma_start3A_256] : memref<50000x64xf32, #tpu.memory_space<hbm>> -> memref<50000x64xf32, #tpu.memory_space<hbm>>
      tpu.enqueue_indirect_dma source(%dma_start3A_257 : memref<50000x64xf32, #tpu.memory_space<hbm>>) target(%arg14 : memref<128x64xf32, #tpu.memory_space<vmem>>) offsets(%dma_start3A_254 : memref<128xi32, #tpu.memory_space<vmem>>) semaphore(%arg21 : memref<!tpu.dma_semaphore, #tpu.memory_space<semaphore_mem>>)
      %mul3A_258 = arith.constant 128 : i32
      %mul3A_259 = arith.muli %add3A_241, %mul3A_258 : i32
      %dma_wait3A_260 = tpu.memref_slice %arg7[%mul3A_259] : memref<19328xi32, #tpu.memory_space<vmem>> -> memref<128xi32, #tpu.memory_space<vmem>>
      %dma_wait3A_261 = arith.constant 0 : i32
      %dma_wait3A_262 = arith.constant 0 : i32
      %dma_wait3A_263 = tpu.memref_slice %arg2[%dma_wait3A_261, %dma_wait3A_262] : memref<50000x64xf32, #tpu.memory_space<hbm>> -> memref<50000x64xf32, #tpu.memory_space<hbm>>
      tpu.wait_indirect_dma semaphore(%arg22 : memref<!tpu.dma_semaphore, #tpu.memory_space<semaphore_mem>>) src(%dma_wait3A_263 : memref<50000x64xf32, #tpu.memory_space<hbm>>) dst(%arg15 : memref<128x64xf32, #tpu.memory_space<vmem>>)
      %mul3A_264 = arith.constant 128 : i32
      %mul3A_265 = arith.muli %add3A_241, %mul3A_264 : i32
      %dma_wait3A_266 = tpu.memref_slice %arg8[%mul3A_265] : memref<19328xi32, #tpu.memory_space<vmem>> -> memref<128xi32, #tpu.memory_space<vmem>>
      %dma_wait3A_267 = arith.constant 0 : i32
      %dma_wait3A_268 = arith.constant 0 : i32
      %dma_wait3A_269 = tpu.memref_slice %arg2[%dma_wait3A_267, %dma_wait3A_268] : memref<50000x64xf32, #tpu.memory_space<hbm>> -> memref<50000x64xf32, #tpu.memory_space<hbm>>
      tpu.wait_indirect_dma semaphore(%arg22 : memref<!tpu.dma_semaphore, #tpu.memory_space<semaphore_mem>>) src(%dma_wait3A_269 : memref<50000x64xf32, #tpu.memory_space<hbm>>) dst(%arg16 : memref<128x64xf32, #tpu.memory_space<vmem>>)
      %scan3A_270 = arith.constant 0 : i32
      %scan3A_271 = arith.constant 0 : i32
      %scan3A_272 = arith.constant 8 : i32
      %scan3A_273 = arith.addi %scan3A_271, %scan3A_272 : i32
      %scan3A_274 = arith.constant 1 : i32
      %scan3A_275 = scf.for %scan3A_278 = %scan3A_271 to %scan3A_273 step %scan3A_274 iter_args(%scan3A_279 = %scan3A_270) -> (i32)  : i32 {
        %mul3A_280 = arith.constant 16 : i32
        %mul3A_281 = arith.muli %scan3A_278, %mul3A_280 : i32
        %broadcast_in_dim3A = arith.constant 0.000000e+00 : f32
        %broadcast_in_dim3A_282 = vector.broadcast %broadcast_in_dim3A : f32 to vector<16xf32>
        %scan3A_283 = arith.constant 0 : i32
        %scan3A_284 = arith.constant 4 : i32
        %scan3A_285 = arith.addi %scan3A_283, %scan3A_284 : i32
        %scan3A_286 = arith.constant 1 : i32
        %scan3A_287 = scf.for %scan3A_304 = %scan3A_283 to %scan3A_285 step %scan3A_286 iter_args(%scan3A_305 = %broadcast_in_dim3A_282) -> (vector<16xf32>)  : i32 {
          %mul3A_306 = arith.constant 4 : i32
          %mul3A_307 = arith.muli %scan3A_304, %mul3A_306 : i32
          %add3A_308 = arith.constant 0 : i32
          %add3A_309 = arith.addi %mul3A_307, %add3A_308 : i32
          %add3A_310 = arith.addi %mul3A_281, %add3A_309 : i32
          %get3A_311 = arith.index_cast %add3A_310 : i32 to index
          %get3A_312 = arith.constant 0 : index
          %get3A_313 = tpu.vector_load %arg15[%get3A_311, %get3A_312] {strides = array<i32>} : memref<128x64xf32, #tpu.memory_space<vmem>>, vector<16xf32>,
          %bitcast3A = vector.bitcast %get3A_313 : vector<16xf32> to vector<32xbf16>
          %add3A_314 = arith.addi %mul3A_281, %add3A_309 : i32
          %get3A_315 = arith.index_cast %add3A_314 : i32 to index
          %get3A_316 = arith.constant 0 : index
          %get3A_317 = tpu.vector_load %arg16[%get3A_315, %get3A_316] {strides = array<i32>} : memref<128x64xf32, #tpu.memory_space<vmem>>, vector<16xf32>,
          %bitcast3A_318 = vector.bitcast %get3A_317 : vector<16xf32> to vector<32xbf16>
          %mul3A_319 = arith.mulf %bitcast3A, %bitcast3A_318 : vector<32xbf16>
          %unpack3A = tpu.unpack_subelements %mul3A_319, 0 {pack_format = #tpu.pack_format<interleaved>} : vector<32xbf16> -> vector<16xf32>
          %unpack3A_320 = tpu.unpack_subelements %mul3A_319, 1 {pack_format = #tpu.pack_format<interleaved>} : vector<32xbf16> -> vector<16xf32>
          %mul3A_321 = arith.mulf %unpack3A, %get3A_19 : vector<16xf32>
          %mul3A_322 = arith.mulf %unpack3A_320, %get3A_21 : vector<16xf32>
          %add3A_323 = arith.addf %mul3A_321, %mul3A_322 : vector<16xf32>
          %add3A_324 = arith.addi %mul3A_281, %add3A_309 : i32
          %get3A_325 = arith.index_cast %add3A_324 : i32 to index
          %get3A_326 = arith.constant 16 : index
          %get3A_327 = tpu.vector_load %arg15[%get3A_325, %get3A_326] {strides = array<i32>} : memref<128x64xf32, #tpu.memory_space<vmem>>, vector<16xf32>,
          %bitcast3A_328 = vector.bitcast %get3A_327 : vector<16xf32> to vector<32xbf16>
          %add3A_329 = arith.addi %mul3A_281, %add3A_309 : i32
          %get3A_330 = arith.index_cast %add3A_329 : i32 to index
          %get3A_331 = arith.constant 16 : index
          %get3A_332 = tpu.vector_load %arg16[%get3A_330, %get3A_331] {strides = array<i32>} : memref<128x64xf32, #tpu.memory_space<vmem>>, vector<16xf32>,
          %bitcast3A_333 = vector.bitcast %get3A_332 : vector<16xf32> to vector<32xbf16>
          %mul3A_334 = arith.mulf %bitcast3A_328, %bitcast3A_333 : vector<32xbf16>
          %unpack3A_335 = tpu.unpack_subelements %mul3A_334, 0 {pack_format = #tpu.pack_format<interleaved>} : vector<32xbf16> -> vector<16xf32>
          %unpack3A_336 = tpu.unpack_subelements %mul3A_334, 1 {pack_format = #tpu.pack_format<interleaved>} : vector<32xbf16> -> vector<16xf32>
          %mul3A_337 = arith.mulf %unpack3A_335, %get3A_23 : vector<16xf32>
          %mul3A_338 = arith.mulf %unpack3A_336, %get3A_25 : vector<16xf32>
          %add3A_339 = arith.addf %mul3A_337, %mul3A_338 : vector<16xf32>
          %add3A_340 = arith.addf %add3A_323, %add3A_339 : vector<16xf32>
          %add3A_341 = arith.addi %mul3A_281, %add3A_309 : i32
          %get3A_342 = arith.index_cast %add3A_341 : i32 to index
          %get3A_343 = arith.constant 32 : index
          %get3A_344 = tpu.vector_load %arg15[%get3A_342, %get3A_343] {strides = array<i32>} : memref<128x64xf32, #tpu.memory_space<vmem>>, vector<16xf32>,
          %bitcast3A_345 = vector.bitcast %get3A_344 : vector<16xf32> to vector<32xbf16>
          %add3A_346 = arith.addi %mul3A_281, %add3A_309 : i32
          %get3A_347 = arith.index_cast %add3A_346 : i32 to index
          %get3A_348 = arith.constant 32 : index
          %get3A_349 = tpu.vector_load %arg16[%get3A_347, %get3A_348] {strides = array<i32>} : memref<128x64xf32, #tpu.memory_space<vmem>>, vector<16xf32>,
          %bitcast3A_350 = vector.bitcast %get3A_349 : vector<16xf32> to vector<32xbf16>
          %mul3A_351 = arith.mulf %bitcast3A_345, %bitcast3A_350 : vector<32xbf16>
          %unpack3A_352 = tpu.unpack_subelements %mul3A_351, 0 {pack_format = #tpu.pack_format<interleaved>} : vector<32xbf16> -> vector<16xf32>
          %unpack3A_353 = tpu.unpack_subelements %mul3A_351, 1 {pack_format = #tpu.pack_format<interleaved>} : vector<32xbf16> -> vector<16xf32>
          %mul3A_354 = arith.mulf %unpack3A_352, %get3A_27 : vector<16xf32>
          %mul3A_355 = arith.mulf %unpack3A_353, %get3A_29 : vector<16xf32>
          %add3A_356 = arith.addf %mul3A_354, %mul3A_355 : vector<16xf32>
          %add3A_357 = arith.addf %add3A_340, %add3A_356 : vector<16xf32>
          %add3A_358 = arith.addi %mul3A_281, %add3A_309 : i32
          %get3A_359 = arith.index_cast %add3A_358 : i32 to index
          %get3A_360 = arith.constant 48 : index
          %get3A_361 = tpu.vector_load %arg15[%get3A_359, %get3A_360] {strides = array<i32>} : memref<128x64xf32, #tpu.memory_space<vmem>>, vector<16xf32>,
          %bitcast3A_362 = vector.bitcast %get3A_361 : vector<16xf32> to vector<32xbf16>
          %add3A_363 = arith.addi %mul3A_281, %add3A_309 : i32
          %get3A_364 = arith.index_cast %add3A_363 : i32 to index
          %get3A_365 = arith.constant 48 : index
          %get3A_366 = tpu.vector_load %arg16[%get3A_364, %get3A_365] {strides = array<i32>} : memref<128x64xf32, #tpu.memory_space<vmem>>, vector<16xf32>,
          %bitcast3A_367 = vector.bitcast %get3A_366 : vector<16xf32> to vector<32xbf16>
          %mul3A_368 = arith.mulf %bitcast3A_362, %bitcast3A_367 : vector<32xbf16>
          %unpack3A_369 = tpu.unpack_subelements %mul3A_368, 0 {pack_format = #tpu.pack_format<interleaved>} : vector<32xbf16> -> vector<16xf32>
          %unpack3A_370 = tpu.unpack_subelements %mul3A_368, 1 {pack_format = #tpu.pack_format<interleaved>} : vector<32xbf16> -> vector<16xf32>
          %mul3A_371 = arith.mulf %unpack3A_369, %get3A_31 : vector<16xf32>
          %mul3A_372 = arith.mulf %unpack3A_370, %get3A_33 : vector<16xf32>
          %add3A_373 = arith.addf %mul3A_371, %mul3A_372 : vector<16xf32>
          %add3A_374 = arith.addf %add3A_357, %add3A_373 : vector<16xf32>
          %eq3A_375 = vector.broadcast %add3A_309 : i32 to vector<16xi32>
          %eq3A_376 = arith.cmpi eq, %iota3A, %eq3A_375 : vector<16xi32>
          %reduce_sum3A = arith.constant true
          %reduce_sum3A_377 = vector.broadcast %reduce_sum3A : i1 to vector<16xi1>
          %reduce_sum3A_378 = tpu.scan <sum>, %add3A_374 masked %reduce_sum3A_377 : vector<16xf32>, vector<16xi1> -> vector<16xf32>
          %reduce_sum3A_379 = vector.extract %reduce_sum3A_378[15] : f32 from vector<16xf32>
          %broadcast_in_dim3A_380 = vector.broadcast %reduce_sum3A_379 : f32 to vector<16xf32>
          %select_n3A_381 = arith.select %eq3A_376, %broadcast_in_dim3A_380, %scan3A_305 : vector<16xi1>, vector<16xf32>
          %mul3A_382 = arith.constant 4 : i32
          %mul3A_383 = arith.muli %scan3A_304, %mul3A_382 : i32
          %add3A_384 = arith.constant 1 : i32
          %add3A_385 = arith.addi %mul3A_383, %add3A_384 : i32
          %add3A_386 = arith.addi %mul3A_281, %add3A_385 : i32
          %get3A_387 = arith.index_cast %add3A_386 : i32 to index
          %get3A_388 = arith.constant 0 : index
          %get3A_389 = tpu.vector_load %arg15[%get3A_387, %get3A_388] {strides = array<i32>} : memref<128x64xf32, #tpu.memory_space<vmem>>, vector<16xf32>,
          %bitcast3A_390 = vector.bitcast %get3A_389 : vector<16xf32> to vector<32xbf16>
          %add3A_391 = arith.addi %mul3A_281, %add3A_385 : i32
          %get3A_392 = arith.index_cast %add3A_391 : i32 to index
          %get3A_393 = arith.constant 0 : index
          %get3A_394 = tpu.vector_load %arg16[%get3A_392, %get3A_393] {strides = array<i32>} : memref<128x64xf32, #tpu.memory_space<vmem>>, vector<16xf32>,
          %bitcast3A_395 = vector.bitcast %get3A_394 : vector<16xf32> to vector<32xbf16>
          %mul3A_396 = arith.mulf %bitcast3A_390, %bitcast3A_395 : vector<32xbf16>
          %unpack3A_397 = tpu.unpack_subelements %mul3A_396, 0 {pack_format = #tpu.pack_format<interleaved>} : vector<32xbf16> -> vector<16xf32>
          %unpack3A_398 = tpu.unpack_subelements %mul3A_396, 1 {pack_format = #tpu.pack_format<interleaved>} : vector<32xbf16> -> vector<16xf32>
          %mul3A_399 = arith.mulf %unpack3A_397, %get3A_19 : vector<16xf32>
          %mul3A_400 = arith.mulf %unpack3A_398, %get3A_21 : vector<16xf32>
          %add3A_401 = arith.addf %mul3A_399, %mul3A_400 : vector<16xf32>
          %add3A_402 = arith.addi %mul3A_281, %add3A_385 : i32
          %get3A_403 = arith.index_cast %add3A_402 : i32 to index
          %get3A_404 = arith.constant 16 : index
          %get3A_405 = tpu.vector_load %arg15[%get3A_403, %get3A_404] {strides = array<i32>} : memref<128x64xf32, #tpu.memory_space<vmem>>, vector<16xf32>,
          %bitcast3A_406 = vector.bitcast %get3A_405 : vector<16xf32> to vector<32xbf16>
          %add3A_407 = arith.addi %mul3A_281, %add3A_385 : i32
          %get3A_408 = arith.index_cast %add3A_407 : i32 to index
          %get3A_409 = arith.constant 16 : index
          %get3A_410 = tpu.vector_load %arg16[%get3A_408, %get3A_409] {strides = array<i32>} : memref<128x64xf32, #tpu.memory_space<vmem>>, vector<16xf32>,
          %bitcast3A_411 = vector.bitcast %get3A_410 : vector<16xf32> to vector<32xbf16>
          %mul3A_412 = arith.mulf %bitcast3A_406, %bitcast3A_411 : vector<32xbf16>
          %unpack3A_413 = tpu.unpack_subelements %mul3A_412, 0 {pack_format = #tpu.pack_format<interleaved>} : vector<32xbf16> -> vector<16xf32>
          %unpack3A_414 = tpu.unpack_subelements %mul3A_412, 1 {pack_format = #tpu.pack_format<interleaved>} : vector<32xbf16> -> vector<16xf32>
          %mul3A_415 = arith.mulf %unpack3A_413, %get3A_23 : vector<16xf32>
          %mul3A_416 = arith.mulf %unpack3A_414, %get3A_25 : vector<16xf32>
          %add3A_417 = arith.addf %mul3A_415, %mul3A_416 : vector<16xf32>
          %add3A_418 = arith.addf %add3A_401, %add3A_417 : vector<16xf32>
          %add3A_419 = arith.addi %mul3A_281, %add3A_385 : i32
          %get3A_420 = arith.index_cast %add3A_419 : i32 to index
          %get3A_421 = arith.constant 32 : index
          %get3A_422 = tpu.vector_load %arg15[%get3A_420, %get3A_421] {strides = array<i32>} : memref<128x64xf32, #tpu.memory_space<vmem>>, vector<16xf32>,
          %bitcast3A_423 = vector.bitcast %get3A_422 : vector<16xf32> to vector<32xbf16>
          %add3A_424 = arith.addi %mul3A_281, %add3A_385 : i32
          %get3A_425 = arith.index_cast %add3A_424 : i32 to index
          %get3A_426 = arith.constant 32 : index
          %get3A_427 = tpu.vector_load %arg16[%get3A_425, %get3A_426] {strides = array<i32>} : memref<128x64xf32, #tpu.memory_space<vmem>>, vector<16xf32>,
          %bitcast3A_428 = vector.bitcast %get3A_427 : vector<16xf32> to vector<32xbf16>
          %mul3A_429 = arith.mulf %bitcast3A_423, %bitcast3A_428 : vector<32xbf16>
          %unpack3A_430 = tpu.unpack_subelements %mul3A_429, 0 {pack_format = #tpu.pack_format<interleaved>} : vector<32xbf16> -> vector<16xf32>
          %unpack3A_431 = tpu.unpack_subelements %mul3A_429, 1 {pack_format = #tpu.pack_format<interleaved>} : vector<32xbf16> -> vector<16xf32>
          %mul3A_432 = arith.mulf %unpack3A_430, %get3A_27 : vector<16xf32>
          %mul3A_433 = arith.mulf %unpack3A_431, %get3A_29 : vector<16xf32>
          %add3A_434 = arith.addf %mul3A_432, %mul3A_433 : vector<16xf32>
          %add3A_435 = arith.addf %add3A_418, %add3A_434 : vector<16xf32>
          %add3A_436 = arith.addi %mul3A_281, %add3A_385 : i32
          %get3A_437 = arith.index_cast %add3A_436 : i32 to index
          %get3A_438 = arith.constant 48 : index
          %get3A_439 = tpu.vector_load %arg15[%get3A_437, %get3A_438] {strides = array<i32>} : memref<128x64xf32, #tpu.memory_space<vmem>>, vector<16xf32>,
          %bitcast3A_440 = vector.bitcast %get3A_439 : vector<16xf32> to vector<32xbf16>
          %add3A_441 = arith.addi %mul3A_281, %add3A_385 : i32
          %get3A_442 = arith.index_cast %add3A_441 : i32 to index
          %get3A_443 = arith.constant 48 : index
          %get3A_444 = tpu.vector_load %arg16[%get3A_442, %get3A_443] {strides = array<i32>} : memref<128x64xf32, #tpu.memory_space<vmem>>, vector<16xf32>,
          %bitcast3A_445 = vector.bitcast %get3A_444 : vector<16xf32> to vector<32xbf16>
          %mul3A_446 = arith.mulf %bitcast3A_440, %bitcast3A_445 : vector<32xbf16>
          %unpack3A_447 = tpu.unpack_subelements %mul3A_446, 0 {pack_format = #tpu.pack_format<interleaved>} : vector<32xbf16> -> vector<16xf32>
          %unpack3A_448 = tpu.unpack_subelements %mul3A_446, 1 {pack_format = #tpu.pack_format<interleaved>} : vector<32xbf16> -> vector<16xf32>
          %mul3A_449 = arith.mulf %unpack3A_447, %get3A_31 : vector<16xf32>
          %mul3A_450 = arith.mulf %unpack3A_448, %get3A_33 : vector<16xf32>
          %add3A_451 = arith.addf %mul3A_449, %mul3A_450 : vector<16xf32>
          %add3A_452 = arith.addf %add3A_435, %add3A_451 : vector<16xf32>
          %eq3A_453 = vector.broadcast %add3A_385 : i32 to vector<16xi32>
          %eq3A_454 = arith.cmpi eq, %iota3A, %eq3A_453 : vector<16xi32>
          %reduce_sum3A_455 = arith.constant true
          %reduce_sum3A_456 = vector.broadcast %reduce_sum3A_455 : i1 to vector<16xi1>
          %reduce_sum3A_457 = tpu.scan <sum>, %add3A_452 masked %reduce_sum3A_456 : vector<16xf32>, vector<16xi1> -> vector<16xf32>
          %reduce_sum3A_458 = vector.extract %reduce_sum3A_457[15] : f32 from vector<16xf32>
          %broadcast_in_dim3A_459 = vector.broadcast %reduce_sum3A_458 : f32 to vector<16xf32>
          %select_n3A_460 = arith.select %eq3A_454, %broadcast_in_dim3A_459, %select_n3A_381 : vector<16xi1>, vector<16xf32>
          %mul3A_461 = arith.constant 4 : i32
          %mul3A_462 = arith.muli %scan3A_304, %mul3A_461 : i32
          %add3A_463 = arith.constant 2 : i32
          %add3A_464 = arith.addi %mul3A_462, %add3A_463 : i32
          %add3A_465 = arith.addi %mul3A_281, %add3A_464 : i32
          %get3A_466 = arith.index_cast %add3A_465 : i32 to index
          %get3A_467 = arith.constant 0 : index
          %get3A_468 = tpu.vector_load %arg15[%get3A_466, %get3A_467] {strides = array<i32>} : memref<128x64xf32, #tpu.memory_space<vmem>>, vector<16xf32>,
          %bitcast3A_469 = vector.bitcast %get3A_468 : vector<16xf32> to vector<32xbf16>
          %add3A_470 = arith.addi %mul3A_281, %add3A_464 : i32
          %get3A_471 = arith.index_cast %add3A_470 : i32 to index
          %get3A_472 = arith.constant 0 : index
          %get3A_473 = tpu.vector_load %arg16[%get3A_471, %get3A_472] {strides = array<i32>} : memref<128x64xf32, #tpu.memory_space<vmem>>, vector<16xf32>,
          %bitcast3A_474 = vector.bitcast %get3A_473 : vector<16xf32> to vector<32xbf16>
          %mul3A_475 = arith.mulf %bitcast3A_469, %bitcast3A_474 : vector<32xbf16>
          %unpack3A_476 = tpu.unpack_subelements %mul3A_475, 0 {pack_format = #tpu.pack_format<interleaved>} : vector<32xbf16> -> vector<16xf32>
          %unpack3A_477 = tpu.unpack_subelements %mul3A_475, 1 {pack_format = #tpu.pack_format<interleaved>} : vector<32xbf16> -> vector<16xf32>
          %mul3A_478 = arith.mulf %unpack3A_476, %get3A_19 : vector<16xf32>
          %mul3A_479 = arith.mulf %unpack3A_477, %get3A_21 : vector<16xf32>
          %add3A_480 = arith.addf %mul3A_478, %mul3A_479 : vector<16xf32>
          %add3A_481 = arith.addi %mul3A_281, %add3A_464 : i32
          %get3A_482 = arith.index_cast %add3A_481 : i32 to index
          %get3A_483 = arith.constant 16 : index
          %get3A_484 = tpu.vector_load %arg15[%get3A_482, %get3A_483] {strides = array<i32>} : memref<128x64xf32, #tpu.memory_space<vmem>>, vector<16xf32>,
          %bitcast3A_485 = vector.bitcast %get3A_484 : vector<16xf32> to vector<32xbf16>
          %add3A_486 = arith.addi %mul3A_281, %add3A_464 : i32
          %get3A_487 = arith.index_cast %add3A_486 : i32 to index
          %get3A_488 = arith.constant 16 : index
          %get3A_489 = tpu.vector_load %arg16[%get3A_487, %get3A_488] {strides = array<i32>} : memref<128x64xf32, #tpu.memory_space<vmem>>, vector<16xf32>,
          %bitcast3A_490 = vector.bitcast %get3A_489 : vector<16xf32> to vector<32xbf16>
          %mul3A_491 = arith.mulf %bitcast3A_485, %bitcast3A_490 : vector<32xbf16>
          %unpack3A_492 = tpu.unpack_subelements %mul3A_491, 0 {pack_format = #tpu.pack_format<interleaved>} : vector<32xbf16> -> vector<16xf32>
          %unpack3A_493 = tpu.unpack_subelements %mul3A_491, 1 {pack_format = #tpu.pack_format<interleaved>} : vector<32xbf16> -> vector<16xf32>
          %mul3A_494 = arith.mulf %unpack3A_492, %get3A_23 : vector<16xf32>
          %mul3A_495 = arith.mulf %unpack3A_493, %get3A_25 : vector<16xf32>
          %add3A_496 = arith.addf %mul3A_494, %mul3A_495 : vector<16xf32>
          %add3A_497 = arith.addf %add3A_480, %add3A_496 : vector<16xf32>
          %add3A_498 = arith.addi %mul3A_281, %add3A_464 : i32
          %get3A_499 = arith.index_cast %add3A_498 : i32 to index
          %get3A_500 = arith.constant 32 : index
          %get3A_501 = tpu.vector_load %arg15[%get3A_499, %get3A_500] {strides = array<i32>} : memref<128x64xf32, #tpu.memory_space<vmem>>, vector<16xf32>,
          %bitcast3A_502 = vector.bitcast %get3A_501 : vector<16xf32> to vector<32xbf16>
          %add3A_503 = arith.addi %mul3A_281, %add3A_464 : i32
          %get3A_504 = arith.index_cast %add3A_503 : i32 to index
          %get3A_505 = arith.constant 32 : index
          %get3A_506 = tpu.vector_load %arg16[%get3A_504, %get3A_505] {strides = array<i32>} : memref<128x64xf32, #tpu.memory_space<vmem>>, vector<16xf32>,
          %bitcast3A_507 = vector.bitcast %get3A_506 : vector<16xf32> to vector<32xbf16>
          %mul3A_508 = arith.mulf %bitcast3A_502, %bitcast3A_507 : vector<32xbf16>
          %unpack3A_509 = tpu.unpack_subelements %mul3A_508, 0 {pack_format = #tpu.pack_format<interleaved>} : vector<32xbf16> -> vector<16xf32>
          %unpack3A_510 = tpu.unpack_subelements %mul3A_508, 1 {pack_format = #tpu.pack_format<interleaved>} : vector<32xbf16> -> vector<16xf32>
          %mul3A_511 = arith.mulf %unpack3A_509, %get3A_27 : vector<16xf32>
          %mul3A_512 = arith.mulf %unpack3A_510, %get3A_29 : vector<16xf32>
          %add3A_513 = arith.addf %mul3A_511, %mul3A_512 : vector<16xf32>
          %add3A_514 = arith.addf %add3A_497, %add3A_513 : vector<16xf32>
          %add3A_515 = arith.addi %mul3A_281, %add3A_464 : i32
          %get3A_516 = arith.index_cast %add3A_515 : i32 to index
          %get3A_517 = arith.constant 48 : index
          %get3A_518 = tpu.vector_load %arg15[%get3A_516, %get3A_517] {strides = array<i32>} : memref<128x64xf32, #tpu.memory_space<vmem>>, vector<16xf32>,
          %bitcast3A_519 = vector.bitcast %get3A_518 : vector<16xf32> to vector<32xbf16>
          %add3A_520 = arith.addi %mul3A_281, %add3A_464 : i32
          %get3A_521 = arith.index_cast %add3A_520 : i32 to index
          %get3A_522 = arith.constant 48 : index
          %get3A_523 = tpu.vector_load %arg16[%get3A_521, %get3A_522] {strides = array<i32>} : memref<128x64xf32, #tpu.memory_space<vmem>>, vector<16xf32>,
          %bitcast3A_524 = vector.bitcast %get3A_523 : vector<16xf32> to vector<32xbf16>
          %mul3A_525 = arith.mulf %bitcast3A_519, %bitcast3A_524 : vector<32xbf16>
          %unpack3A_526 = tpu.unpack_subelements %mul3A_525, 0 {pack_format = #tpu.pack_format<interleaved>} : vector<32xbf16> -> vector<16xf32>
          %unpack3A_527 = tpu.unpack_subelements %mul3A_525, 1 {pack_format = #tpu.pack_format<interleaved>} : vector<32xbf16> -> vector<16xf32>
          %mul3A_528 = arith.mulf %unpack3A_526, %get3A_31 : vector<16xf32>
          %mul3A_529 = arith.mulf %unpack3A_527, %get3A_33 : vector<16xf32>
          %add3A_530 = arith.addf %mul3A_528, %mul3A_529 : vector<16xf32>
          %add3A_531 = arith.addf %add3A_514, %add3A_530 : vector<16xf32>
          %eq3A_532 = vector.broadcast %add3A_464 : i32 to vector<16xi32>
          %eq3A_533 = arith.cmpi eq, %iota3A, %eq3A_532 : vector<16xi32>
          %reduce_sum3A_534 = arith.constant true
          %reduce_sum3A_535 = vector.broadcast %reduce_sum3A_534 : i1 to vector<16xi1>
          %reduce_sum3A_536 = tpu.scan <sum>, %add3A_531 masked %reduce_sum3A_535 : vector<16xf32>, vector<16xi1> -> vector<16xf32>
          %reduce_sum3A_537 = vector.extract %reduce_sum3A_536[15] : f32 from vector<16xf32>
          %broadcast_in_dim3A_538 = vector.broadcast %reduce_sum3A_537 : f32 to vector<16xf32>
          %select_n3A_539 = arith.select %eq3A_533, %broadcast_in_dim3A_538, %select_n3A_460 : vector<16xi1>, vector<16xf32>
          %mul3A_540 = arith.constant 4 : i32
          %mul3A_541 = arith.muli %scan3A_304, %mul3A_540 : i32
          %add3A_542 = arith.constant 3 : i32
          %add3A_543 = arith.addi %mul3A_541, %add3A_542 : i32
          %add3A_544 = arith.addi %mul3A_281, %add3A_543 : i32
          %get3A_545 = arith.index_cast %add3A_544 : i32 to index
          %get3A_546 = arith.constant 0 : index
          %get3A_547 = tpu.vector_load %arg15[%get3A_545, %get3A_546] {strides = array<i32>} : memref<128x64xf32, #tpu.memory_space<vmem>>, vector<16xf32>,
          %bitcast3A_548 = vector.bitcast %get3A_547 : vector<16xf32> to vector<32xbf16>
          %add3A_549 = arith.addi %mul3A_281, %add3A_543 : i32
          %get3A_550 = arith.index_cast %add3A_549 : i32 to index
          %get3A_551 = arith.constant 0 : index
          %get3A_552 = tpu.vector_load %arg16[%get3A_550, %get3A_551] {strides = array<i32>} : memref<128x64xf32, #tpu.memory_space<vmem>>, vector<16xf32>,
          %bitcast3A_553 = vector.bitcast %get3A_552 : vector<16xf32> to vector<32xbf16>
          %mul3A_554 = arith.mulf %bitcast3A_548, %bitcast3A_553 : vector<32xbf16>
          %unpack3A_555 = tpu.unpack_subelements %mul3A_554, 0 {pack_format = #tpu.pack_format<interleaved>} : vector<32xbf16> -> vector<16xf32>
          %unpack3A_556 = tpu.unpack_subelements %mul3A_554, 1 {pack_format = #tpu.pack_format<interleaved>} : vector<32xbf16> -> vector<16xf32>
          %mul3A_557 = arith.mulf %unpack3A_555, %get3A_19 : vector<16xf32>
          %mul3A_558 = arith.mulf %unpack3A_556, %get3A_21 : vector<16xf32>
          %add3A_559 = arith.addf %mul3A_557, %mul3A_558 : vector<16xf32>
          %add3A_560 = arith.addi %mul3A_281, %add3A_543 : i32
          %get3A_561 = arith.index_cast %add3A_560 : i32 to index
          %get3A_562 = arith.constant 16 : index
          %get3A_563 = tpu.vector_load %arg15[%get3A_561, %get3A_562] {strides = array<i32>} : memref<128x64xf32, #tpu.memory_space<vmem>>, vector<16xf32>,
          %bitcast3A_564 = vector.bitcast %get3A_563 : vector<16xf32> to vector<32xbf16>
          %add3A_565 = arith.addi %mul3A_281, %add3A_543 : i32
          %get3A_566 = arith.index_cast %add3A_565 : i32 to index
          %get3A_567 = arith.constant 16 : index
          %get3A_568 = tpu.vector_load %arg16[%get3A_566, %get3A_567] {strides = array<i32>} : memref<128x64xf32, #tpu.memory_space<vmem>>, vector<16xf32>,
          %bitcast3A_569 = vector.bitcast %get3A_568 : vector<16xf32> to vector<32xbf16>
          %mul3A_570 = arith.mulf %bitcast3A_564, %bitcast3A_569 : vector<32xbf16>
          %unpack3A_571 = tpu.unpack_subelements %mul3A_570, 0 {pack_format = #tpu.pack_format<interleaved>} : vector<32xbf16> -> vector<16xf32>
          %unpack3A_572 = tpu.unpack_subelements %mul3A_570, 1 {pack_format = #tpu.pack_format<interleaved>} : vector<32xbf16> -> vector<16xf32>
          %mul3A_573 = arith.mulf %unpack3A_571, %get3A_23 : vector<16xf32>
          %mul3A_574 = arith.mulf %unpack3A_572, %get3A_25 : vector<16xf32>
          %add3A_575 = arith.addf %mul3A_573, %mul3A_574 : vector<16xf32>
          %add3A_576 = arith.addf %add3A_559, %add3A_575 : vector<16xf32>
          %add3A_577 = arith.addi %mul3A_281, %add3A_543 : i32
          %get3A_578 = arith.index_cast %add3A_577 : i32 to index
          %get3A_579 = arith.constant 32 : index
          %get3A_580 = tpu.vector_load %arg15[%get3A_578, %get3A_579] {strides = array<i32>} : memref<128x64xf32, #tpu.memory_space<vmem>>, vector<16xf32>,
          %bitcast3A_581 = vector.bitcast %get3A_580 : vector<16xf32> to vector<32xbf16>
          %add3A_582 = arith.addi %mul3A_281, %add3A_543 : i32
          %get3A_583 = arith.index_cast %add3A_582 : i32 to index
          %get3A_584 = arith.constant 32 : index
          %get3A_585 = tpu.vector_load %arg16[%get3A_583, %get3A_584] {strides = array<i32>} : memref<128x64xf32, #tpu.memory_space<vmem>>, vector<16xf32>,
          %bitcast3A_586 = vector.bitcast %get3A_585 : vector<16xf32> to vector<32xbf16>
          %mul3A_587 = arith.mulf %bitcast3A_581, %bitcast3A_586 : vector<32xbf16>
          %unpack3A_588 = tpu.unpack_subelements %mul3A_587, 0 {pack_format = #tpu.pack_format<interleaved>} : vector<32xbf16> -> vector<16xf32>
          %unpack3A_589 = tpu.unpack_subelements %mul3A_587, 1 {pack_format = #tpu.pack_format<interleaved>} : vector<32xbf16> -> vector<16xf32>
          %mul3A_590 = arith.mulf %unpack3A_588, %get3A_27 : vector<16xf32>
          %mul3A_591 = arith.mulf %unpack3A_589, %get3A_29 : vector<16xf32>
          %add3A_592 = arith.addf %mul3A_590, %mul3A_591 : vector<16xf32>
          %add3A_593 = arith.addf %add3A_576, %add3A_592 : vector<16xf32>
          %add3A_594 = arith.addi %mul3A_281, %add3A_543 : i32
          %get3A_595 = arith.index_cast %add3A_594 : i32 to index
          %get3A_596 = arith.constant 48 : index
          %get3A_597 = tpu.vector_load %arg15[%get3A_595, %get3A_596] {strides = array<i32>} : memref<128x64xf32, #tpu.memory_space<vmem>>, vector<16xf32>,
          %bitcast3A_598 = vector.bitcast %get3A_597 : vector<16xf32> to vector<32xbf16>
          %add3A_599 = arith.addi %mul3A_281, %add3A_543 : i32
          %get3A_600 = arith.index_cast %add3A_599 : i32 to index
          %get3A_601 = arith.constant 48 : index
          %get3A_602 = tpu.vector_load %arg16[%get3A_600, %get3A_601] {strides = array<i32>} : memref<128x64xf32, #tpu.memory_space<vmem>>, vector<16xf32>,
          %bitcast3A_603 = vector.bitcast %get3A_602 : vector<16xf32> to vector<32xbf16>
          %mul3A_604 = arith.mulf %bitcast3A_598, %bitcast3A_603 : vector<32xbf16>
          %unpack3A_605 = tpu.unpack_subelements %mul3A_604, 0 {pack_format = #tpu.pack_format<interleaved>} : vector<32xbf16> -> vector<16xf32>
          %unpack3A_606 = tpu.unpack_subelements %mul3A_604, 1 {pack_format = #tpu.pack_format<interleaved>} : vector<32xbf16> -> vector<16xf32>
          %mul3A_607 = arith.mulf %unpack3A_605, %get3A_31 : vector<16xf32>
          %mul3A_608 = arith.mulf %unpack3A_606, %get3A_33 : vector<16xf32>
          %add3A_609 = arith.addf %mul3A_607, %mul3A_608 : vector<16xf32>
          %add3A_610 = arith.addf %add3A_593, %add3A_609 : vector<16xf32>
          %eq3A_611 = vector.broadcast %add3A_543 : i32 to vector<16xi32>
          %eq3A_612 = arith.cmpi eq, %iota3A, %eq3A_611 : vector<16xi32>
          %reduce_sum3A_613 = arith.constant true
          %reduce_sum3A_614 = vector.broadcast %reduce_sum3A_613 : i1 to vector<16xi1>
          %reduce_sum3A_615 = tpu.scan <sum>, %add3A_610 masked %reduce_sum3A_614 : vector<16xf32>, vector<16xi1> -> vector<16xf32>
          %reduce_sum3A_616 = vector.extract %reduce_sum3A_615[15] : f32 from vector<16xf32>
          %broadcast_in_dim3A_617 = vector.broadcast %reduce_sum3A_616 : f32 to vector<16xf32>
          %select_n3A_618 = arith.select %eq3A_612, %broadcast_in_dim3A_617, %select_n3A_539 : vector<16xi1>, vector<16xf32>
          scf.yield %select_n3A_618 : vector<16xf32>
        }
        %scan3A_288 = arith.constant 4 : i32
        %neg3A = arith.constant 0.000000e+00 : f32
        %neg3A_289 = vector.broadcast %neg3A : f32 to vector<16xf32>
        %neg3A_290 = arith.subf %neg3A_289, %scan3A_287 : vector<16xf32>
        %exp3A = math.exp %neg3A_290 : vector<16xf32>
        %add3A_291 = arith.constant 1.000000e+00 : f32
        %add3A_292 = vector.broadcast %add3A_291 : f32 to vector<16xf32>
        %add3A_293 = arith.addf %add3A_292, %exp3A : vector<16xf32>
        %div3A_294 = arith.constant 1.000000e+00 : f32
        %div3A_295 = vector.broadcast %div3A_294 : f32 to vector<16xf32>
        %div3A_296 = arith.divf %div3A_295, %add3A_293 : vector<16xf32>
        %mul3A_297 = arith.constant 128 : i32
        %mul3A_298 = arith.muli %add3A_241, %mul3A_297 : i32
        %mul3A_299 = arith.constant 16 : i32
        %mul3A_300 = arith.muli %scan3A_278, %mul3A_299 : i32
        %add3A_301 = arith.addi %mul3A_298, %mul3A_300 : i32
        %swap3A = arith.index_cast %add3A_301 : i32 to index
        %swap3A_302 = tpu.vector_load %arg18[%swap3A] {strides = array<i32>} : memref<18944xf32, #tpu.memory_space<vmem>>, vector<16xf32>,
        tpu.vector_store %arg18[%swap3A], %div3A_296 {strides = array<i32>} : memref<18944xf32, #tpu.memory_space<vmem>>, vector<16xf32>,
        %scan3A_303 = arith.constant 0 : i32
        scf.yield %scan3A_303 : i32
      }
      %scan3A_276 = arith.constant 8 : i32
      %scan3A_277 = arith.constant 0 : i32
      scf.yield %scan3A_277 : i32
    }
    %scan3A_68 = arith.constant 37 : i32
    %dma_wait3A = arith.constant 18944 : i32
    %dma_wait3A_69 = tpu.memref_slice %arg7[%dma_wait3A] : memref<19328xi32, #tpu.memory_space<vmem>> -> memref<128xi32, #tpu.memory_space<vmem>>
    %dma_wait3A_70 = arith.constant 0 : i32
    %dma_wait3A_71 = arith.constant 0 : i32
    %dma_wait3A_72 = tpu.memref_slice %arg2[%dma_wait3A_70, %dma_wait3A_71] : memref<50000x64xf32, #tpu.memory_space<hbm>> -> memref<50000x64xf32, #tpu.memory_space<hbm>>
    tpu.wait_indirect_dma semaphore(%arg19 : memref<!tpu.dma_semaphore, #tpu.memory_space<semaphore_mem>>) src(%dma_wait3A_72 : memref<50000x64xf32, #tpu.memory_space<hbm>>) dst(%arg9 : memref<128x64xf32, #tpu.memory_space<vmem>>)
    %dma_wait3A_73 = arith.constant 18944 : i32
    %dma_wait3A_74 = tpu.memref_slice %arg8[%dma_wait3A_73] : memref<19328xi32, #tpu.memory_space<vmem>> -> memref<128xi32, #tpu.memory_space<vmem>>
    %dma_wait3A_75 = arith.constant 0 : i32
    %dma_wait3A_76 = arith.constant 0 : i32
    %dma_wait3A_77 = tpu.memref_slice %arg2[%dma_wait3A_75, %dma_wait3A_76] : memref<50000x64xf32, #tpu.memory_space<hbm>> -> memref<50000x64xf32, #tpu.memory_space<hbm>>
    tpu.wait_indirect_dma semaphore(%arg19 : memref<!tpu.dma_semaphore, #tpu.memory_space<semaphore_mem>>) src(%dma_wait3A_77 : memref<50000x64xf32, #tpu.memory_space<hbm>>) dst(%arg10 : memref<128x64xf32, #tpu.memory_space<vmem>>)
    %dma_wait3A_78 = arith.constant 19072 : i32
    %dma_wait3A_79 = tpu.memref_slice %arg7[%dma_wait3A_78] : memref<19328xi32, #tpu.memory_space<vmem>> -> memref<128xi32, #tpu.memory_space<vmem>>
    %dma_wait3A_80 = arith.constant 0 : i32
    %dma_wait3A_81 = arith.constant 0 : i32
    %dma_wait3A_82 = tpu.memref_slice %arg2[%dma_wait3A_80, %dma_wait3A_81] : memref<50000x64xf32, #tpu.memory_space<hbm>> -> memref<50000x64xf32, #tpu.memory_space<hbm>>
    tpu.wait_indirect_dma semaphore(%arg20 : memref<!tpu.dma_semaphore, #tpu.memory_space<semaphore_mem>>) src(%dma_wait3A_82 : memref<50000x64xf32, #tpu.memory_space<hbm>>) dst(%arg11 : memref<128x64xf32, #tpu.memory_space<vmem>>)
    %dma_wait3A_83 = arith.constant 19072 : i32
    %dma_wait3A_84 = tpu.memref_slice %arg8[%dma_wait3A_83] : memref<19328xi32, #tpu.memory_space<vmem>> -> memref<128xi32, #tpu.memory_space<vmem>>
    %dma_wait3A_85 = arith.constant 0 : i32
    %dma_wait3A_86 = arith.constant 0 : i32
    %dma_wait3A_87 = tpu.memref_slice %arg2[%dma_wait3A_85, %dma_wait3A_86] : memref<50000x64xf32, #tpu.memory_space<hbm>> -> memref<50000x64xf32, #tpu.memory_space<hbm>>
    tpu.wait_indirect_dma semaphore(%arg20 : memref<!tpu.dma_semaphore, #tpu.memory_space<semaphore_mem>>) src(%dma_wait3A_87 : memref<50000x64xf32, #tpu.memory_space<hbm>>) dst(%arg12 : memref<128x64xf32, #tpu.memory_space<vmem>>)
    %dma_wait3A_88 = arith.constant 19200 : i32
    %dma_wait3A_89 = tpu.memref_slice %arg7[%dma_wait3A_88] : memref<19328xi32, #tpu.memory_space<vmem>> -> memref<128xi32, #tpu.memory_space<vmem>>
    %dma_wait3A_90 = arith.constant 0 : i32
    %dma_wait3A_91 = arith.constant 0 : i32
    %dma_wait3A_92 = tpu.memref_slice %arg2[%dma_wait3A_90, %dma_wait3A_91] : memref<50000x64xf32, #tpu.memory_space<hbm>> -> memref<50000x64xf32, #tpu.memory_space<hbm>>
    tpu.wait_indirect_dma semaphore(%arg21 : memref<!tpu.dma_semaphore, #tpu.memory_space<semaphore_mem>>) src(%dma_wait3A_92 : memref<50000x64xf32, #tpu.memory_space<hbm>>) dst(%arg13 : memref<128x64xf32, #tpu.memory_space<vmem>>)
    %dma_wait3A_93 = arith.constant 19200 : i32
    %dma_wait3A_94 = tpu.memref_slice %arg8[%dma_wait3A_93] : memref<19328xi32, #tpu.memory_space<vmem>> -> memref<128xi32, #tpu.memory_space<vmem>>
    %dma_wait3A_95 = arith.constant 0 : i32
    %dma_wait3A_96 = arith.constant 0 : i32
    %dma_wait3A_97 = tpu.memref_slice %arg2[%dma_wait3A_95, %dma_wait3A_96] : memref<50000x64xf32, #tpu.memory_space<hbm>> -> memref<50000x64xf32, #tpu.memory_space<hbm>>
    tpu.wait_indirect_dma semaphore(%arg21 : memref<!tpu.dma_semaphore, #tpu.memory_space<semaphore_mem>>) src(%dma_wait3A_97 : memref<50000x64xf32, #tpu.memory_space<hbm>>) dst(%arg14 : memref<128x64xf32, #tpu.memory_space<vmem>>)
    %jit3A_98 = arith.constant 8 : i32
    %eq3A = arith.constant 0 : i32
    %eq3A_99 = arith.cmpi eq, %jit3A_98, %eq3A : i32
    %jit3A_100 = arith.constant 1 : i32
    %select_n3A_101 = arith.select %eq3A_99, %jit3A_100, %jit3A_98 : i32
    %rem3A_102 = arith.remsi %add3A, %select_n3A_101 : i32
    %ne3A_103 = arith.constant 0 : i32
    %ne3A_104 = arith.cmpi ne, %rem3A_102, %ne3A_103 : i32
    %lt3A = arith.constant 0 : i32
    %lt3A_105 = arith.cmpi slt, %rem3A_102, %lt3A : i32
    %lt3A_106 = arith.constant 0 : i32
    %lt3A_107 = arith.cmpi slt, %select_n3A_101, %lt3A_106 : i32
    %ne3A_108 = arith.xori %lt3A_105, %lt3A_107 : i1
    %and3A_109 = arith.andi %ne3A_108, %ne3A_104 : i1
    %add3A_110 = arith.addi %rem3A_102, %select_n3A_101 : i32
    %select_n3A_111 = arith.select %and3A_109, %add3A_110, %rem3A_102 : i32
    %mul3A_112 = arith.constant 150000 : i32
    %mul3A_113 = arith.muli %select_n3A, %mul3A_112 : i32
    %mul3A_114 = arith.constant 18944 : i32
    %mul3A_115 = arith.muli %select_n3A_111, %mul3A_114 : i32
    %add3A_116 = arith.addi %mul3A_113, %mul3A_115 : i32
    %lt3A_117 = arith.constant 7 : i32
    %lt3A_118 = arith.cmpi slt, %select_n3A_111, %lt3A_117 : i32
    %convert_element_type3A = arith.extui %lt3A_118 : i1 to i32
    %cond3A = arith.constant 0 : i32
    %cond3A_119 = arith.cmpi ne, %convert_element_type3A, %cond3A : i32
    scf.if %cond3A_119 {
      "tpu.region"() ({
        %run_scoped3A = tpu.sem_alloc : memref<!tpu.dma_semaphore, #tpu.memory_space<semaphore_mem>>
        %dma_start3A_125 = tpu.memref_slice %arg6[%add3A_116] : memref<600000xf32, #tpu.memory_space<hbm>> -> memref<18944xf32, #tpu.memory_space<hbm>>
        %dma_start3A_126 = tpu.memref_slice %arg6[%add3A_116] : memref<600000xf32, #tpu.memory_space<hbm>> -> memref<18944xf32, #tpu.memory_space<hbm>>
        tpu.enqueue_dma source(%arg18 : memref<18944xf32, #tpu.memory_space<vmem>>) target(%dma_start3A_126 : memref<18944xf32, #tpu.memory_space<hbm>>) target_semaphore(%run_scoped3A : memref<!tpu.dma_semaphore, #tpu.memory_space<semaphore_mem>>)
        %dma_wait3A_127 = tpu.memref_slice %arg6[%add3A_116] : memref<600000xf32, #tpu.memory_space<hbm>> -> memref<18944xf32, #tpu.memory_space<hbm>>
        %dma_wait3A_128 = tpu.memref_slice %arg6[%add3A_116] : memref<600000xf32, #tpu.memory_space<hbm>> -> memref<18944xf32, #tpu.memory_space<hbm>>
        tpu.wait_dma2 semaphore(%run_scoped3A : memref<!tpu.dma_semaphore, #tpu.memory_space<semaphore_mem>>) src(%arg18 : memref<18944xf32, #tpu.memory_space<vmem>>) dst(%dma_wait3A_128 : memref<18944xf32, #tpu.memory_space<hbm>>)
        tpu.yield
      }) : () -> ()
    } else {
    }
    %eq3A_120 = arith.constant 7 : i32
    %eq3A_121 = arith.cmpi eq, %select_n3A_111, %eq3A_120 : i32
    %convert_element_type3A_122 = arith.extui %eq3A_121 : i1 to i32
    %cond3A_123 = arith.constant 0 : i32
    %cond3A_124 = arith.cmpi ne, %convert_element_type3A_122, %cond3A_123 : i32
    scf.if %cond3A_124 {
      "tpu.region"() ({
        %run_scoped3A = tpu.sem_alloc : memref<!tpu.dma_semaphore, #tpu.memory_space<semaphore_mem>>
        %dma_start3A_125 = arith.constant 0 : i32
        %dma_start3A_126 = tpu.memref_slice %arg18[%dma_start3A_125] : memref<18944xf32, #tpu.memory_space<vmem>> -> memref<17392xf32, #tpu.memory_space<vmem>>
        %dma_start3A_127 = tpu.memref_slice %arg6[%add3A_116] : memref<600000xf32, #tpu.memory_space<hbm>> -> memref<17392xf32, #tpu.memory_space<hbm>>
        %dma_start3A_128 = tpu.memref_slice %arg6[%add3A_116] : memref<600000xf32, #tpu.memory_space<hbm>> -> memref<17392xf32, #tpu.memory_space<hbm>>
        %dma_start3A_129 = arith.constant 0 : i32
        %dma_start3A_130 = tpu.memref_slice %arg18[%dma_start3A_129] : memref<18944xf32, #tpu.memory_space<vmem>> -> memref<17392xf32, #tpu.memory_space<vmem>>
        tpu.enqueue_dma source(%dma_start3A_130 : memref<17392xf32, #tpu.memory_space<vmem>>) target(%dma_start3A_128 : memref<17392xf32, #tpu.memory_space<hbm>>) target_semaphore(%run_scoped3A : memref<!tpu.dma_semaphore, #tpu.memory_space<semaphore_mem>>)
        %dma_wait3A_131 = arith.constant 0 : i32
        %dma_wait3A_132 = tpu.memref_slice %arg18[%dma_wait3A_131] : memref<18944xf32, #tpu.memory_space<vmem>> -> memref<17392xf32, #tpu.memory_space<vmem>>
        %dma_wait3A_133 = tpu.memref_slice %arg6[%add3A_116] : memref<600000xf32, #tpu.memory_space<hbm>> -> memref<17392xf32, #tpu.memory_space<hbm>>
        %dma_wait3A_134 = tpu.memref_slice %arg6[%add3A_116] : memref<600000xf32, #tpu.memory_space<hbm>> -> memref<17392xf32, #tpu.memory_space<hbm>>
        %dma_wait3A_135 = arith.constant 0 : i32
        %dma_wait3A_136 = tpu.memref_slice %arg18[%dma_wait3A_135] : memref<18944xf32, #tpu.memory_space<vmem>> -> memref<17392xf32, #tpu.memory_space<vmem>>
        tpu.wait_dma2 semaphore(%run_scoped3A : memref<!tpu.dma_semaphore, #tpu.memory_space<semaphore_mem>>) src(%dma_wait3A_136 : memref<17392xf32, #tpu.memory_space<vmem>>) dst(%dma_wait3A_134 : memref<17392xf32, #tpu.memory_space<hbm>>)
        tpu.yield
      }) : () -> ()
    } else {
    }
    return
  }
}

</mosaic_0001>

<sc_bundles>
// kernel: kernel.3.cloned.1.call-start
scs
__scs_entry_jumppad:
0x0: {  	(pc) =	sbr.rel $0x88, $3  }
0x1: {  	(tag) =	ssettag $0x0;
	lr =	simm.s32 $0x1  }
0x2: {  	[smem:$0x3F9E] =	sst lr;
	_ =	strace $0xD0000000  }
0x3: {  	_ = 	snop  }
0x4: {  	_ = 	snop  }
0x5: {  	_ = 	snop  }
0x6: {  	_ = 	snop  }
0x7: {  	_ = 	snop  }
__scs_overlays_trampoline_lowered:
0x8: {  	[smem:$0x3FAD] =	sst s0  }
0x9: {  	[smem:$0x3FAE] =	sst s1  }
0xa: {  	[smem:$0x3FAF] =	sst s2  }
0xb: {  	[smem:$0x3FB0] =	sst s3  }
0xc: {  	[smem:$0x3FB1] =	sst s4  }
0xd: {  	[smem:$0x3FB2] =	sst s5  }
0xe: {  	[smem:$0x3FB3] =	sst s6  }
0xf: {  	[smem:$0x3FB4] =	sst s7  }
0x10: {  	[smem:$0x3FB5] =	sst s8  }
0x11: {  	[smem:$0x3FB6] =	sst s9;
	s0 =	simm.s32 @!p0 $0x0  }
0x12: {  	s1 =	sld [smem:$0x3F9C];
	s0 =	simm.s32 @p0 $0x1  }
0x13: {  	[smem:$0x3FB7] =	sst s0;
	s0 =	simm.s32 @!p1 $0x0  }
0x14: {  	s2 =	sld [smem:$0x3F9B];
	s0 =	simm.s32 @p1 $0x1  }
0x15: {  	[smem:$0x3FB8] =	sst s0;
	s0 =	simm.s32 @!p2 $0x0  }
0x16: {  	s3 =	sld [smem:$0x3FDB];
	s0 =	simm.s32 @p2 $0x1  }
0x17: {  	s4 =	simm.s32 $0x1BF5;
	[smem:$0x3FBA] =	sst s0  }
0x18: {  	s0 =	sld [smem:$0x3F9D];
	_ =	swait.ge [sflag:s4], $0x0  }
0x19: {  	s7 =	sld [smem:$0x3F9E]  }
0x1a: {  	s8 =	sadd.s32 $0xFFFFE003, lr  }
0x1b: {  	s9 =	sadd.s32 $0xFFFFFEF7, lr;
	s5 =	simm.s32 $0xFFFFFFFF;
	p2 =	slt.u32 s8, $0xFFFFF086  }
0x1c: {  	p1 =	slt.u32 s9, $0xF7A;
	s5 =	simm.s32 @!p2 $0x0  }
0x1d: {  	s5 =	simm.s32 @p1 $0x1;
	p0 =	seq.s32 s7, s2  }
0x1e: {  	s7 =	smul.u32 @!p0 $0xF7A, s2;
	p2 =	seq.s32 @!p0 s5, $0x0  }
0x1f: {  	s9 =	smul.u32 $0xF7A, s1;
	s8 =	simm.s32 @!p0 $0x1BF5;
	p2 =	por !p2, p0  }
0x20: {  	[sflag:s8] =	ssyncset.s32 @!p0 $0xFFFFF086;
	s6 =	sadd.s32 @!p0 s3, s7;
	s7 =	simm.s32 @!p0 $0x108  }
0x21: {  	s3 =	sadd.s32 s3, s9;
	s6 =	sadd.s32 @!p0 $0x88, s6;
	s7 =	simm.s32 @p2 $0x1082  }
0x22: {  	[simem:s7], [sflag:s8] =	dma.local @!p0 [hbm:s6], $0xF7A  }
0x23: {  	s9 =	sor.u32 $0xD0000000, s2;
	s6 =	simm.s32 $0x108;
	_ =	swait.ge @!p0 [sflag:s8], $0x0  }
0x24: {  	s3 =	sadd.s32 $0x88, s3;
	s6 =	simm.s32 @!p1 $0x1082;
	[sflag:s4] =	ssyncset.s32 $0xFFFFF086  }
0x25: {  	[simem:s6], [sflag:s4] =	dma.local [hbm:s3], $0xF7A  }
0x26: {  	[smem:$0x3F9E] =	sst s1;
	(tag) =	ssettag s2;
	_ =	strace s9  }
0x27: {  	s1 =	sld [smem:$0x3FAE]  }
0x28: {  	s2 =	sld [smem:$0x3FAF]  }
0x29: {  	s4 =	sld [smem:$0x3FB1]  }
0x2a: {  	p0 =	seq.s32 s5, $0x0;
	s5 =	sld [smem:$0x3FB2]  }
0x2b: {  	s6 =	sld [smem:$0x3FB3]  }
0x2c: {  	s7 =	sld [smem:$0x3FB4]  }
0x2d: {  	s3 =	simm.s32 $0x108;
	s8 =	sld [smem:$0x3FB5]  }
0x2e: {  	s3 =	simm.s32 @!p0 $0x1082;
	s9 =	sld [smem:$0x3FB6]  }
0x2f: {  	lr =	sadd.s32 s0, s3;
	s0 =	sld [smem:$0x3FAD]  }
0x30: {  	s3 =	sld [smem:$0x3FB0]  }
0x31: {  	[smem:$0x3FB9] =	sst s10  }
0x32: {  	s10 =	sld [smem:$0x3FB7];
	_ =	sdelay $0x3  }
0x33: {  	p0 =	seq.s32 s10, $0x1;
	s10 =	sld [smem:$0x3FB9];
	_ =	sdelay $0x3  }
0x34: {  	[smem:$0x3FB9] =	sst s10  }
0x35: {  	s10 =	sld [smem:$0x3FB8];
	_ =	sdelay $0x3  }
0x36: {  	p1 =	seq.s32 s10, $0x1;
	s10 =	sld [smem:$0x3FB9];
	_ =	sdelay $0x3  }
0x37: {  	[smem:$0x3FB9] =	sst s10  }
0x38: {  	s10 =	sld [smem:$0x3FBA]  }
0x39: {  	_ = 	snop;
	(pc) =	sbr.ind lr, $3  }
0x3a: {  	_ = 	snop  }
0x3b: {  	_ = 	snop  }
0x3c: {  	p2 =	seq.s32 s10, $0x1;
	s10 =	sld [smem:$0x3FB9]  }
0x3d: {  	_ =	shalt  }
0x3e: {  	_ =	shalt  }
0x3f: {  	_ =	shalt  }
0x40: {  	_ =	shalt  }
0x41: {  	_ =	shalt  }
0x42: {  	_ =	shalt  }
0x43: {  	_ =	shalt  }
0x44: {  	_ =	shalt  }
0x45: {  	_ =	shalt  }
0x46: {  	_ =	shalt  }
0x47: {  	_ =	shalt  }
0x48: {  	_ =	shalt  }
0x49: {  	_ =	shalt  }
0x4a: {  	_ =	shalt  }
0x4b: {  	_ =	shalt  }
0x4c: {  	_ =	shalt  }
0x4d: {  	_ =	shalt  }
0x4e: {  	_ =	shalt  }
0x4f: {  	_ =	shalt  }
0x50: {  	_ =	shalt  }
0x51: {  	_ =	shalt  }
0x52: {  	_ =	shalt  }
0x53: {  	_ =	shalt  }
0x54: {  	_ =	shalt  }
0x55: {  	_ =	shalt  }
0x56: {  	_ =	shalt  }
0x57: {  	_ =	shalt  }
0x58: {  	_ =	shalt  }
0x59: {  	_ =	shalt  }
0x5a: {  	_ =	shalt  }
0x5b: {  	_ =	shalt  }
0x5c: {  	_ =	shalt  }
0x5d: {  	_ =	shalt  }
0x5e: {  	_ =	shalt  }
0x5f: {  	_ =	shalt  }
0x60: {  	_ =	shalt  }
0x61: {  	_ =	shalt  }
0x62: {  	_ =	shalt  }
0x63: {  	_ =	shalt  }
0x64: {  	_ =	shalt  }
0x65: {  	_ =	shalt  }
0x66: {  	_ =	shalt  }
0x67: {  	_ =	shalt  }
0x68: {  	_ =	shalt  }
0x69: {  	_ =	shalt  }
0x6a: {  	_ =	shalt  }
0x6b: {  	_ =	shalt  }
0x6c: {  	_ =	shalt  }
0x6d: {  	_ =	shalt  }
0x6e: {  	_ =	shalt  }
0x6f: {  	_ =	shalt  }
0x70: {  	_ =	shalt  }
0x71: {  	_ =	shalt  }
0x72: {  	_ =	shalt  }
0x73: {  	_ =	shalt  }
0x74: {  	_ =	shalt  }
0x75: {  	_ =	shalt  }
0x76: {  	_ =	shalt  }
0x77: {  	_ =	shalt  }
0x78: {  	_ =	shalt  }
0x79: {  	_ =	shalt  }
0x7a: {  	_ =	shalt  }
0x7b: {  	_ =	shalt  }
0x7c: {  	_ =	shalt  }
0x7d: {  	_ =	shalt  }
0x7e: {  	_ =	shalt  }
0x7f: {  	_ =	shalt  }
0x80: {  	_ =	shalt  }
0x81: {  	_ =	shalt  }
0x82: {  	_ =	shalt  }
0x83: {  	_ =	shalt  }
0x84: {  	_ =	shalt  }
0x85: {  	_ =	shalt  }
0x86: {  	_ =	shalt  }
0x87: {  	_ =	shalt  }
.Lfunc_end0:
.L_simem_size_0:
called_computation_lowered:
.L_overlay_start_0:
0x88: {  	s2 =	sld [smem:$0x3FD9]  }
0x89: {  	s3 =	sld [smem:$0x3FFE];
	_ =	sdelay $0x1  }
0x8a: {  	s1 =	srdreg.scid  }
0x8b: {  	s0 =	sand.u32 $0x1, s1  }
0x8c: {  	s17 =	sshll.u32 s0, $0xA;
	s2 =	sadd.s32 s3, s2  }
0x8d: {  	s2 =	sadd.s32 s2, s17  }
0x8e: {  	[smem:$0x3FC5] =	sst s2  }
0x8f: {  	_ = 	snop  }
0x90: {  	s2 =	sld [smem:$0x3FC7];
	(tm) =	ssettm $0x1  }
0x91: {  	s18 =	sld [smem:$0x3FFB];
	_ =	sdelay $0x3  }
0x92: {  	_ =	strace s18  }
0x93: {  	s3 =	sld [smem:$0x3FFC];
	_ =	sdelay $0x3  }
0x94: {  	_ =	strace s3  }
0x95: {  	s3 =	sld [smem:$0x3FFD];
	_ =	sdelay $0x3  }
0x96: {  	_ =	strace s3  }
0x97: {  	_ =	strace $0x8FFFFFFF  }
0x98: {  	s19 =	sld [smem:$0x3FDB];
	_ =	sdelay $0x1  }
0x99: {  	s4 =	simm.s32 $_scs_section_size  }
0x9a: {  	s5 =	simm.s32 $_size__tile_overlayer_lowered;
	s6 =	simm.s32 $_tile_overlayer_lowered  }
0x9b: {  	s22 =	simm.s32 $0x1BFF;
	s21 =	sshll.u32 s6, $0x1;
	s3 =	sadd.s32 s4, s19  }
0x9c: {  	s7 =	simm.s32 $0x0;
	s20 =	sshll.u32 s5, $0x1;
	s5 =	sadd.s32 s21, s3  }
0x9d: {  	[timem:s7], [sflag:s22] =	dma.local [hbm:s5], s20  }
0x9e: {  	_ =	swait.ge [sflag:s22], s20  }
0x9f: {  	s4 =	ssub.s32 $0x0, s20;
	[sflag:s22] =	ssyncset.done $0x0  }
0xa0: {  	[sflag:s22] =	ssyncadd.s32 s4;
	_ =	sdelay $0x1  }
0xa1: {  	s23 =	simm.s32 $0x1B8B  }
0xa2: {  	_ =	swait.ge [sflag:s23], $0x1  }
0xa3: {  	[sflag:s23] =	ssyncset.done $0x0  }
0xa4: {  	s25 =	simm.s32 $0x1B8E;
	s24 =	sld [smem:$0x3FFE];
	[sflag:s23] =	ssyncadd.s32 $0xFFFFFFFF  }
0xa5: {  	s26 =	simm.s32 $execute0_lowered;
	[smem:$0x3FD2] =	sst s25  }
0xa6: {  	s5 =	sshll.u32 s26, $0x1;
	_ =	strace $0x80000046;
	[dreg:$0x1] =	wrdreg $0xFFFFFFFF  }
0xa7: {  	s28 =	simm.s32 $_size_execute0_lowered;
	s3 =	sadd.s32 s3, s5;
	[dreg:$0x0] =	wrdreg $0x0  }
0xa8: {  	s5 =	sshll.u32 s28, $0x1;
	[dreg:$0x2] =	wrdreg s3  }
0xa9: {  	[dreg:$0x3] =	wrdreg s5  }
0xaa: {  	[dreg:$0x4] =	wrdreg $0xC0  }
0xab: {  	_ =	task [dreg:s7], $0x5FFFF  }
0xac: {  	[dreg:$0x1] =	wrdreg $0xFFFFFFFF  }
0xad: {  	[dreg:$0x0] =	wrdreg $0x60  }
0xae: {  	[dreg:$0x2] =	wrdreg s24  }
0xaf: {  	[dreg:$0x3] =	wrdreg s2  }
0xb0: {  	[dreg:$0x4] =	wrdreg $0x9  }
0xb1: {  	_ =	task.clear_ibuf [dreg:s7], $0x5FFFF;
	_ =	strace $0x90000046  }
0xb2: {  	s29 =	simm.s32 $0x9;
	_ =	strace $0x80000048  }
0xb3: {  	_ =	swait.ge [sflag:s29], $0x1  }
0xb4: {  	[sflag:s29] =	ssyncadd.s32 $0xFFFFFFFF  }
0xb5: {  	_ =	strace $0x90000048  }
0xb6: {  	_ =	sfence  }
0xb7: {  	s30 =	sld [smem:$0x0];
	_ =	sdelay $0x2  }
0xb8: {  	s31 =	sshll.u32 s1, $0xD;
	s1 =	sshrl.u32 s1, $0x2  }
0xb9: {  	s3 =	sand.u32 $0x4000, s31;
	s1 =	sadd.s32 s1, s30  }
0xba: {  	s0 =	sor.u32 s3, s0;
	s1 =	sshll.u32 s1, $0x11  }
0xbb: {  	s0 =	sor.u32 s1, s0  }
0xbc: {  	s0 =	sadd.s32 $0x8F2B, s0  }
0xbd: {  	[sflag:s0] =	ssyncadd.remote.s32 $0x1  }
0xbe: {  	_ =	sfence.sel $0xFFFF  }
0xbf: {  	[dreg:$0x0] =	wrdreg $0xFFFFFFFF;
	(pc) =	sbr.abs _section_cstart, $3  }
0xc0: {  	[dreg:$0x1] =	wrdreg $0xFFFFFFFF  }
0xc1: {  	_ =	task.clear_ibuf [dreg:s7], $0x2FFFF;
	_ =	strace $0x9FFFFFFF  }
0xc2: {  	(tm) =	ssettm $0x7FFFFFFF  }
0xc3: {  	_ =	shalt  }
tec
execute0_lowered:
.L_overlay_start_1:
0x0: {  	(tag) =	ssettag $0x1  }
0x1: {  	s0 =	srdreg.scid;
	s4 =	rddreg [dreg:$0x0]  }
0x2: {  	s2 =	stileid.u32;
	s6 =	rddreg [dreg:$0x1]  }
0x3: {  	s25 =	simm.s32 $0x0;
	s10 =	simm.s32 $0x5;
	s12 =	simm.s32 $0x80  }
0x4: {  	s13 =	simm.s32 $0x9700;
	s14 =	simm.s32 $0xB700;
	s15 =	simm.s32 $0xD700  }
0x5: {  	s17 =	simm.s32 $0xF700;
	s19 =	simm.s32 $0x11700;
	s21 =	simm.s32 $0x13700  }
0x6: {  	s22 =	simm.s32 $0x15700;
	s23 =	simm.s32 $0x17700;
	s24 =	simm.s32 $0x1  }
0x7: {  	s28 =	simm.s32 $0x4;
	s29 =	simm.s32 $0x0;
	s0 =	sand.u32 $0x1, s0  }
0x8: {  	s1 =	sshll.u32 s2, $0x1;
	s5 =	sshrl.u32 s2, $0x2;
	[smem:$0x7FF] =	sst s25  }
0x9: {  	s3 =	sadd.s32 $0xC4A00, s4;
	s25 =	simm.s32 $0x2;
	s1 =	sor.u32 s0, s1  }
0xa: {  	s7 =	smul.u32 $0x249F0, s5;
	_ =	strace $0x80000047;
	s0 =	ssub.s32 $0x2, s0  }
0xb: {  	s5 =	sshll.u32 s5, $0x4;
	s8 =	sand.u32 $0x7, s1;
	s1 =	smul.u32 $0x940, s1  }
0xc: {  	s26 =	sshrl.u32 s0, $0x1;
	s30 =	sadd.s32 s6, s5;
	s9 =	smul.u32 $0x4A00, s8  }
0xd: {  	s0 =	ssub.s32 s0, s26;
	[dreg:$0x3] =	wrdreg s30;
	p0 =	seq.s32 s8, $0x7  }
0xe: {  	s1 =	sadd.s32 s1, s4;
	s0 =	smax.u32 s0, $0x1;
	s7 =	sadd.s32 s7, s9  }
0xf: {  	s31 =	sadd.s32 $0x13E00, s1;
	[dreg:$0x6] =	wrdreg s0;
	s7 =	sshrl.u32 s7, $0x3  }
0x10: {  	s1 =	sadd.s32 $0x1400, s1;
	[dreg:$0x4] =	wrdreg s31;
	s4 =	sadd.s32 s7, s4  }
0x11: {  	v0 =	vlaneseq.u32;
	s26 =	simm.s32 $0x3;
	[dreg:$0x5] =	wrdreg s1;
	s7 =	sadd.s32 $0x26800, s4  }
.LBB2_1:
0x12: {  	s0 =	simm.s32 $0x0;
	s1 =	rddreg [dreg:$0x3];
	s2 =	simm.s32 $0x19700  }
0x13: {  	[tilespmem:s2], [sflag:$0x5] =	stream.linear.gather [hbm4b:s1+s0], $0x80, $0x38;
	[tilespmem:$0x1E180] =	vst v63  }
0x14: {  	_ =	swait.ge [sflag:s10], $0x80  }
0x15: {  	[sflag:s10] =	ssyncset.done $0x0  }
0x16: {  	s9 =	rddreg [dreg:$0x4];
	[sflag:s10] =	ssyncadd.s32 $0xFFFFFF80  }
0x17: {  	[tilespmem:s0], [sflag:$0x5] =	stream.linear.gather [hbm4b:s9+s0], $0x4B80, $0x38;
	[tilespmem:$0x1E180] =	vst v63  }
0x18: {  	_ =	swait.ge [sflag:s10], $0x4B80  }
0x19: {  	[sflag:s10] =	ssyncset.done $0x0  }
0x1a: {  	s16 =	simm.s32 $0x4B80;
	s11 =	rddreg [dreg:$0x5];
	[sflag:s10] =	ssyncadd.s32 $0xFFFFB480  }
0x1b: {  	[tilespmem:s16], [sflag:$0x5] =	stream.linear.gather [hbm4b:s11+s0], $0x4B80, $0x38;
	[tilespmem:$0x1E180] =	vst v63  }
0x1c: {  	_ =	swait.ge [sflag:s10], $0x4B80  }
0x1d: {  	[sflag:s10] =	ssyncset.done $0x0  }
0x1e: {  	[sflag:s10] =	ssyncadd.s32 $0xFFFFB480  }
0x1f: {  	v1 =	vld [tilespmem:$0x19700]  }
0x20: {  	v2 =	vld [tilespmem:$0x19740]  }
0x21: {  	v3 =	vld [tilespmem:$0x19710]  }
0x22: {  	v4 =	vld [tilespmem:$0x19750]  }
0x23: {  	v5 =	vld [tilespmem:$0x19720]  }
0x24: {  	v6 =	vld [tilespmem:$0x19760]  }
0x25: {  	v7 =	vld [tilespmem:$0x19730]  }
0x26: {  	v8 =	vld [tilespmem:$0x19770];
	[tilespmem:s13], [sflag:$0x1] =	stream.indirect.gather [hbm4b:s3+s12], $0x40, s0, s12, $0xb8  }
0x27: {  	_ = 	snop  }
0x28: {  	[tilespmem:s14], [sflag:$0x1] =	stream.indirect.gather [hbm4b:s3+s12], $0x40, s16, s12, $0xb8;
	[tilespmem:$0x1E180] =	vst v63  }
0x29: {  	_ = 	snop  }
0x2a: {  	[tilespmem:s15], [sflag:$0x2] =	stream.indirect.gather [hbm4b:s3+s12], $0x40, s12, s12, $0xb8;
	[tilespmem:$0x1E180] =	vst v63  }
0x2b: {  	s18 =	simm.s32 $0x4C00  }
0x2c: {  	[tilespmem:s17], [sflag:$0x2] =	stream.indirect.gather [hbm4b:s3+s12], $0x40, s18, s12, $0xb8;
	[tilespmem:$0x1E180] =	vst v63  }
0x2d: {  	s20 =	simm.s32 $0x100  }
0x2e: {  	[tilespmem:s19], [sflag:$0x3] =	stream.indirect.gather [hbm4b:s3+s12], $0x40, s20, s12, $0xb8;
	[tilespmem:$0x1E180] =	vst v63  }
0x2f: {  	s31 =	simm.s32 $0x4C80;
	s30 =	simm.s32 $0x0  }
0x30: {  	[tilespmem:s21], [sflag:$0x3] =	stream.indirect.gather [hbm4b:s3+s12], $0x40, s31, s12, $0xb8;
	[tilespmem:$0x1E180] =	vst v63  }
.LBB2_2:
0x31: {  	s1 =	sshll.u32 s30, $0x9  }
0x32: {  	s31 =	sor.u32 $0x180, s1  }
0x33: {  	[tilespmem:s22], [sflag:$0x4] =	stream.indirect.gather [hbm4b:s3+s12], $0x40, s31, s12, $0xb8;
	[tilespmem:$0x1E180] =	vst v63  }
0x34: {  	s0 =	sadd.s32 $0x4D00, s1  }
0x35: {  	[tilespmem:s23], [sflag:$0x4] =	stream.indirect.gather [hbm4b:s3+s12], $0x40, s0, s12, $0xb8;
	[tilespmem:$0x1E180] =	vst v63  }
0x36: {  	_ =	swait.ge [sflag:s24], $0x2000  }
0x37: {  	[sflag:s24] =	ssyncset.done $0x0  }
0x38: {  	[sflag:s24] =	ssyncadd.s32 $0xFFFFE000  }
0x39: {  	s0 =	sand.u32 $0x3FFFFE00, s1;
	_ =	swait.ge [sflag:s24], $0x2000  }
0x3a: {  	s9 =	simm.s32 $0x0;
	s4 =	sadd.s32 $0x19780, s0;
	[sflag:s24] =	ssyncset.done $0x0  }
0x3b: {  	s6 =	simm.s32 $0xB780;
	s18 =	simm.s32 $0x9780;
	v9 =	vmov s4;
	[sflag:s24] =	ssyncadd.s32 $0xFFFFE000  }
.LBB2_3:
0x3c: {  	v10 =	vld [tilespmem:s18+$0x0]  }
0x3d: {  	v11 =	vld [tilespmem:s6+$0x0]  }
0x3e: {  	v12 =	vld [tilespmem:s6+$0x10]  }
0x3f: {  	v13 =	vld [tilespmem:s18+$0x10]  }
0x40: {  	v16 =	vld [tilespmem:s6+$0xFFFFFFD0]  }
0x41: {  	v17 =	vld [tilespmem:s18+$0xFFFFFFD0]  }
0x42: {  	v18 =	vld [tilespmem:s18+$0xFFFFFF80]  }
0x43: {  	v20 =	vld [tilespmem:s6+$0xFFFFFF80]  }
0x44: {  	v21 =	vld [tilespmem:s6+$0xFFFFFFC0]  }
0x45: {  	v27 =	vld [tilespmem:s18+$0xFFFFFFC0]  }
0x46: {  	v29 =	vld [tilespmem:s18+$0x30]  }
0x47: {  	v30 =	vld [tilespmem:s6+$0x30]  }
0x48: {  	v46 =	vld [tilespmem:s18+$0xFFFFFFB0]  }
0x49: {  	v47 =	vld [tilespmem:s6+$0xFFFFFFB0]  }
0x4a: {  	v31 =	vld [tilespmem:s6+$0x50]  }
0x4b: {  	v50 =	vld [tilespmem:s18+$0x50]  }
0x4c: {  	v12 =	vmul.bf16 v12, v13  }
0x4d: {  	v14 =	vld [tilespmem:s18+$0x20];
	v11 =	vmul.bf16 v11, v10;
	v16 =	vmul.bf16 v16, v17  }
0x4e: {  	v15 =	vld [tilespmem:s6+$0x20];
	v18 =	vmul.bf16 v20, v18;
	v21 =	vmul.bf16 v21, v27  }
0x4f: {  	v19 =	vld [tilespmem:s6+$0xFFFFFF90];
	v49 =	vmul.bf16 v30, v29;
	v52 =	vmul.bf16 v47, v46  }
0x50: {  	v24 =	vld [tilespmem:s18+$0xFFFFFFA0];
	v56 =	vmul.bf16 v31, v50;
	v10 =	vunpack.i.u.bf16.f32 v12;
	v12 =	vunpack.i.l.bf16.f32 v12  }
0x51: {  	v13 =	vld [tilespmem:s18+$0xFFFFFF90];
	v17 =	vunpack.i.u.bf16.f32 v11;
	v25 =	vunpack.i.l.bf16.f32 v11;
	v11 =	vunpack.i.l.bf16.f32 v16  }
0x52: {  	v55 =	vld [tilespmem:s6+$0x60];
	v28 =	vunpack.i.l.bf16.f32 v18;
	v18 =	vunpack.i.u.bf16.f32 v18;
	v22 =	vmul.f32 v10, v4  }
0x53: {  	v20 =	vld [tilespmem:s18+$0xFFFFFFE0];
	v48 =	vunpack.i.l.bf16.f32 v21;
	v23 =	vmul.f32 v12, v3;
	v17 =	vmul.f32 v17, v2  }
0x54: {  	v32 =	vunpack.i.l.bf16.f32 v49;
	v12 =	vmul.bf16 v15, v14;
	v14 =	vld [tilespmem:s6+$0xFFFFFFA0];
	v28 =	vmul.f32 v28, v1  }
0x55: {  	v15 =	vunpack.i.u.bf16.f32 v16;
	v16 =	vld [tilespmem:s6+$0xFFFFFFE0];
	v18 =	vmul.f32 v18, v2;
	v44 =	vmul.f32 v25, v1  }
0x56: {  	v57 =	vld [tilespmem:s18+$0x60];
	v10 =	vimm.f32 $0.0e+00;
	v60 =	vmul.f32 v32, v7;
	v13 =	vmul.bf16 v19, v13  }
0x57: {  	v15 =	vmul.f32 v15, v4;
	v19 =	vmul.f32 v11, v3;
	v11 =	vunpack.i.l.bf16.f32 v12  }
0x58: {  	v12 =	vunpack.i.u.bf16.f32 v12;
	v22 =	vadd.f32 v23, v22;
	v26 =	vunpack.i.l.bf16.f32 v13  }
0x59: {  	v13 =	vunpack.i.u.bf16.f32 v13;
	v26 =	vmul.f32 v26, v3;
	v14 =	vmul.bf16 v14, v24  }
0x5a: {  	v18 =	vadd.f32 v28, v18;
	v23 =	vld [tilespmem:s18+$0xFFFFFFF0];
	v13 =	vmul.f32 v13, v4;
	v16 =	vmul.bf16 v16, v20  }
0x5b: {  	v17 =	vadd.f32 v44, v17;
	v28 =	vmul.bf16 v55, v57;
	v19 =	vadd.f32 v19, v15;
	v20 =	vld [tilespmem:s6+$0xFFFFFFF0]  }
0x5c: {  	v45 =	vunpack.i.u.bf16.f32 v14;
	v15 =	vunpack.i.l.bf16.f32 v16;
	v13 =	vadd.f32 v26, v13  }
0x5d: {  	v16 =	vunpack.i.u.bf16.f32 v16;
	v26 =	vmul.f32 v48, v1;
	v25 =	vmul.f32 v45, v6  }
0x5e: {  	v14 =	vunpack.i.l.bf16.f32 v14;
	v15 =	vmul.f32 v15, v5;
	v16 =	vmul.f32 v16, v6  }
0x5f: {  	v51 =	vmul.f32 v14, v5;
	v14 =	vunpack.i.u.bf16.f32 v21;
	v21 =	vld [tilespmem:s6+$0x40];
	v13 =	vadd.f32 v13, v18  }
0x60: {  	v20 =	vmul.bf16 v20, v23;
	v23 =	vmul.f32 v14, v2;
	v14 =	vadd.f32 v15, v16;
	v16 =	vld [tilespmem:s18+$0x40]  }
0x61: {  	v18 =	vadd.f32 v51, v25;
	v15 =	vunpack.i.u.bf16.f32 v49;
	v25 =	vunpack.i.l.bf16.f32 v56  }
0x62: {  	v54 =	vmul.f32 v15, v8;
	v25 =	vmul.f32 v25, v3;
	v53 =	vunpack.i.l.bf16.f32 v20  }
0x63: {  	v15 =	vunpack.i.u.bf16.f32 v20;
	v13 =	vadd.f32 v18, v13;
	v20 =	vmul.f32 v53, v7  }
0x64: {  	v58 =	vmul.f32 v15, v8;
	v15 =	vadd.f32 v22, v17;
	v22 =	vunpack.i.l.bf16.f32 v52  }
0x65: {  	v17 =	vunpack.i.u.bf16.f32 v52;
	v22 =	vmul.f32 v22, v7;
	v21 =	vmul.bf16 v21, v16  }
0x66: {  	v59 =	vld [tilespmem:s18+$0x70];
	v17 =	vmul.f32 v17, v8;
	v16 =	vadd.f32 v20, v58;
	v20 =	vunpack.i.u.bf16.f32 v56  }
0x67: {  	v61 =	vld [tilespmem:s6+$0x70];
	v20 =	vmul.f32 v20, v4;
	v18 =	vunpack.i.u.bf16.f32 v21;
	v21 =	vunpack.i.l.bf16.f32 v21  }
0x68: {  	v62 =	vunpack.i.l.bf16.f32 v28;
	v18 =	vmul.f32 v18, v2;
	v21 =	vmul.f32 v21, v1  }
0x69: {  	v23 =	vadd.f32 v26, v23;
	v17 =	vadd.f32 v22, v17;
	v22 =	vunpack.i.u.bf16.f32 v28  }
0x6a: {  	v25 =	vadd.f32 v25, v20;
	v20 =	vmul.f32 v22, v6;
	v63 =	vadd.f32 v21, v18  }
0x6b: {  	s20 =	sshll.u32 s9, $0x4;
	s4 =	simm.s32 $0x4;
	v22 =	vmul.f32 v62, v5;
	v18 =	vadd.f32 v17, v13;
	v17 =	vadd.f32 v60, v54  }
0x6c: {  	s5 =	sadd.s32 $0x100, s18;
	s16 =	smov.u32 s6;
	s11 =	simm.s32 $0x0;
	v21 =	vadd.f32 v19, v23;
	v23 =	vmul.bf16 v61, v59;
	v19 =	vadd.f32 v25, v63  }
.LBB2_4:
0x6d: {  	p1 =	sne.s32 s4, $0xC  }
0x6e: {  	v13 =	vld [tilespmem:s5+$0x30];
	v20 =	vadd.f32 v22, v20;
	s16 =	sadd.s32 $0x100, s16;
	(xrf2) =	vadd.scan.msk.f32 $0xffff, v18;
	s8 =	smov.u32 s4;
	s4 =	sadd.s32 $0x4, s4  }
0x6f: {  	v18 =	vld [tilespmem:s5+$0x0];
	v14 =	vadd.f32 v14, v21;
	v21 =	vunpack.i.u.bf16.f32 v23;
	v22 =	vunpack.i.l.bf16.f32 v23  }
0x70: {  	v23 =	vld [tilespmem:s16+$0x0];
	v19 =	vadd.f32 v20, v19;
	v20 =	vmul.f32 v22, v7;
	v21 =	vmul.f32 v21, v8  }
0x71: {  	v11 =	vmul.f32 v11, v5;
	v12 =	vmul.f32 v12, v6;
	v22 =	vld [tilespmem:s16+$0x10];
	v14 =	vadd.f32 v16, v14  }
0x72: {  	v16 =	vld [tilespmem:s5+$0x10];
	v20 =	vadd.f32 v20, v21  }
0x73: {  	v11 =	vadd.f32 v11, v12;
	v21 =	vld [tilespmem:s5+$0x20];
	(xrf2) =	vadd.scan.msk.f32 $0xffff, v14  }
0x74: {  	v12 =	vld [tilespmem:s16+$0x20];
	v14 =	vadd.f32 v20, v19  }
0x75: {  	v11 =	vadd.f32 v11, v15;
	v19 =	vld [tilespmem:s16+$0xFFFFFFD0]  }
0x76: {  	v15 =	vld [tilespmem:s5+$0xFFFFFFD0];
	(xrf2) =	vadd.scan.msk.f32 $0xffff, v14  }
0x77: {  	v11 =	vadd.f32 v17, v11;
	v14 =	vld [tilespmem:s16+$0xFFFFFFC0];
	v16 =	vmul.bf16 v22, v16  }
0x78: {  	v20 =	vmov s11;
	v17 =	vld [tilespmem:s5+$0xFFFFFF80];
	v22, _, _ =	vpop (xrf2)  }
0x79: {  	v18 =	vmul.bf16 v23, v18;
	vm0 =	veq.s32 v20, v0;
	v24 =	vld [tilespmem:s16+$0xFFFFFF90];
	v23 =	vunpack.i.u.bf16.f32 v16;
	(xrf2) =	vadd.scan.msk.f32 $0xffff, v11  }
0x7a: {  	v16 =	vunpack.i.l.bf16.f32 v16;
	v22 =	vbroadcast v22, $0xF;
	v11 =	vld [tilespmem:s5+$0xFFFFFF90];
	v20 =	vmul.f32 v23, v4  }
0x7b: {  	v16 =	vmul.f32 v16, v3;
	v23 =	vld [tilespmem:s16+$0xFFFFFF80];
	v15 =	vmul.bf16 v19, v15;
	v19 =	vunpack.i.u.bf16.f32 v18  }
0x7c: {  	s2 =	sadd.s32 $0x1, s11;
	v18 =	vunpack.i.l.bf16.f32 v18;
	v25 =	vld [tilespmem:s5+$0xFFFFFFC0];
	v19 =	vmul.f32 v19, v2  }
0x7d: {  	v12 =	vmul.bf16 v12, v21;
	v26 =	vld [tilespmem:s5+$0xFFFFFFA0];
	v27 =	vunpack.i.u.bf16.f32 v15;
	v15 =	vunpack.i.l.bf16.f32 v15;
	v21, _, _ =	vpop (xrf2)  }
0x7e: {  	v10 =	vsel vm0, v22, v10;
	v28 =	vld [tilespmem:s16+$0xFFFFFFA0];
	v15 =	vmul.f32 v15, v3;
	v21 =	vbroadcast v21, $0xF  }
0x7f: {  	v30 =	vmov s2;
	v22 =	vmul.bf16 v24, v11;
	v24 =	vld [tilespmem:s16+$0xFFFFFFE0];
	v11 =	vunpack.i.l.bf16.f32 v12  }
0x80: {  	vm0 =	veq.s32 v30, v0;
	v12 =	vunpack.i.u.bf16.f32 v12;
	v17 =	vmul.bf16 v23, v17;
	v23 =	vld [tilespmem:s5+$0xFFFFFFE0];
	v29, _, _ =	vpop (xrf2)  }
0x81: {  	v10 =	vsel vm0, v21, v10;
	v30 =	vunpack.i.u.bf16.f32 v22;
	v22 =	vunpack.i.l.bf16.f32 v22;
	v31 =	vld [tilespmem:s5+$0xFFFFFFB0]  }
0x82: {  	v27 =	vmul.f32 v27, v4;
	v21 =	vunpack.i.l.bf16.f32 v17;
	v22 =	vmul.f32 v22, v3  }
0x83: {  	s2 =	sadd.s32 $0x2, s11;
	v18 =	vmul.f32 v18, v1;
	v17 =	vunpack.i.u.bf16.f32 v17;
	v21 =	vmul.f32 v21, v1;
	v32 =	vld [tilespmem:s16+$0x30];
	v33, _, _ =	vpop (xrf2)  }
0x84: {  	v35 =	vmov s2;
	v17 =	vmul.f32 v17, v2;
	v34 =	vld [tilespmem:s16+$0xFFFFFFB0];
	v33 =	vbroadcast v33, $0xF  }
0x85: {  	v16 =	vadd.f32 v16, v20;
	v20 =	vbroadcast v29, $0xF;
	v26 =	vmul.bf16 v28, v26  }
0x86: {  	vm0 =	veq.s32 v35, v0;
	v17 =	vadd.f32 v21, v17;
	v21 =	vmul.f32 v30, v4;
	v28 =	vld [tilespmem:s5+$0xFFFFFFF0]  }
0x87: {  	s2 =	sadd.s32 $0x3, s11;
	s11 =	smov.u32 s8;
	v14 =	vmul.bf16 v14, v25;
	v29 =	vunpack.i.u.bf16.f32 v26;
	v23 =	vmul.bf16 v24, v23  }
0x88: {  	v24 =	vunpack.i.l.bf16.f32 v26;
	v25 =	vmul.f32 v29, v6;
	v10 =	vsel vm0, v33, v10;
	v26 =	vld [tilespmem:s16+$0xFFFFFFF0]  }
0x89: {  	v27 =	vadd.f32 v15, v27;
	v29 =	vmov s2;
	v15 =	vunpack.i.l.bf16.f32 v23  }
0x8a: {  	v21 =	vadd.f32 v22, v21;
	v22 =	vunpack.i.u.bf16.f32 v23;
	vm0 =	veq.s32 v29, v0  }
0x8b: {  	v23 =	vunpack.i.l.bf16.f32 v14;
	v15 =	vmul.f32 v15, v5;
	v10 =	vsel vm0, v20, v10;
	v29 =	vld [tilespmem:s16+$0x50]  }
0x8c: {  	v18 =	vadd.f32 v18, v19;
	v20 =	vmul.f32 v22, v6;
	v13 =	vmul.bf16 v32, v13;
	v19 =	vld [tilespmem:s5+$0x50]  }
0x8d: {  	v14 =	vunpack.i.u.bf16.f32 v14;
	v22 =	vmul.f32 v24, v5;
	v24 =	vmul.bf16 v26, v28;
	v26 =	vld [tilespmem:s16+$0x40]  }
0x8e: {  	v28 =	vmul.f32 v14, v2;
	v14 =	vadd.f32 v15, v20;
	v20 =	vunpack.i.l.bf16.f32 v13;
	v30 =	vld [tilespmem:s5+$0x40]  }
0x8f: {  	v17 =	vadd.f32 v21, v17;
	v21 =	vadd.f32 v22, v25;
	v13 =	vunpack.i.u.bf16.f32 v13  }
0x90: {  	v22 =	vmul.bf16 v34, v31;
	v13 =	vmul.f32 v13, v8;
	v15 =	vunpack.i.l.bf16.f32 v24;
	v25 =	vld [tilespmem:s16+$0x60]  }
0x91: {  	v24 =	vunpack.i.u.bf16.f32 v24;
	v31 =	vmul.f32 v15, v7;
	v19 =	vmul.bf16 v29, v19;
	v29 =	vld [tilespmem:s5+$0x60]  }
0x92: {  	v23 =	vmul.f32 v23, v1;
	v24 =	vmul.f32 v24, v8;
	v15 =	vadd.f32 v16, v18  }
0x93: {  	v18 =	vunpack.i.u.bf16.f32 v22;
	v16 =	vunpack.i.l.bf16.f32 v22;
	v22 =	vmul.bf16 v26, v30  }
0x94: {  	v26 =	vmul.f32 v16, v7;
	v16 =	vadd.f32 v31, v24;
	v24 =	vunpack.i.u.bf16.f32 v19  }
0x95: {  	v17 =	vadd.f32 v21, v17;
	v18 =	vmul.f32 v18, v8;
	v21 =	vunpack.i.u.bf16.f32 v22;
	v30 =	vld [tilespmem:s5+$0x70]  }
0x96: {  	v31 =	vmul.f32 v20, v7;
	v19 =	vunpack.i.l.bf16.f32 v19;
	v20 =	vmul.f32 v24, v4;
	v24 =	vld [tilespmem:s16+$0x70]  }
0x97: {  	v22 =	vunpack.i.l.bf16.f32 v22;
	v21 =	vmul.f32 v21, v2;
	v25 =	vmul.bf16 v25, v29  }
.Ltmp0:
0x98: {  	v23 =	vadd.f32 v23, v28;
	v19 =	vmul.f32 v19, v3;
	v22 =	vmul.f32 v22, v1;
	(pc) =	sbr.rel @p1 .LBB2_4-.Ltmp0, $4  }
0x99: {  	v18 =	vadd.f32 v26, v18;
	v26 =	vunpack.i.u.bf16.f32 v25;
	v25 =	vunpack.i.l.bf16.f32 v25  }
0x9a: {  	v19 =	vadd.f32 v19, v20;
	v28 =	vadd.f32 v22, v21;
	v20 =	vmul.f32 v26, v6  }
0x9b: {  	v18 =	vadd.f32 v18, v17;
	v17 =	vadd.f32 v31, v13;
	v22 =	vmul.f32 v25, v5  }
0x9c: {  	s5 =	sadd.s32 $0x100, s5;
	v21 =	vadd.f32 v27, v23;
	v19 =	vadd.f32 v19, v28;
	v23 =	vmul.bf16 v24, v30  }
0x9d: {  	v11 =	vmul.f32 v11, v5  }
0x9e: {  	v12 =	vmul.f32 v12, v6;
	v13 =	vunpack.i.u.bf16.f32 v23;
	v53 =	vunpack.i.l.bf16.f32 v23  }
0x9f: {  	v20 =	vadd.f32 v22, v20;
	v54 =	vmul.f32 v53, v7;
	v13 =	vmul.f32 v13, v8  }
0xa0: {  	v14 =	vadd.f32 v14, v21;
	v11 =	vadd.f32 v11, v12  }
0xa1: {  	(xrf2) =	vadd.scan.msk.f32 $0xffff, v18;
	v55 =	vadd.f32 v20, v19;
	v13 =	vadd.f32 v54, v13  }
0xa2: {  	v14 =	vadd.f32 v16, v14;
	v11 =	vadd.f32 v11, v15  }
0xa3: {  	v12 =	vadd.f32 v13, v55  }
0xa4: {  	(xrf2) =	vadd.scan.msk.f32 $0xffff, v14;
	v11 =	vadd.f32 v17, v11  }
0xa5: {  	(xrf2) =	vadd.scan.msk.f32 $0xffff, v12  }
0xa6: {  	(xrf2) =	vadd.scan.msk.f32 $0xffff, v11;
	_ =	sdelay $0x4  }
0xa7: {  	v11, _, _ =	vpop (xrf2)  }
0xa8: {  	v11 =	vbroadcast v11, $0xF;
	_ =	sdelay $0x1  }
0xa9: {  	v56 =	vmov s11;
	s2 =	sadd.s32 $0x1, s11;
	v57, _, _ =	vpop (xrf2)  }
0xaa: {  	s8 =	sadd.s32 $0x2, s11;
	vm0 =	veq.s32 v56, v0;
	v59 =	vmov s2;
	v60, _, _ =	vpop (xrf2)  }
0xab: {  	s16 =	sadd.s32 $0x3, s11;
	v61 =	vmov s8;
	v10 =	vsel vm0, v11, v10;
	v58 =	vbroadcast v57, $0xF;
	v11, _, _ =	vpop (xrf2)  }
0xac: {  	v63 =	vmov s16;
	vm13 =	veq.s32 v59, v0;
	v11 =	vbroadcast v11, $0xF  }
0xad: {  	vm14 =	veq.s32 v61, v0;
	v10 =	vsel vm13, v58, v10;
	v62 =	vbroadcast v60, $0xF  }
0xae: {  	vm15 =	veq.s32 v63, v0;
	v10 =	vsel vm14, v11, v10  }
0xaf: {  	v10 =	vsel vm15, v62, v10  }
0xb0: {  	v10 =	vsub.f32 $0.0e+00, v10;
	_ =	sdelay $0x1  }
0xb1: {  	v10 =	vmul.f32 $1.442695020e+00, v10;
	_ =	sdelay $0x1  }
0xb2: {  	(erf) = vpow2.f32 v10;
	_ =	sdelay $0x8  }
0xb3: {  	v10 =	vpop (erf)  }
0xb4: {  	v10 =	vadd.f32 $1.000000000e+00, v10;
	_ =	sdelay $0x1  }
0xb5: {  	(erf) = vrcp.f32 v10;
	_ =	sdelay $0x3  }
0xb6: {  	s9 =	sadd.s32 $0x1, s9  }
0xb7: {  	p1 =	sne.s32 s9, $0x8  }
.Ltmp1:
0xb8: {  	_ = 	snop;
	(pc) =	sbr.rel @p1 .LBB2_3-.Ltmp1, $3  }
0xb9: {  	_ =	sdelay $0x1  }
0xba: {  	v10 =	vpop (erf)  }
0xbb: {  	s6 =	sadd.s32 $0x400, s6;
	s18 =	sadd.s32 $0x400, s18;
	[tilespmem:v9+s20+$0x0 ss:$0x1] =	vst.idx.msk $0xffff, v10  }
0xbc: {  	s2 =	sadd.s32 $0x200, s1  }
0xbd: {  	[tilespmem:s13], [sflag:$0x1] =	stream.indirect.gather [hbm4b:s3+s12], $0x40, s2, s12, $0xb8;
	[tilespmem:$0x1E180] =	vst v63  }
0xbe: {  	s18 =	sadd.s32 $0x4D80, s1  }
0xbf: {  	[tilespmem:s14], [sflag:$0x1] =	stream.indirect.gather [hbm4b:s3+s12], $0x40, s18, s12, $0xb8;
	[tilespmem:$0x1E180] =	vst v63  }
0xc0: {  	_ =	swait.ge [sflag:s25], $0x2000  }
0xc1: {  	[sflag:s25] =	ssyncset.done $0x0  }
0xc2: {  	[sflag:s25] =	ssyncadd.s32 $0xFFFFE000  }
0xc3: {  	_ =	swait.ge [sflag:s25], $0x2000  }
0xc4: {  	s20 =	sadd.s32 $0x19800, s0;
	s9 =	simm.s32 $0x0;
	[sflag:s25] =	ssyncset.done $0x0  }
0xc5: {  	s16 =	simm.s32 $0xF780;
	v9 =	vmov s20;
	s18 =	simm.s32 $0xD780;
	[sflag:s25] =	ssyncadd.s32 $0xFFFFE000  }
.LBB2_7:
0xc6: {  	v10 =	vld [tilespmem:s18+$0x0]  }
0xc7: {  	v11 =	vld [tilespmem:s16+$0x0]  }
0xc8: {  	v12 =	vld [tilespmem:s16+$0x10]  }
0xc9: {  	v13 =	vld [tilespmem:s18+$0x10]  }
0xca: {  	v16 =	vld [tilespmem:s16+$0xFFFFFFD0]  }
0xcb: {  	v17 =	vld [tilespmem:s18+$0xFFFFFFD0]  }
0xcc: {  	v18 =	vld [tilespmem:s18+$0xFFFFFF80]  }
0xcd: {  	v20 =	vld [tilespmem:s16+$0xFFFFFF80]  }
0xce: {  	v21 =	vld [tilespmem:s16+$0xFFFFFFC0]  }
0xcf: {  	v27 =	vld [tilespmem:s18+$0xFFFFFFC0]  }
0xd0: {  	v29 =	vld [tilespmem:s18+$0x30]  }
0xd1: {  	v30 =	vld [tilespmem:s16+$0x30]  }
0xd2: {  	v46 =	vld [tilespmem:s18+$0xFFFFFFB0]  }
0xd3: {  	v47 =	vld [tilespmem:s16+$0xFFFFFFB0]  }
0xd4: {  	v31 =	vld [tilespmem:s16+$0x50]  }
0xd5: {  	v50 =	vld [tilespmem:s18+$0x50]  }
0xd6: {  	v12 =	vmul.bf16 v12, v13  }
0xd7: {  	v14 =	vld [tilespmem:s18+$0x20];
	v11 =	vmul.bf16 v11, v10;
	v16 =	vmul.bf16 v16, v17  }
0xd8: {  	v15 =	vld [tilespmem:s16+$0x20];
	v18 =	vmul.bf16 v20, v18;
	v21 =	vmul.bf16 v21, v27  }
0xd9: {  	v19 =	vld [tilespmem:s16+$0xFFFFFF90];
	v49 =	vmul.bf16 v30, v29;
	v52 =	vmul.bf16 v47, v46  }
0xda: {  	v24 =	vld [tilespmem:s18+$0xFFFFFFA0];
	v56 =	vmul.bf16 v31, v50;
	v10 =	vunpack.i.u.bf16.f32 v12;
	v12 =	vunpack.i.l.bf16.f32 v12  }
0xdb: {  	v13 =	vld [tilespmem:s18+$0xFFFFFF90];
	v17 =	vunpack.i.u.bf16.f32 v11;
	v25 =	vunpack.i.l.bf16.f32 v11;
	v11 =	vunpack.i.l.bf16.f32 v16  }
0xdc: {  	v55 =	vld [tilespmem:s16+$0x60];
	v28 =	vunpack.i.l.bf16.f32 v18;
	v18 =	vunpack.i.u.bf16.f32 v18;
	v22 =	vmul.f32 v10, v4  }
0xdd: {  	v20 =	vld [tilespmem:s18+$0xFFFFFFE0];
	v48 =	vunpack.i.l.bf16.f32 v21;
	v23 =	vmul.f32 v12, v3;
	v17 =	vmul.f32 v17, v2  }
0xde: {  	v32 =	vunpack.i.l.bf16.f32 v49;
	v12 =	vmul.bf16 v15, v14;
	v14 =	vld [tilespmem:s16+$0xFFFFFFA0];
	v28 =	vmul.f32 v28, v1  }
0xdf: {  	v15 =	vunpack.i.u.bf16.f32 v16;
	v16 =	vld [tilespmem:s16+$0xFFFFFFE0];
	v18 =	vmul.f32 v18, v2;
	v44 =	vmul.f32 v25, v1  }
0xe0: {  	v57 =	vld [tilespmem:s18+$0x60];
	v10 =	vimm.f32 $0.0e+00;
	v60 =	vmul.f32 v32, v7;
	v13 =	vmul.bf16 v19, v13  }
0xe1: {  	v15 =	vmul.f32 v15, v4;
	v19 =	vmul.f32 v11, v3;
	v11 =	vunpack.i.l.bf16.f32 v12  }
0xe2: {  	v12 =	vunpack.i.u.bf16.f32 v12;
	v22 =	vadd.f32 v23, v22;
	v26 =	vunpack.i.l.bf16.f32 v13  }
0xe3: {  	v13 =	vunpack.i.u.bf16.f32 v13;
	v26 =	vmul.f32 v26, v3;
	v14 =	vmul.bf16 v14, v24  }
0xe4: {  	v18 =	vadd.f32 v28, v18;
	v23 =	vld [tilespmem:s18+$0xFFFFFFF0];
	v13 =	vmul.f32 v13, v4;
	v16 =	vmul.bf16 v16, v20  }
0xe5: {  	v17 =	vadd.f32 v44, v17;
	v28 =	vmul.bf16 v55, v57;
	v19 =	vadd.f32 v19, v15;
	v20 =	vld [tilespmem:s16+$0xFFFFFFF0]  }
0xe6: {  	v45 =	vunpack.i.u.bf16.f32 v14;
	v15 =	vunpack.i.l.bf16.f32 v16;
	v13 =	vadd.f32 v26, v13  }
0xe7: {  	v16 =	vunpack.i.u.bf16.f32 v16;
	v26 =	vmul.f32 v48, v1;
	v25 =	vmul.f32 v45, v6  }
0xe8: {  	v14 =	vunpack.i.l.bf16.f32 v14;
	v15 =	vmul.f32 v15, v5;
	v16 =	vmul.f32 v16, v6  }
0xe9: {  	v51 =	vmul.f32 v14, v5;
	v14 =	vunpack.i.u.bf16.f32 v21;
	v21 =	vld [tilespmem:s16+$0x40];
	v13 =	vadd.f32 v13, v18  }
0xea: {  	v20 =	vmul.bf16 v20, v23;
	v23 =	vmul.f32 v14, v2;
	v14 =	vadd.f32 v15, v16;
	v16 =	vld [tilespmem:s18+$0x40]  }
0xeb: {  	v18 =	vadd.f32 v51, v25;
	v15 =	vunpack.i.u.bf16.f32 v49;
	v25 =	vunpack.i.l.bf16.f32 v56  }
0xec: {  	v54 =	vmul.f32 v15, v8;
	v25 =	vmul.f32 v25, v3;
	v53 =	vunpack.i.l.bf16.f32 v20  }
0xed: {  	v15 =	vunpack.i.u.bf16.f32 v20;
	v13 =	vadd.f32 v18, v13;
	v20 =	vmul.f32 v53, v7  }
0xee: {  	v58 =	vmul.f32 v15, v8;
	v15 =	vadd.f32 v22, v17;
	v22 =	vunpack.i.l.bf16.f32 v52  }
0xef: {  	v17 =	vunpack.i.u.bf16.f32 v52;
	v22 =	vmul.f32 v22, v7;
	v21 =	vmul.bf16 v21, v16  }
0xf0: {  	v59 =	vld [tilespmem:s18+$0x70];
	v17 =	vmul.f32 v17, v8;
	v16 =	vadd.f32 v20, v58;
	v20 =	vunpack.i.u.bf16.f32 v56  }
0xf1: {  	v61 =	vld [tilespmem:s16+$0x70];
	v20 =	vmul.f32 v20, v4;
	v18 =	vunpack.i.u.bf16.f32 v21;
	v21 =	vunpack.i.l.bf16.f32 v21  }
0xf2: {  	v62 =	vunpack.i.l.bf16.f32 v28;
	v18 =	vmul.f32 v18, v2;
	v21 =	vmul.f32 v21, v1  }
0xf3: {  	v23 =	vadd.f32 v26, v23;
	v17 =	vadd.f32 v22, v17;
	v22 =	vunpack.i.u.bf16.f32 v28  }
0xf4: {  	v25 =	vadd.f32 v25, v20;
	v20 =	vmul.f32 v22, v6;
	v63 =	vadd.f32 v21, v18  }
0xf5: {  	s20 =	sshll.u32 s9, $0x4;
	s4 =	simm.s32 $0x4;
	v22 =	vmul.f32 v62, v5;
	v18 =	vadd.f32 v17, v13;
	v17 =	vadd.f32 v60, v54  }
0xf6: {  	s5 =	sadd.s32 $0x100, s18;
	s6 =	smov.u32 s16;
	s11 =	simm.s32 $0x0;
	v21 =	vadd.f32 v19, v23;
	v23 =	vmul.bf16 v61, v59;
	v19 =	vadd.f32 v25, v63  }
.LBB2_8:
0xf7: {  	p1 =	sne.s32 s4, $0xC  }
0xf8: {  	v13 =	vld [tilespmem:s5+$0x30];
	v20 =	vadd.f32 v22, v20;
	s6 =	sadd.s32 $0x100, s6;
	(xrf2) =	vadd.scan.msk.f32 $0xffff, v18;
	s8 =	smov.u32 s4;
	s4 =	sadd.s32 $0x4, s4  }
0xf9: {  	v18 =	vld [tilespmem:s5+$0x0];
	v14 =	vadd.f32 v14, v21;
	v21 =	vunpack.i.u.bf16.f32 v23;
	v22 =	vunpack.i.l.bf16.f32 v23  }
0xfa: {  	v23 =	vld [tilespmem:s6+$0x0];
	v19 =	vadd.f32 v20, v19;
	v20 =	vmul.f32 v22, v7;
	v21 =	vmul.f32 v21, v8  }
0xfb: {  	v11 =	vmul.f32 v11, v5;
	v12 =	vmul.f32 v12, v6;
	v22 =	vld [tilespmem:s6+$0x10];
	v14 =	vadd.f32 v16, v14  }
0xfc: {  	v16 =	vld [tilespmem:s5+$0x10];
	v20 =	vadd.f32 v20, v21  }
0xfd: {  	v11 =	vadd.f32 v11, v12;
	v21 =	vld [tilespmem:s5+$0x20];
	(xrf2) =	vadd.scan.msk.f32 $0xffff, v14  }
0xfe: {  	v12 =	vld [tilespmem:s6+$0x20];
	v14 =	vadd.f32 v20, v19  }
0xff: {  	v11 =	vadd.f32 v11, v15;
	v19 =	vld [tilespmem:s6+$0xFFFFFFD0]  }
0x100: {  	v15 =	vld [tilespmem:s5+$0xFFFFFFD0];
	(xrf2) =	vadd.scan.msk.f32 $0xffff, v14  }
0x101: {  	v11 =	vadd.f32 v17, v11;
	v14 =	vld [tilespmem:s6+$0xFFFFFFC0];
	v16 =	vmul.bf16 v22, v16  }
0x102: {  	v20 =	vmov s11;
	v17 =	vld [tilespmem:s5+$0xFFFFFF80];
	v22, _, _ =	vpop (xrf2)  }
0x103: {  	v18 =	vmul.bf16 v23, v18;
	vm0 =	veq.s32 v20, v0;
	v24 =	vld [tilespmem:s6+$0xFFFFFF90];
	v23 =	vunpack.i.u.bf16.f32 v16;
	(xrf2) =	vadd.scan.msk.f32 $0xffff, v11  }
0x104: {  	v16 =	vunpack.i.l.bf16.f32 v16;
	v22 =	vbroadcast v22, $0xF;
	v11 =	vld [tilespmem:s5+$0xFFFFFF90];
	v20 =	vmul.f32 v23, v4  }
0x105: {  	v16 =	vmul.f32 v16, v3;
	v23 =	vld [tilespmem:s6+$0xFFFFFF80];
	v15 =	vmul.bf16 v19, v15;
	v19 =	vunpack.i.u.bf16.f32 v18  }
0x106: {  	s2 =	sadd.s32 $0x1, s11;
	v18 =	vunpack.i.l.bf16.f32 v18;
	v25 =	vld [tilespmem:s5+$0xFFFFFFC0];
	v19 =	vmul.f32 v19, v2  }
0x107: {  	v12 =	vmul.bf16 v12, v21;
	v26 =	vld [tilespmem:s5+$0xFFFFFFA0];
	v27 =	vunpack.i.u.bf16.f32 v15;
	v15 =	vunpack.i.l.bf16.f32 v15;
	v21, _, _ =	vpop (xrf2)  }
0x108: {  	v10 =	vsel vm0, v22, v10;
	v28 =	vld [tilespmem:s6+$0xFFFFFFA0];
	v15 =	vmul.f32 v15, v3;
	v21 =	vbroadcast v21, $0xF  }
0x109: {  	v30 =	vmov s2;
	v22 =	vmul.bf16 v24, v11;
	v24 =	vld [tilespmem:s6+$0xFFFFFFE0];
	v11 =	vunpack.i.l.bf16.f32 v12  }
0x10a: {  	vm0 =	veq.s32 v30, v0;
	v12 =	vunpack.i.u.bf16.f32 v12;
	v17 =	vmul.bf16 v23, v17;
	v23 =	vld [tilespmem:s5+$0xFFFFFFE0];
	v29, _, _ =	vpop (xrf2)  }
0x10b: {  	v10 =	vsel vm0, v21, v10;
	v30 =	vunpack.i.u.bf16.f32 v22;
	v22 =	vunpack.i.l.bf16.f32 v22;
	v31 =	vld [tilespmem:s5+$0xFFFFFFB0]  }
0x10c: {  	v27 =	vmul.f32 v27, v4;
	v21 =	vunpack.i.l.bf16.f32 v17;
	v22 =	vmul.f32 v22, v3  }
0x10d: {  	s2 =	sadd.s32 $0x2, s11;
	v18 =	vmul.f32 v18, v1;
	v17 =	vunpack.i.u.bf16.f32 v17;
	v21 =	vmul.f32 v21, v1;
	v32 =	vld [tilespmem:s6+$0x30];
	v33, _, _ =	vpop (xrf2)  }
0x10e: {  	v35 =	vmov s2;
	v17 =	vmul.f32 v17, v2;
	v34 =	vld [tilespmem:s6+$0xFFFFFFB0];
	v33 =	vbroadcast v33, $0xF  }
0x10f: {  	v16 =	vadd.f32 v16, v20;
	v20 =	vbroadcast v29, $0xF;
	v26 =	vmul.bf16 v28, v26  }
0x110: {  	vm0 =	veq.s32 v35, v0;
	v17 =	vadd.f32 v21, v17;
	v21 =	vmul.f32 v30, v4;
	v28 =	vld [tilespmem:s5+$0xFFFFFFF0]  }
0x111: {  	s2 =	sadd.s32 $0x3, s11;
	s11 =	smov.u32 s8;
	v14 =	vmul.bf16 v14, v25;
	v29 =	vunpack.i.u.bf16.f32 v26;
	v23 =	vmul.bf16 v24, v23  }
0x112: {  	v24 =	vunpack.i.l.bf16.f32 v26;
	v25 =	vmul.f32 v29, v6;
	v10 =	vsel vm0, v33, v10;
	v26 =	vld [tilespmem:s6+$0xFFFFFFF0]  }
0x113: {  	v27 =	vadd.f32 v15, v27;
	v29 =	vmov s2;
	v15 =	vunpack.i.l.bf16.f32 v23  }
0x114: {  	v21 =	vadd.f32 v22, v21;
	v22 =	vunpack.i.u.bf16.f32 v23;
	vm0 =	veq.s32 v29, v0  }
0x115: {  	v23 =	vunpack.i.l.bf16.f32 v14;
	v15 =	vmul.f32 v15, v5;
	v10 =	vsel vm0, v20, v10;
	v29 =	vld [tilespmem:s6+$0x50]  }
0x116: {  	v18 =	vadd.f32 v18, v19;
	v20 =	vmul.f32 v22, v6;
	v13 =	vmul.bf16 v32, v13;
	v19 =	vld [tilespmem:s5+$0x50]  }
0x117: {  	v14 =	vunpack.i.u.bf16.f32 v14;
	v22 =	vmul.f32 v24, v5;
	v24 =	vmul.bf16 v26, v28;
	v26 =	vld [tilespmem:s6+$0x40]  }
0x118: {  	v28 =	vmul.f32 v14, v2;
	v14 =	vadd.f32 v15, v20;
	v20 =	vunpack.i.l.bf16.f32 v13;
	v30 =	vld [tilespmem:s5+$0x40]  }
0x119: {  	v17 =	vadd.f32 v21, v17;
	v21 =	vadd.f32 v22, v25;
	v13 =	vunpack.i.u.bf16.f32 v13  }
0x11a: {  	v22 =	vmul.bf16 v34, v31;
	v13 =	vmul.f32 v13, v8;
	v15 =	vunpack.i.l.bf16.f32 v24;
	v25 =	vld [tilespmem:s6+$0x60]  }
0x11b: {  	v24 =	vunpack.i.u.bf16.f32 v24;
	v31 =	vmul.f32 v15, v7;
	v19 =	vmul.bf16 v29, v19;
	v29 =	vld [tilespmem:s5+$0x60]  }
0x11c: {  	v23 =	vmul.f32 v23, v1;
	v24 =	vmul.f32 v24, v8;
	v15 =	vadd.f32 v16, v18  }
0x11d: {  	v18 =	vunpack.i.u.bf16.f32 v22;
	v16 =	vunpack.i.l.bf16.f32 v22;
	v22 =	vmul.bf16 v26, v30  }
0x11e: {  	v26 =	vmul.f32 v16, v7;
	v16 =	vadd.f32 v31, v24;
	v24 =	vunpack.i.u.bf16.f32 v19  }
0x11f: {  	v17 =	vadd.f32 v21, v17;
	v18 =	vmul.f32 v18, v8;
	v21 =	vunpack.i.u.bf16.f32 v22;
	v30 =	vld [tilespmem:s5+$0x70]  }
0x120: {  	v31 =	vmul.f32 v20, v7;
	v19 =	vunpack.i.l.bf16.f32 v19;
	v20 =	vmul.f32 v24, v4;
	v24 =	vld [tilespmem:s6+$0x70]  }
0x121: {  	v22 =	vunpack.i.l.bf16.f32 v22;
	v21 =	vmul.f32 v21, v2;
	v25 =	vmul.bf16 v25, v29  }
.Ltmp2:
0x122: {  	v23 =	vadd.f32 v23, v28;
	v19 =	vmul.f32 v19, v3;
	v22 =	vmul.f32 v22, v1;
	(pc) =	sbr.rel @p1 .LBB2_8-.Ltmp2, $4  }
0x123: {  	v18 =	vadd.f32 v26, v18;
	v26 =	vunpack.i.u.bf16.f32 v25;
	v25 =	vunpack.i.l.bf16.f32 v25  }
0x124: {  	v19 =	vadd.f32 v19, v20;
	v28 =	vadd.f32 v22, v21;
	v20 =	vmul.f32 v26, v6  }
0x125: {  	v18 =	vadd.f32 v18, v17;
	v17 =	vadd.f32 v31, v13;
	v22 =	vmul.f32 v25, v5  }
0x126: {  	s5 =	sadd.s32 $0x100, s5;
	v21 =	vadd.f32 v27, v23;
	v19 =	vadd.f32 v19, v28;
	v23 =	vmul.bf16 v24, v30  }
0x127: {  	v11 =	vmul.f32 v11, v5  }
0x128: {  	v12 =	vmul.f32 v12, v6;
	v13 =	vunpack.i.u.bf16.f32 v23;
	v53 =	vunpack.i.l.bf16.f32 v23  }
0x129: {  	v20 =	vadd.f32 v22, v20;
	v54 =	vmul.f32 v53, v7;
	v13 =	vmul.f32 v13, v8  }
0x12a: {  	v14 =	vadd.f32 v14, v21;
	v11 =	vadd.f32 v11, v12  }
0x12b: {  	(xrf2) =	vadd.scan.msk.f32 $0xffff, v18;
	v55 =	vadd.f32 v20, v19;
	v13 =	vadd.f32 v54, v13  }
0x12c: {  	v14 =	vadd.f32 v16, v14;
	v11 =	vadd.f32 v11, v15  }
0x12d: {  	v12 =	vadd.f32 v13, v55  }
0x12e: {  	(xrf2) =	vadd.scan.msk.f32 $0xffff, v14;
	v11 =	vadd.f32 v17, v11  }
0x12f: {  	(xrf2) =	vadd.scan.msk.f32 $0xffff, v12  }
0x130: {  	(xrf2) =	vadd.scan.msk.f32 $0xffff, v11;
	_ =	sdelay $0x4  }
0x131: {  	v11, _, _ =	vpop (xrf2)  }
0x132: {  	v11 =	vbroadcast v11, $0xF;
	_ =	sdelay $0x1  }
0x133: {  	v56 =	vmov s11;
	s2 =	sadd.s32 $0x1, s11;
	v57, _, _ =	vpop (xrf2)  }
0x134: {  	s8 =	sadd.s32 $0x2, s11;
	vm0 =	veq.s32 v56, v0;
	v59 =	vmov s2;
	v60, _, _ =	vpop (xrf2)  }
0x135: {  	s11 =	sadd.s32 $0x3, s11;
	v61 =	vmov s8;
	v10 =	vsel vm0, v11, v10;
	v58 =	vbroadcast v57, $0xF;
	v11, _, _ =	vpop (xrf2)  }
0x136: {  	v63 =	vmov s11;
	vm13 =	veq.s32 v59, v0;
	v11 =	vbroadcast v11, $0xF  }
0x137: {  	vm14 =	veq.s32 v61, v0;
	v10 =	vsel vm13, v58, v10;
	v62 =	vbroadcast v60, $0xF  }
0x138: {  	vm15 =	veq.s32 v63, v0;
	v10 =	vsel vm14, v11, v10  }
0x139: {  	v10 =	vsel vm15, v62, v10  }
0x13a: {  	v10 =	vsub.f32 $0.0e+00, v10;
	_ =	sdelay $0x1  }
0x13b: {  	v10 =	vmul.f32 $1.442695020e+00, v10;
	_ =	sdelay $0x1  }
0x13c: {  	(erf) = vpow2.f32 v10;
	_ =	sdelay $0x8  }
0x13d: {  	v10 =	vpop (erf)  }
0x13e: {  	v10 =	vadd.f32 $1.000000000e+00, v10;
	_ =	sdelay $0x1  }
0x13f: {  	(erf) = vrcp.f32 v10;
	_ =	sdelay $0x3  }
0x140: {  	s9 =	sadd.s32 $0x1, s9  }
0x141: {  	p1 =	sne.s32 s9, $0x8  }
.Ltmp3:
0x142: {  	_ = 	snop;
	(pc) =	sbr.rel @p1 .LBB2_7-.Ltmp3, $3  }
0x143: {  	_ =	sdelay $0x1  }
0x144: {  	v10 =	vpop (erf)  }
0x145: {  	s16 =	sadd.s32 $0x400, s16;
	s18 =	sadd.s32 $0x400, s18;
	[tilespmem:v9+s20+$0x0 ss:$0x1] =	vst.idx.msk $0xffff, v10  }
0x146: {  	s2 =	sadd.s32 $0x280, s1  }
0x147: {  	[tilespmem:s15], [sflag:$0x2] =	stream.indirect.gather [hbm4b:s3+s12], $0x40, s2, s12, $0xb8;
	[tilespmem:$0x1E180] =	vst v63  }
0x148: {  	s18 =	sadd.s32 $0x4E00, s1  }
0x149: {  	[tilespmem:s17], [sflag:$0x2] =	stream.indirect.gather [hbm4b:s3+s12], $0x40, s18, s12, $0xb8;
	[tilespmem:$0x1E180] =	vst v63  }
0x14a: {  	_ =	swait.ge [sflag:s26], $0x2000  }
0x14b: {  	[sflag:s26] =	ssyncset.done $0x0  }
0x14c: {  	[sflag:s26] =	ssyncadd.s32 $0xFFFFE000  }
0x14d: {  	_ =	swait.ge [sflag:s26], $0x2000  }
0x14e: {  	s20 =	sadd.s32 $0x19880, s0;
	s0 =	simm.s32 $0x0;
	[sflag:s26] =	ssyncset.done $0x0  }
0x14f: {  	s9 =	simm.s32 $0x13780;
	s16 =	simm.s32 $0x11780;
	v9 =	vmov s20;
	[sflag:s26] =	ssyncadd.s32 $0xFFFFE000  }
.LBB2_11:
0x150: {  	v10 =	vld [tilespmem:s16+$0x0]  }
0x151: {  	v11 =	vld [tilespmem:s9+$0x0]  }
0x152: {  	v12 =	vld [tilespmem:s9+$0x10]  }
0x153: {  	v13 =	vld [tilespmem:s16+$0x10]  }
0x154: {  	v16 =	vld [tilespmem:s9+$0xFFFFFFD0]  }
0x155: {  	v17 =	vld [tilespmem:s16+$0xFFFFFFD0]  }
0x156: {  	v18 =	vld [tilespmem:s16+$0xFFFFFF80]  }
0x157: {  	v20 =	vld [tilespmem:s9+$0xFFFFFF80]  }
0x158: {  	v21 =	vld [tilespmem:s9+$0xFFFFFFC0]  }
0x159: {  	v27 =	vld [tilespmem:s16+$0xFFFFFFC0]  }
0x15a: {  	v29 =	vld [tilespmem:s16+$0x30]  }
0x15b: {  	v30 =	vld [tilespmem:s9+$0x30]  }
0x15c: {  	v46 =	vld [tilespmem:s16+$0xFFFFFFB0]  }
0x15d: {  	v47 =	vld [tilespmem:s9+$0xFFFFFFB0]  }
0x15e: {  	v31 =	vld [tilespmem:s9+$0x50]  }
0x15f: {  	v50 =	vld [tilespmem:s16+$0x50]  }
0x160: {  	v12 =	vmul.bf16 v12, v13  }
0x161: {  	v14 =	vld [tilespmem:s16+$0x20];
	v11 =	vmul.bf16 v11, v10;
	v16 =	vmul.bf16 v16, v17  }
0x162: {  	v15 =	vld [tilespmem:s9+$0x20];
	v18 =	vmul.bf16 v20, v18;
	v21 =	vmul.bf16 v21, v27  }
0x163: {  	v19 =	vld [tilespmem:s9+$0xFFFFFF90];
	v49 =	vmul.bf16 v30, v29;
	v52 =	vmul.bf16 v47, v46  }
0x164: {  	v24 =	vld [tilespmem:s16+$0xFFFFFFA0];
	v56 =	vmul.bf16 v31, v50;
	v10 =	vunpack.i.u.bf16.f32 v12;
	v12 =	vunpack.i.l.bf16.f32 v12  }
0x165: {  	v13 =	vld [tilespmem:s16+$0xFFFFFF90];
	v17 =	vunpack.i.u.bf16.f32 v11;
	v25 =	vunpack.i.l.bf16.f32 v11;
	v11 =	vunpack.i.l.bf16.f32 v16  }
0x166: {  	v55 =	vld [tilespmem:s9+$0x60];
	v28 =	vunpack.i.l.bf16.f32 v18;
	v18 =	vunpack.i.u.bf16.f32 v18;
	v22 =	vmul.f32 v10, v4  }
0x167: {  	v20 =	vld [tilespmem:s16+$0xFFFFFFE0];
	v48 =	vunpack.i.l.bf16.f32 v21;
	v23 =	vmul.f32 v12, v3;
	v17 =	vmul.f32 v17, v2  }
0x168: {  	v32 =	vunpack.i.l.bf16.f32 v49;
	v12 =	vmul.bf16 v15, v14;
	v14 =	vld [tilespmem:s9+$0xFFFFFFA0];
	v28 =	vmul.f32 v28, v1  }
0x169: {  	v15 =	vunpack.i.u.bf16.f32 v16;
	v16 =	vld [tilespmem:s9+$0xFFFFFFE0];
	v18 =	vmul.f32 v18, v2;
	v44 =	vmul.f32 v25, v1  }
0x16a: {  	v57 =	vld [tilespmem:s16+$0x60];
	v10 =	vimm.f32 $0.0e+00;
	v60 =	vmul.f32 v32, v7;
	v13 =	vmul.bf16 v19, v13  }
0x16b: {  	v15 =	vmul.f32 v15, v4;
	v19 =	vmul.f32 v11, v3;
	v11 =	vunpack.i.l.bf16.f32 v12  }
0x16c: {  	v12 =	vunpack.i.u.bf16.f32 v12;
	v22 =	vadd.f32 v23, v22;
	v26 =	vunpack.i.l.bf16.f32 v13  }
0x16d: {  	v13 =	vunpack.i.u.bf16.f32 v13;
	v26 =	vmul.f32 v26, v3;
	v14 =	vmul.bf16 v14, v24  }
0x16e: {  	v18 =	vadd.f32 v28, v18;
	v23 =	vld [tilespmem:s16+$0xFFFFFFF0];
	v13 =	vmul.f32 v13, v4;
	v16 =	vmul.bf16 v16, v20  }
0x16f: {  	v17 =	vadd.f32 v44, v17;
	v28 =	vmul.bf16 v55, v57;
	v19 =	vadd.f32 v19, v15;
	v20 =	vld [tilespmem:s9+$0xFFFFFFF0]  }
0x170: {  	v45 =	vunpack.i.u.bf16.f32 v14;
	v15 =	vunpack.i.l.bf16.f32 v16;
	v13 =	vadd.f32 v26, v13  }
0x171: {  	v16 =	vunpack.i.u.bf16.f32 v16;
	v26 =	vmul.f32 v48, v1;
	v25 =	vmul.f32 v45, v6  }
0x172: {  	v14 =	vunpack.i.l.bf16.f32 v14;
	v15 =	vmul.f32 v15, v5;
	v16 =	vmul.f32 v16, v6  }
0x173: {  	v51 =	vmul.f32 v14, v5;
	v14 =	vunpack.i.u.bf16.f32 v21;
	v21 =	vld [tilespmem:s9+$0x40];
	v13 =	vadd.f32 v13, v18  }
0x174: {  	v20 =	vmul.bf16 v20, v23;
	v23 =	vmul.f32 v14, v2;
	v14 =	vadd.f32 v15, v16;
	v16 =	vld [tilespmem:s16+$0x40]  }
0x175: {  	v18 =	vadd.f32 v51, v25;
	v15 =	vunpack.i.u.bf16.f32 v49;
	v25 =	vunpack.i.l.bf16.f32 v56  }
0x176: {  	v54 =	vmul.f32 v15, v8;
	v25 =	vmul.f32 v25, v3;
	v53 =	vunpack.i.l.bf16.f32 v20  }
0x177: {  	v15 =	vunpack.i.u.bf16.f32 v20;
	v13 =	vadd.f32 v18, v13;
	v20 =	vmul.f32 v53, v7  }
0x178: {  	v58 =	vmul.f32 v15, v8;
	v15 =	vadd.f32 v22, v17;
	v22 =	vunpack.i.l.bf16.f32 v52  }
0x179: {  	v17 =	vunpack.i.u.bf16.f32 v52;
	v22 =	vmul.f32 v22, v7;
	v21 =	vmul.bf16 v21, v16  }
0x17a: {  	v59 =	vld [tilespmem:s16+$0x70];
	v17 =	vmul.f32 v17, v8;
	v16 =	vadd.f32 v20, v58;
	v20 =	vunpack.i.u.bf16.f32 v56  }
0x17b: {  	v61 =	vld [tilespmem:s9+$0x70];
	v20 =	vmul.f32 v20, v4;
	v18 =	vunpack.i.u.bf16.f32 v21;
	v21 =	vunpack.i.l.bf16.f32 v21  }
0x17c: {  	v62 =	vunpack.i.l.bf16.f32 v28;
	v18 =	vmul.f32 v18, v2;
	v21 =	vmul.f32 v21, v1  }
0x17d: {  	v23 =	vadd.f32 v26, v23;
	v17 =	vadd.f32 v22, v17;
	v22 =	vunpack.i.u.bf16.f32 v28  }
0x17e: {  	v25 =	vadd.f32 v25, v20;
	v20 =	vmul.f32 v22, v6;
	v63 =	vadd.f32 v21, v18  }
0x17f: {  	s18 =	sshll.u32 s0, $0x4;
	s4 =	simm.s32 $0x4;
	v22 =	vmul.f32 v62, v5;
	v18 =	vadd.f32 v17, v13;
	v17 =	vadd.f32 v60, v54  }
0x180: {  	s5 =	sadd.s32 $0x100, s16;
	s6 =	smov.u32 s9;
	s11 =	simm.s32 $0x0;
	v21 =	vadd.f32 v19, v23;
	v23 =	vmul.bf16 v61, v59;
	v19 =	vadd.f32 v25, v63  }
.LBB2_12:
0x181: {  	p1 =	sne.s32 s4, $0xC  }
0x182: {  	v13 =	vld [tilespmem:s5+$0x30];
	v20 =	vadd.f32 v22, v20;
	s6 =	sadd.s32 $0x100, s6;
	(xrf2) =	vadd.scan.msk.f32 $0xffff, v18;
	s8 =	smov.u32 s4;
	s4 =	sadd.s32 $0x4, s4  }
0x183: {  	v18 =	vld [tilespmem:s5+$0x0];
	v14 =	vadd.f32 v14, v21;
	v21 =	vunpack.i.u.bf16.f32 v23;
	v22 =	vunpack.i.l.bf16.f32 v23  }
0x184: {  	v23 =	vld [tilespmem:s6+$0x0];
	v19 =	vadd.f32 v20, v19;
	v20 =	vmul.f32 v22, v7;
	v21 =	vmul.f32 v21, v8  }
0x185: {  	v11 =	vmul.f32 v11, v5;
	v12 =	vmul.f32 v12, v6;
	v22 =	vld [tilespmem:s6+$0x10];
	v14 =	vadd.f32 v16, v14  }
0x186: {  	v16 =	vld [tilespmem:s5+$0x10];
	v20 =	vadd.f32 v20, v21  }
0x187: {  	v11 =	vadd.f32 v11, v12;
	v21 =	vld [tilespmem:s5+$0x20];
	(xrf2) =	vadd.scan.msk.f32 $0xffff, v14  }
0x188: {  	v12 =	vld [tilespmem:s6+$0x20];
	v14 =	vadd.f32 v20, v19  }
0x189: {  	v11 =	vadd.f32 v11, v15;
	v19 =	vld [tilespmem:s6+$0xFFFFFFD0]  }
0x18a: {  	v15 =	vld [tilespmem:s5+$0xFFFFFFD0];
	(xrf2) =	vadd.scan.msk.f32 $0xffff, v14  }
0x18b: {  	v11 =	vadd.f32 v17, v11;
	v14 =	vld [tilespmem:s6+$0xFFFFFFC0];
	v16 =	vmul.bf16 v22, v16  }
0x18c: {  	v20 =	vmov s11;
	v17 =	vld [tilespmem:s5+$0xFFFFFF80];
	v22, _, _ =	vpop (xrf2)  }
0x18d: {  	v18 =	vmul.bf16 v23, v18;
	vm0 =	veq.s32 v20, v0;
	v24 =	vld [tilespmem:s6+$0xFFFFFF90];
	v23 =	vunpack.i.u.bf16.f32 v16;
	(xrf2) =	vadd.scan.msk.f32 $0xffff, v11  }
0x18e: {  	v16 =	vunpack.i.l.bf16.f32 v16;
	v22 =	vbroadcast v22, $0xF;
	v11 =	vld [tilespmem:s5+$0xFFFFFF90];
	v20 =	vmul.f32 v23, v4  }
0x18f: {  	v16 =	vmul.f32 v16, v3;
	v23 =	vld [tilespmem:s6+$0xFFFFFF80];
	v15 =	vmul.bf16 v19, v15;
	v19 =	vunpack.i.u.bf16.f32 v18  }
0x190: {  	s2 =	sadd.s32 $0x1, s11;
	v18 =	vunpack.i.l.bf16.f32 v18;
	v25 =	vld [tilespmem:s5+$0xFFFFFFC0];
	v19 =	vmul.f32 v19, v2  }
0x191: {  	v12 =	vmul.bf16 v12, v21;
	v26 =	vld [tilespmem:s5+$0xFFFFFFA0];
	v27 =	vunpack.i.u.bf16.f32 v15;
	v15 =	vunpack.i.l.bf16.f32 v15;
	v21, _, _ =	vpop (xrf2)  }
0x192: {  	v10 =	vsel vm0, v22, v10;
	v28 =	vld [tilespmem:s6+$0xFFFFFFA0];
	v15 =	vmul.f32 v15, v3;
	v21 =	vbroadcast v21, $0xF  }
0x193: {  	v30 =	vmov s2;
	v22 =	vmul.bf16 v24, v11;
	v24 =	vld [tilespmem:s6+$0xFFFFFFE0];
	v11 =	vunpack.i.l.bf16.f32 v12  }
0x194: {  	vm0 =	veq.s32 v30, v0;
	v12 =	vunpack.i.u.bf16.f32 v12;
	v17 =	vmul.bf16 v23, v17;
	v23 =	vld [tilespmem:s5+$0xFFFFFFE0];
	v29, _, _ =	vpop (xrf2)  }
0x195: {  	v10 =	vsel vm0, v21, v10;
	v30 =	vunpack.i.u.bf16.f32 v22;
	v22 =	vunpack.i.l.bf16.f32 v22;
	v31 =	vld [tilespmem:s5+$0xFFFFFFB0]  }
0x196: {  	v27 =	vmul.f32 v27, v4;
	v21 =	vunpack.i.l.bf16.f32 v17;
	v22 =	vmul.f32 v22, v3  }
0x197: {  	s2 =	sadd.s32 $0x2, s11;
	v18 =	vmul.f32 v18, v1;
	v17 =	vunpack.i.u.bf16.f32 v17;
	v21 =	vmul.f32 v21, v1;
	v32 =	vld [tilespmem:s6+$0x30];
	v33, _, _ =	vpop (xrf2)  }
0x198: {  	v35 =	vmov s2;
	v17 =	vmul.f32 v17, v2;
	v34 =	vld [tilespmem:s6+$0xFFFFFFB0];
	v33 =	vbroadcast v33, $0xF  }
0x199: {  	v16 =	vadd.f32 v16, v20;
	v20 =	vbroadcast v29, $0xF;
	v26 =	vmul.bf16 v28, v26  }
0x19a: {  	vm0 =	veq.s32 v35, v0;
	v17 =	vadd.f32 v21, v17;
	v21 =	vmul.f32 v30, v4;
	v28 =	vld [tilespmem:s5+$0xFFFFFFF0]  }
0x19b: {  	s2 =	sadd.s32 $0x3, s11;
	s11 =	smov.u32 s8;
	v14 =	vmul.bf16 v14, v25;
	v29 =	vunpack.i.u.bf16.f32 v26;
	v23 =	vmul.bf16 v24, v23  }
0x19c: {  	v24 =	vunpack.i.l.bf16.f32 v26;
	v25 =	vmul.f32 v29, v6;
	v10 =	vsel vm0, v33, v10;
	v26 =	vld [tilespmem:s6+$0xFFFFFFF0]  }
0x19d: {  	v27 =	vadd.f32 v15, v27;
	v29 =	vmov s2;
	v15 =	vunpack.i.l.bf16.f32 v23  }
0x19e: {  	v21 =	vadd.f32 v22, v21;
	v22 =	vunpack.i.u.bf16.f32 v23;
	vm0 =	veq.s32 v29, v0  }
0x19f: {  	v23 =	vunpack.i.l.bf16.f32 v14;
	v15 =	vmul.f32 v15, v5;
	v10 =	vsel vm0, v20, v10;
	v29 =	vld [tilespmem:s6+$0x50]  }
0x1a0: {  	v18 =	vadd.f32 v18, v19;
	v20 =	vmul.f32 v22, v6;
	v13 =	vmul.bf16 v32, v13;
	v19 =	vld [tilespmem:s5+$0x50]  }
0x1a1: {  	v14 =	vunpack.i.u.bf16.f32 v14;
	v22 =	vmul.f32 v24, v5;
	v24 =	vmul.bf16 v26, v28;
	v26 =	vld [tilespmem:s6+$0x40]  }
0x1a2: {  	v28 =	vmul.f32 v14, v2;
	v14 =	vadd.f32 v15, v20;
	v20 =	vunpack.i.l.bf16.f32 v13;
	v30 =	vld [tilespmem:s5+$0x40]  }
0x1a3: {  	v17 =	vadd.f32 v21, v17;
	v21 =	vadd.f32 v22, v25;
	v13 =	vunpack.i.u.bf16.f32 v13  }
0x1a4: {  	v22 =	vmul.bf16 v34, v31;
	v13 =	vmul.f32 v13, v8;
	v15 =	vunpack.i.l.bf16.f32 v24;
	v25 =	vld [tilespmem:s6+$0x60]  }
0x1a5: {  	v24 =	vunpack.i.u.bf16.f32 v24;
	v31 =	vmul.f32 v15, v7;
	v19 =	vmul.bf16 v29, v19;
	v29 =	vld [tilespmem:s5+$0x60]  }
0x1a6: {  	v23 =	vmul.f32 v23, v1;
	v24 =	vmul.f32 v24, v8;
	v15 =	vadd.f32 v16, v18  }
0x1a7: {  	v18 =	vunpack.i.u.bf16.f32 v22;
	v16 =	vunpack.i.l.bf16.f32 v22;
	v22 =	vmul.bf16 v26, v30  }
0x1a8: {  	v26 =	vmul.f32 v16, v7;
	v16 =	vadd.f32 v31, v24;
	v24 =	vunpack.i.u.bf16.f32 v19  }
0x1a9: {  	v17 =	vadd.f32 v21, v17;
	v18 =	vmul.f32 v18, v8;
	v21 =	vunpack.i.u.bf16.f32 v22;
	v30 =	vld [tilespmem:s5+$0x70]  }
0x1aa: {  	v31 =	vmul.f32 v20, v7;
	v19 =	vunpack.i.l.bf16.f32 v19;
	v20 =	vmul.f32 v24, v4;
	v24 =	vld [tilespmem:s6+$0x70]  }
0x1ab: {  	v22 =	vunpack.i.l.bf16.f32 v22;
	v21 =	vmul.f32 v21, v2;
	v25 =	vmul.bf16 v25, v29  }
.Ltmp4:
0x1ac: {  	v23 =	vadd.f32 v23, v28;
	v19 =	vmul.f32 v19, v3;
	v22 =	vmul.f32 v22, v1;
	(pc) =	sbr.rel @p1 .LBB2_12-.Ltmp4, $4  }
0x1ad: {  	v18 =	vadd.f32 v26, v18;
	v26 =	vunpack.i.u.bf16.f32 v25;
	v25 =	vunpack.i.l.bf16.f32 v25  }
0x1ae: {  	v19 =	vadd.f32 v19, v20;
	v28 =	vadd.f32 v22, v21;
	v20 =	vmul.f32 v26, v6  }
0x1af: {  	v18 =	vadd.f32 v18, v17;
	v17 =	vadd.f32 v31, v13;
	v22 =	vmul.f32 v25, v5  }
0x1b0: {  	s5 =	sadd.s32 $0x100, s5;
	v21 =	vadd.f32 v27, v23;
	v19 =	vadd.f32 v19, v28;
	v23 =	vmul.bf16 v24, v30  }
0x1b1: {  	v11 =	vmul.f32 v11, v5  }
0x1b2: {  	v12 =	vmul.f32 v12, v6;
	v13 =	vunpack.i.u.bf16.f32 v23;
	v53 =	vunpack.i.l.bf16.f32 v23  }
0x1b3: {  	v20 =	vadd.f32 v22, v20;
	v54 =	vmul.f32 v53, v7;
	v13 =	vmul.f32 v13, v8  }
0x1b4: {  	v14 =	vadd.f32 v14, v21;
	v11 =	vadd.f32 v11, v12  }
0x1b5: {  	(xrf2) =	vadd.scan.msk.f32 $0xffff, v18;
	v55 =	vadd.f32 v20, v19;
	v13 =	vadd.f32 v54, v13  }
0x1b6: {  	v14 =	vadd.f32 v16, v14;
	v11 =	vadd.f32 v11, v15  }
0x1b7: {  	v12 =	vadd.f32 v13, v55  }
0x1b8: {  	(xrf2) =	vadd.scan.msk.f32 $0xffff, v14;
	v11 =	vadd.f32 v17, v11  }
0x1b9: {  	(xrf2) =	vadd.scan.msk.f32 $0xffff, v12  }
0x1ba: {  	(xrf2) =	vadd.scan.msk.f32 $0xffff, v11;
	_ =	sdelay $0x4  }
0x1bb: {  	v11, _, _ =	vpop (xrf2)  }
0x1bc: {  	v11 =	vbroadcast v11, $0xF;
	_ =	sdelay $0x1  }
0x1bd: {  	v56 =	vmov s11;
	s2 =	sadd.s32 $0x1, s11;
	v57, _, _ =	vpop (xrf2)  }
0x1be: {  	s8 =	sadd.s32 $0x2, s11;
	vm0 =	veq.s32 v56, v0;
	v59 =	vmov s2;
	v60, _, _ =	vpop (xrf2)  }
0x1bf: {  	s20 =	sadd.s32 $0x3, s11;
	v61 =	vmov s8;
	v10 =	vsel vm0, v11, v10;
	v58 =	vbroadcast v57, $0xF;
	v11, _, _ =	vpop (xrf2)  }
0x1c0: {  	v63 =	vmov s20;
	vm13 =	veq.s32 v59, v0;
	v11 =	vbroadcast v11, $0xF  }
0x1c1: {  	vm14 =	veq.s32 v61, v0;
	v10 =	vsel vm13, v58, v10;
	v62 =	vbroadcast v60, $0xF  }
0x1c2: {  	vm15 =	veq.s32 v63, v0;
	v10 =	vsel vm14, v11, v10  }
0x1c3: {  	v10 =	vsel vm15, v62, v10  }
0x1c4: {  	v10 =	vsub.f32 $0.0e+00, v10;
	_ =	sdelay $0x1  }
0x1c5: {  	v10 =	vmul.f32 $1.442695020e+00, v10;
	_ =	sdelay $0x1  }
0x1c6: {  	(erf) = vpow2.f32 v10;
	_ =	sdelay $0x8  }
0x1c7: {  	v10 =	vpop (erf)  }
0x1c8: {  	v10 =	vadd.f32 $1.000000000e+00, v10;
	_ =	sdelay $0x1  }
0x1c9: {  	(erf) = vrcp.f32 v10;
	_ =	sdelay $0x3  }
0x1ca: {  	s0 =	sadd.s32 $0x1, s0  }
0x1cb: {  	p1 =	sne.s32 s0, $0x8  }
.Ltmp5:
0x1cc: {  	_ = 	snop;
	(pc) =	sbr.rel @p1 .LBB2_11-.Ltmp5, $3  }
0x1cd: {  	_ =	sdelay $0x1  }
0x1ce: {  	v10 =	vpop (erf)  }
0x1cf: {  	s9 =	sadd.s32 $0x400, s9;
	s16 =	sadd.s32 $0x400, s16;
	[tilespmem:v9+s18+$0x0 ss:$0x1] =	vst.idx.msk $0xffff, v10  }
0x1d0: {  	s0 =	sadd.s32 $0x300, s1  }
0x1d1: {  	[tilespmem:s19], [sflag:$0x3] =	stream.indirect.gather [hbm4b:s3+s12], $0x40, s0, s12, $0xb8;
	[tilespmem:$0x1E180] =	vst v63  }
0x1d2: {  	s20 =	sadd.s32 $0x4E80, s1  }
0x1d3: {  	[tilespmem:s21], [sflag:$0x3] =	stream.indirect.gather [hbm4b:s3+s12], $0x40, s20, s12, $0xb8;
	[tilespmem:$0x1E180] =	vst v63  }
0x1d4: {  	_ =	swait.ge [sflag:s28], $0x2000  }
0x1d5: {  	[sflag:s28] =	ssyncset.done $0x0  }
0x1d6: {  	[sflag:s28] =	ssyncadd.s32 $0xFFFFE000  }
0x1d7: {  	_ =	swait.ge [sflag:s28], $0x2000  }
0x1d8: {  	s2 =	sadd.s32 $0x19780, s31;
	s1 =	simm.s32 $0x17780;
	[sflag:s28] =	ssyncset.done $0x0  }
0x1d9: {  	s9 =	simm.s32 $0x15780;
	s0 =	simm.s32 $0x0;
	v9 =	vmov s2;
	[sflag:s28] =	ssyncadd.s32 $0xFFFFE000  }
.LBB2_15:
0x1da: {  	v10 =	vld [tilespmem:s9+$0x0]  }
0x1db: {  	v11 =	vld [tilespmem:s1+$0x0]  }
0x1dc: {  	v12 =	vld [tilespmem:s1+$0x10]  }
0x1dd: {  	v13 =	vld [tilespmem:s9+$0x10]  }
0x1de: {  	v16 =	vld [tilespmem:s1+$0xFFFFFFD0]  }
0x1df: {  	v17 =	vld [tilespmem:s9+$0xFFFFFFD0]  }
0x1e0: {  	v18 =	vld [tilespmem:s9+$0xFFFFFF80]  }
0x1e1: {  	v20 =	vld [tilespmem:s1+$0xFFFFFF80]  }
0x1e2: {  	v21 =	vld [tilespmem:s1+$0xFFFFFFC0]  }
0x1e3: {  	v27 =	vld [tilespmem:s9+$0xFFFFFFC0]  }
0x1e4: {  	v29 =	vld [tilespmem:s9+$0x30]  }
0x1e5: {  	v30 =	vld [tilespmem:s1+$0x30]  }
0x1e6: {  	v46 =	vld [tilespmem:s9+$0xFFFFFFB0]  }
0x1e7: {  	v47 =	vld [tilespmem:s1+$0xFFFFFFB0]  }
0x1e8: {  	v31 =	vld [tilespmem:s1+$0x50]  }
0x1e9: {  	v50 =	vld [tilespmem:s9+$0x50]  }
0x1ea: {  	v12 =	vmul.bf16 v12, v13  }
0x1eb: {  	v14 =	vld [tilespmem:s9+$0x20];
	v11 =	vmul.bf16 v11, v10;
	v16 =	vmul.bf16 v16, v17  }
0x1ec: {  	v15 =	vld [tilespmem:s1+$0x20];
	v18 =	vmul.bf16 v20, v18;
	v21 =	vmul.bf16 v21, v27  }
0x1ed: {  	v19 =	vld [tilespmem:s1+$0xFFFFFF90];
	v49 =	vmul.bf16 v30, v29;
	v52 =	vmul.bf16 v47, v46  }
0x1ee: {  	v24 =	vld [tilespmem:s9+$0xFFFFFFA0];
	v56 =	vmul.bf16 v31, v50;
	v10 =	vunpack.i.u.bf16.f32 v12;
	v12 =	vunpack.i.l.bf16.f32 v12  }
0x1ef: {  	v13 =	vld [tilespmem:s9+$0xFFFFFF90];
	v17 =	vunpack.i.u.bf16.f32 v11;
	v25 =	vunpack.i.l.bf16.f32 v11;
	v11 =	vunpack.i.l.bf16.f32 v16  }
0x1f0: {  	v55 =	vld [tilespmem:s1+$0x60];
	v28 =	vunpack.i.l.bf16.f32 v18;
	v18 =	vunpack.i.u.bf16.f32 v18;
	v22 =	vmul.f32 v10, v4  }
0x1f1: {  	v20 =	vld [tilespmem:s9+$0xFFFFFFE0];
	v48 =	vunpack.i.l.bf16.f32 v21;
	v23 =	vmul.f32 v12, v3;
	v17 =	vmul.f32 v17, v2  }
0x1f2: {  	v32 =	vunpack.i.l.bf16.f32 v49;
	v12 =	vmul.bf16 v15, v14;
	v14 =	vld [tilespmem:s1+$0xFFFFFFA0];
	v28 =	vmul.f32 v28, v1  }
0x1f3: {  	v15 =	vunpack.i.u.bf16.f32 v16;
	v16 =	vld [tilespmem:s1+$0xFFFFFFE0];
	v18 =	vmul.f32 v18, v2;
	v44 =	vmul.f32 v25, v1  }
0x1f4: {  	v57 =	vld [tilespmem:s9+$0x60];
	v10 =	vimm.f32 $0.0e+00;
	v60 =	vmul.f32 v32, v7;
	v13 =	vmul.bf16 v19, v13  }
0x1f5: {  	v15 =	vmul.f32 v15, v4;
	v19 =	vmul.f32 v11, v3;
	v11 =	vunpack.i.l.bf16.f32 v12  }
0x1f6: {  	v12 =	vunpack.i.u.bf16.f32 v12;
	v22 =	vadd.f32 v23, v22;
	v26 =	vunpack.i.l.bf16.f32 v13  }
0x1f7: {  	v13 =	vunpack.i.u.bf16.f32 v13;
	v26 =	vmul.f32 v26, v3;
	v14 =	vmul.bf16 v14, v24  }
0x1f8: {  	v18 =	vadd.f32 v28, v18;
	v23 =	vld [tilespmem:s9+$0xFFFFFFF0];
	v13 =	vmul.f32 v13, v4;
	v16 =	vmul.bf16 v16, v20  }
0x1f9: {  	v17 =	vadd.f32 v44, v17;
	v28 =	vmul.bf16 v55, v57;
	v19 =	vadd.f32 v19, v15;
	v20 =	vld [tilespmem:s1+$0xFFFFFFF0]  }
0x1fa: {  	v45 =	vunpack.i.u.bf16.f32 v14;
	v15 =	vunpack.i.l.bf16.f32 v16;
	v13 =	vadd.f32 v26, v13  }
0x1fb: {  	v16 =	vunpack.i.u.bf16.f32 v16;
	v26 =	vmul.f32 v48, v1;
	v25 =	vmul.f32 v45, v6  }
0x1fc: {  	v14 =	vunpack.i.l.bf16.f32 v14;
	v15 =	vmul.f32 v15, v5;
	v16 =	vmul.f32 v16, v6  }
0x1fd: {  	v51 =	vmul.f32 v14, v5;
	v14 =	vunpack.i.u.bf16.f32 v21;
	v21 =	vld [tilespmem:s1+$0x40];
	v13 =	vadd.f32 v13, v18  }
0x1fe: {  	v20 =	vmul.bf16 v20, v23;
	v23 =	vmul.f32 v14, v2;
	v14 =	vadd.f32 v15, v16;
	v16 =	vld [tilespmem:s9+$0x40]  }
0x1ff: {  	v18 =	vadd.f32 v51, v25;
	v15 =	vunpack.i.u.bf16.f32 v49;
	v25 =	vunpack.i.l.bf16.f32 v56  }
0x200: {  	v54 =	vmul.f32 v15, v8;
	v25 =	vmul.f32 v25, v3;
	v53 =	vunpack.i.l.bf16.f32 v20  }
0x201: {  	v15 =	vunpack.i.u.bf16.f32 v20;
	v13 =	vadd.f32 v18, v13;
	v20 =	vmul.f32 v53, v7  }
0x202: {  	v58 =	vmul.f32 v15, v8;
	v15 =	vadd.f32 v22, v17;
	v22 =	vunpack.i.l.bf16.f32 v52  }
0x203: {  	v17 =	vunpack.i.u.bf16.f32 v52;
	v22 =	vmul.f32 v22, v7;
	v21 =	vmul.bf16 v21, v16  }
0x204: {  	v59 =	vld [tilespmem:s9+$0x70];
	v17 =	vmul.f32 v17, v8;
	v16 =	vadd.f32 v20, v58;
	v20 =	vunpack.i.u.bf16.f32 v56  }
0x205: {  	v61 =	vld [tilespmem:s1+$0x70];
	v20 =	vmul.f32 v20, v4;
	v18 =	vunpack.i.u.bf16.f32 v21;
	v21 =	vunpack.i.l.bf16.f32 v21  }
0x206: {  	v62 =	vunpack.i.l.bf16.f32 v28;
	v18 =	vmul.f32 v18, v2;
	v21 =	vmul.f32 v21, v1  }
0x207: {  	v23 =	vadd.f32 v26, v23;
	v17 =	vadd.f32 v22, v17;
	v22 =	vunpack.i.u.bf16.f32 v28  }
0x208: {  	v25 =	vadd.f32 v25, v20;
	v20 =	vmul.f32 v22, v6;
	v63 =	vadd.f32 v21, v18  }
0x209: {  	s16 =	sshll.u32 s0, $0x4;
	s4 =	simm.s32 $0x4;
	v22 =	vmul.f32 v62, v5;
	v18 =	vadd.f32 v17, v13;
	v17 =	vadd.f32 v60, v54  }
0x20a: {  	s5 =	sadd.s32 $0x100, s9;
	s6 =	smov.u32 s1;
	s11 =	simm.s32 $0x0;
	v21 =	vadd.f32 v19, v23;
	v23 =	vmul.bf16 v61, v59;
	v19 =	vadd.f32 v25, v63  }
.LBB2_16:
0x20b: {  	p1 =	sne.s32 s4, $0xC  }
0x20c: {  	v13 =	vld [tilespmem:s5+$0x30];
	v20 =	vadd.f32 v22, v20;
	s6 =	sadd.s32 $0x100, s6;
	(xrf2) =	vadd.scan.msk.f32 $0xffff, v18;
	s8 =	smov.u32 s4;
	s4 =	sadd.s32 $0x4, s4  }
0x20d: {  	v18 =	vld [tilespmem:s5+$0x0];
	v14 =	vadd.f32 v14, v21;
	v21 =	vunpack.i.u.bf16.f32 v23;
	v22 =	vunpack.i.l.bf16.f32 v23  }
0x20e: {  	v23 =	vld [tilespmem:s6+$0x0];
	v19 =	vadd.f32 v20, v19;
	v20 =	vmul.f32 v22, v7;
	v21 =	vmul.f32 v21, v8  }
0x20f: {  	v11 =	vmul.f32 v11, v5;
	v12 =	vmul.f32 v12, v6;
	v22 =	vld [tilespmem:s6+$0x10];
	v14 =	vadd.f32 v16, v14  }
0x210: {  	v16 =	vld [tilespmem:s5+$0x10];
	v20 =	vadd.f32 v20, v21  }
0x211: {  	v11 =	vadd.f32 v11, v12;
	v21 =	vld [tilespmem:s5+$0x20];
	(xrf2) =	vadd.scan.msk.f32 $0xffff, v14  }
0x212: {  	v12 =	vld [tilespmem:s6+$0x20];
	v14 =	vadd.f32 v20, v19  }
0x213: {  	v11 =	vadd.f32 v11, v15;
	v19 =	vld [tilespmem:s6+$0xFFFFFFD0]  }
0x214: {  	v15 =	vld [tilespmem:s5+$0xFFFFFFD0];
	(xrf2) =	vadd.scan.msk.f32 $0xffff, v14  }
0x215: {  	v11 =	vadd.f32 v17, v11;
	v14 =	vld [tilespmem:s6+$0xFFFFFFC0];
	v16 =	vmul.bf16 v22, v16  }
0x216: {  	v20 =	vmov s11;
	v17 =	vld [tilespmem:s5+$0xFFFFFF80];
	v22, _, _ =	vpop (xrf2)  }
0x217: {  	v18 =	vmul.bf16 v23, v18;
	vm0 =	veq.s32 v20, v0;
	v24 =	vld [tilespmem:s6+$0xFFFFFF90];
	v23 =	vunpack.i.u.bf16.f32 v16;
	(xrf2) =	vadd.scan.msk.f32 $0xffff, v11  }
0x218: {  	v16 =	vunpack.i.l.bf16.f32 v16;
	v22 =	vbroadcast v22, $0xF;
	v11 =	vld [tilespmem:s5+$0xFFFFFF90];
	v20 =	vmul.f32 v23, v4  }
0x219: {  	v16 =	vmul.f32 v16, v3;
	v23 =	vld [tilespmem:s6+$0xFFFFFF80];
	v15 =	vmul.bf16 v19, v15;
	v19 =	vunpack.i.u.bf16.f32 v18  }
0x21a: {  	s2 =	sadd.s32 $0x1, s11;
	v18 =	vunpack.i.l.bf16.f32 v18;
	v25 =	vld [tilespmem:s5+$0xFFFFFFC0];
	v19 =	vmul.f32 v19, v2  }
0x21b: {  	v12 =	vmul.bf16 v12, v21;
	v26 =	vld [tilespmem:s5+$0xFFFFFFA0];
	v27 =	vunpack.i.u.bf16.f32 v15;
	v15 =	vunpack.i.l.bf16.f32 v15;
	v21, _, _ =	vpop (xrf2)  }
0x21c: {  	v10 =	vsel vm0, v22, v10;
	v28 =	vld [tilespmem:s6+$0xFFFFFFA0];
	v15 =	vmul.f32 v15, v3;
	v21 =	vbroadcast v21, $0xF  }
0x21d: {  	v30 =	vmov s2;
	v22 =	vmul.bf16 v24, v11;
	v24 =	vld [tilespmem:s6+$0xFFFFFFE0];
	v11 =	vunpack.i.l.bf16.f32 v12  }
0x21e: {  	vm0 =	veq.s32 v30, v0;
	v12 =	vunpack.i.u.bf16.f32 v12;
	v17 =	vmul.bf16 v23, v17;
	v23 =	vld [tilespmem:s5+$0xFFFFFFE0];
	v29, _, _ =	vpop (xrf2)  }
0x21f: {  	v10 =	vsel vm0, v21, v10;
	v30 =	vunpack.i.u.bf16.f32 v22;
	v22 =	vunpack.i.l.bf16.f32 v22;
	v31 =	vld [tilespmem:s5+$0xFFFFFFB0]  }
0x220: {  	v27 =	vmul.f32 v27, v4;
	v21 =	vunpack.i.l.bf16.f32 v17;
	v22 =	vmul.f32 v22, v3  }
0x221: {  	s2 =	sadd.s32 $0x2, s11;
	v18 =	vmul.f32 v18, v1;
	v17 =	vunpack.i.u.bf16.f32 v17;
	v21 =	vmul.f32 v21, v1;
	v32 =	vld [tilespmem:s6+$0x30];
	v33, _, _ =	vpop (xrf2)  }
0x222: {  	v35 =	vmov s2;
	v17 =	vmul.f32 v17, v2;
	v34 =	vld [tilespmem:s6+$0xFFFFFFB0];
	v33 =	vbroadcast v33, $0xF  }
0x223: {  	v16 =	vadd.f32 v16, v20;
	v20 =	vbroadcast v29, $0xF;
	v26 =	vmul.bf16 v28, v26  }
0x224: {  	vm0 =	veq.s32 v35, v0;
	v17 =	vadd.f32 v21, v17;
	v21 =	vmul.f32 v30, v4;
	v28 =	vld [tilespmem:s5+$0xFFFFFFF0]  }
0x225: {  	s2 =	sadd.s32 $0x3, s11;
	s11 =	smov.u32 s8;
	v14 =	vmul.bf16 v14, v25;
	v29 =	vunpack.i.u.bf16.f32 v26;
	v23 =	vmul.bf16 v24, v23  }
0x226: {  	v24 =	vunpack.i.l.bf16.f32 v26;
	v25 =	vmul.f32 v29, v6;
	v10 =	vsel vm0, v33, v10;
	v26 =	vld [tilespmem:s6+$0xFFFFFFF0]  }
0x227: {  	v27 =	vadd.f32 v15, v27;
	v29 =	vmov s2;
	v15 =	vunpack.i.l.bf16.f32 v23  }
0x228: {  	v21 =	vadd.f32 v22, v21;
	v22 =	vunpack.i.u.bf16.f32 v23;
	vm0 =	veq.s32 v29, v0  }
0x229: {  	v23 =	vunpack.i.l.bf16.f32 v14;
	v15 =	vmul.f32 v15, v5;
	v10 =	vsel vm0, v20, v10;
	v29 =	vld [tilespmem:s6+$0x50]  }
0x22a: {  	v18 =	vadd.f32 v18, v19;
	v20 =	vmul.f32 v22, v6;
	v13 =	vmul.bf16 v32, v13;
	v19 =	vld [tilespmem:s5+$0x50]  }
0x22b: {  	v14 =	vunpack.i.u.bf16.f32 v14;
	v22 =	vmul.f32 v24, v5;
	v24 =	vmul.bf16 v26, v28;
	v26 =	vld [tilespmem:s6+$0x40]  }
0x22c: {  	v28 =	vmul.f32 v14, v2;
	v14 =	vadd.f32 v15, v20;
	v20 =	vunpack.i.l.bf16.f32 v13;
	v30 =	vld [tilespmem:s5+$0x40]  }
0x22d: {  	v17 =	vadd.f32 v21, v17;
	v21 =	vadd.f32 v22, v25;
	v13 =	vunpack.i.u.bf16.f32 v13  }
0x22e: {  	v22 =	vmul.bf16 v34, v31;
	v13 =	vmul.f32 v13, v8;
	v15 =	vunpack.i.l.bf16.f32 v24;
	v25 =	vld [tilespmem:s6+$0x60]  }
0x22f: {  	v24 =	vunpack.i.u.bf16.f32 v24;
	v31 =	vmul.f32 v15, v7;
	v19 =	vmul.bf16 v29, v19;
	v29 =	vld [tilespmem:s5+$0x60]  }
0x230: {  	v23 =	vmul.f32 v23, v1;
	v24 =	vmul.f32 v24, v8;
	v15 =	vadd.f32 v16, v18  }
0x231: {  	v18 =	vunpack.i.u.bf16.f32 v22;
	v16 =	vunpack.i.l.bf16.f32 v22;
	v22 =	vmul.bf16 v26, v30  }
0x232: {  	v26 =	vmul.f32 v16, v7;
	v16 =	vadd.f32 v31, v24;
	v24 =	vunpack.i.u.bf16.f32 v19  }
0x233: {  	v17 =	vadd.f32 v21, v17;
	v18 =	vmul.f32 v18, v8;
	v21 =	vunpack.i.u.bf16.f32 v22;
	v30 =	vld [tilespmem:s5+$0x70]  }
0x234: {  	v31 =	vmul.f32 v20, v7;
	v19 =	vunpack.i.l.bf16.f32 v19;
	v20 =	vmul.f32 v24, v4;
	v24 =	vld [tilespmem:s6+$0x70]  }
0x235: {  	v22 =	vunpack.i.l.bf16.f32 v22;
	v21 =	vmul.f32 v21, v2;
	v25 =	vmul.bf16 v25, v29  }
.Ltmp6:
0x236: {  	v23 =	vadd.f32 v23, v28;
	v19 =	vmul.f32 v19, v3;
	v22 =	vmul.f32 v22, v1;
	(pc) =	sbr.rel @p1 .LBB2_16-.Ltmp6, $4  }
0x237: {  	v18 =	vadd.f32 v26, v18;
	v26 =	vunpack.i.u.bf16.f32 v25;
	v25 =	vunpack.i.l.bf16.f32 v25  }
0x238: {  	v19 =	vadd.f32 v19, v20;
	v28 =	vadd.f32 v22, v21;
	v20 =	vmul.f32 v26, v6  }
0x239: {  	v18 =	vadd.f32 v18, v17;
	v17 =	vadd.f32 v31, v13;
	v22 =	vmul.f32 v25, v5  }
0x23a: {  	s5 =	sadd.s32 $0x100, s5;
	v21 =	vadd.f32 v27, v23;
	v19 =	vadd.f32 v19, v28;
	v23 =	vmul.bf16 v24, v30  }
0x23b: {  	v11 =	vmul.f32 v11, v5  }
0x23c: {  	v12 =	vmul.f32 v12, v6;
	v13 =	vunpack.i.u.bf16.f32 v23;
	v53 =	vunpack.i.l.bf16.f32 v23  }
0x23d: {  	v20 =	vadd.f32 v22, v20;
	v54 =	vmul.f32 v53, v7;
	v13 =	vmul.f32 v13, v8  }
0x23e: {  	v14 =	vadd.f32 v14, v21;
	v11 =	vadd.f32 v11, v12  }
0x23f: {  	(xrf2) =	vadd.scan.msk.f32 $0xffff, v18;
	v55 =	vadd.f32 v20, v19;
	v13 =	vadd.f32 v54, v13  }
0x240: {  	v14 =	vadd.f32 v16, v14;
	v11 =	vadd.f32 v11, v15  }
0x241: {  	v12 =	vadd.f32 v13, v55  }
0x242: {  	(xrf2) =	vadd.scan.msk.f32 $0xffff, v14;
	v11 =	vadd.f32 v17, v11  }
0x243: {  	(xrf2) =	vadd.scan.msk.f32 $0xffff, v12  }
0x244: {  	(xrf2) =	vadd.scan.msk.f32 $0xffff, v11;
	_ =	sdelay $0x4  }
0x245: {  	v11, _, _ =	vpop (xrf2)  }
0x246: {  	v11 =	vbroadcast v11, $0xF;
	_ =	sdelay $0x1  }
0x247: {  	v56 =	vmov s11;
	s2 =	sadd.s32 $0x1, s11;
	v57, _, _ =	vpop (xrf2)  }
0x248: {  	s20 =	sadd.s32 $0x2, s11;
	vm0 =	veq.s32 v56, v0;
	v59 =	vmov s2;
	v60, _, _ =	vpop (xrf2)  }
0x249: {  	s31 =	sadd.s32 $0x3, s11;
	v61 =	vmov s20;
	v10 =	vsel vm0, v11, v10;
	v58 =	vbroadcast v57, $0xF;
	v11, _, _ =	vpop (xrf2)  }
0x24a: {  	v63 =	vmov s31;
	vm13 =	veq.s32 v59, v0;
	v11 =	vbroadcast v11, $0xF  }
0x24b: {  	vm14 =	veq.s32 v61, v0;
	v10 =	vsel vm13, v58, v10;
	v62 =	vbroadcast v60, $0xF  }
0x24c: {  	vm15 =	veq.s32 v63, v0;
	v10 =	vsel vm14, v11, v10  }
0x24d: {  	v10 =	vsel vm15, v62, v10  }
0x24e: {  	v10 =	vsub.f32 $0.0e+00, v10;
	_ =	sdelay $0x1  }
0x24f: {  	v10 =	vmul.f32 $1.442695020e+00, v10;
	_ =	sdelay $0x1  }
0x250: {  	(erf) = vpow2.f32 v10;
	_ =	sdelay $0x8  }
0x251: {  	v10 =	vpop (erf)  }
0x252: {  	v10 =	vadd.f32 $1.000000000e+00, v10;
	_ =	sdelay $0x1  }
0x253: {  	(erf) = vrcp.f32 v10;
	_ =	sdelay $0x3  }
0x254: {  	s0 =	sadd.s32 $0x1, s0  }
0x255: {  	p1 =	sne.s32 s0, $0x8  }
.Ltmp7:
0x256: {  	_ = 	snop;
	(pc) =	sbr.rel @p1 .LBB2_15-.Ltmp7, $3  }
0x257: {  	_ =	sdelay $0x1  }
0x258: {  	v10 =	vpop (erf)  }
0x259: {  	s1 =	sadd.s32 $0x400, s1;
	s9 =	sadd.s32 $0x400, s9;
	[tilespmem:v9+s16+$0x0 ss:$0x1] =	vst.idx.msk $0xffff, v10  }
0x25a: {  	s30 =	sadd.s32 $0x1, s30  }
0x25b: {  	p1 =	sne.s32 s30, $0x25  }
.Ltmp8:
0x25c: {  	_ = 	snop;
	(pc) =	sbr.rel @p1 .LBB2_2-.Ltmp8, $1  }
0x25d: {  	_ =	sdelay $0x3  }
0x25e: {  	_ =	swait.ge [sflag:s24], $0x2000  }
0x25f: {  	[sflag:s24] =	ssyncset.done $0x0  }
0x260: {  	[sflag:s24] =	ssyncadd.s32 $0xFFFFE000  }
0x261: {  	_ =	swait.ge [sflag:s24], $0x2000  }
0x262: {  	[sflag:s24] =	ssyncset.done $0x0  }
0x263: {  	[sflag:s24] =	ssyncadd.s32 $0xFFFFE000  }
0x264: {  	_ =	swait.ge [sflag:s25], $0x2000  }
0x265: {  	[sflag:s25] =	ssyncset.done $0x0  }
0x266: {  	[sflag:s25] =	ssyncadd.s32 $0xFFFFE000  }
0x267: {  	_ =	swait.ge [sflag:s25], $0x2000  }
0x268: {  	[sflag:s25] =	ssyncset.done $0x0  }
0x269: {  	[sflag:s25] =	ssyncadd.s32 $0xFFFFE000  }
0x26a: {  	_ =	swait.ge [sflag:s26], $0x2000  }
0x26b: {  	[sflag:s26] =	ssyncset.done $0x0  }
0x26c: {  	[sflag:s26] =	ssyncadd.s32 $0xFFFFE000  }
0x26d: {  	_ =	swait.ge [sflag:s26], $0x2000  }
0x26e: {  	[sflag:s26] =	ssyncset.done $0x0  }
0x26f: {  	s0 =	simm.s32 @p0 $0x0;
	s1 =	simm.s32 @p0 $0x19780;
	[sflag:s26] =	ssyncadd.s32 $0xFFFFE000  }
0x270: {  	[hbm4b:s7+s0] =	stream.linear.scatter @p0 [tilespmem:s1], [sflag:$0x5], $0x43F0, $0x38;
	[tilespmem:$0x1E180] =	vst v63  }
0x271: {  	s0 =	simm.s32 @p0 $0x5  }
0x272: {  	_ =	swait.ge @p0 [sflag:s0], $0x43F0  }
0x273: {  	[sflag:s0] =	ssyncset.done @p0 $0x0  }
0x274: {  	s1 =	simm.s32 @!p0 $0x19780;
	[sflag:s0] =	ssyncadd.s32 @p0 $0xFFFFBC10;
	s0 =	simm.s32 @!p0 $0x0  }
0x275: {  	[hbm4b:s7+s0] =	stream.linear.scatter @!p0 [tilespmem:s1], [sflag:$0x5], $0x4A00, $0x38;
	[tilespmem:$0x1E180] =	vst v63  }
0x276: {  	s0 =	simm.s32 @!p0 $0x5  }
0x277: {  	_ =	swait.ge @!p0 [sflag:s0], $0x4A00  }
0x278: {  	s29 =	sadd.s32 $0x1, s29;
	s31 =	rddreg [dreg:$0x6]  }
0x279: {  	p1 =	sne.s32 s29, s31  }
.Ltmp9:
0x27a: {  	_ = 	snop;
	(pc) =	sbr.rel @p1 .LBB2_1-.Ltmp9, $3  }
0x27b: {  	_ =	sdelay $0x1  }
0x27c: {  	[sflag:s0] =	ssyncset.done @!p0 $0x0  }
0x27d: {  	[sflag:s0] =	ssyncadd.s32 @!p0 $0xFFFFB600  }
0x27e: {  	_ =	sfence.sel $0x180000  }
0x27f: {  	[bflag:$0x0] =	sbarrier.arrive $0xFFFF  }
0x280: {  	_ =	strace $0x90000047  }
0x281: {  	s0 =	stileid.u32;
	[bflag:$0x2] =	sbarrier.arrive $0xFFFF  }
0x282: {  	p0 =	sne.s32 s0, $0x0;
	s0 =	rddreg [dreg:$0x2]  }
0x283: {  	s0 =	sadd.s32 @!p0 $0x100000, s0  }
0x284: {  	[sflag:s0] =	ssyncadd.tile.s32 @!p0 $0x1;
	_ =	shalt  }
.Lfunc_end2:
_tile_overlayer_lowered:
.L_overlay_start_2:
0x285: {  	(tag) =	ssettag $0x2  }
0x286: {  	s0 =	rddreg [dreg:$0x0];
	s2 =	stileid.u32  }
0x287: {  	s1 =	rddreg [dreg:$0x1];
	p0 =	sne.s32 s2, $0x0  }
0x288: {  	s3 =	rddreg [dreg:$0x2];
	[bflag:$0x3] =	sbarrier.arrive $0xFFFF;
	s2 =	simm.s32 @!p0 $0x1C05  }
0x289: {  	[timem:s3], [sflag:s2] =	dma.local @!p0 [hbm:s0], s1  }
0x28a: {  	s0 =	simm.s32 @!p0 $0x5  }
0x28b: {  	_ =	swait.ge @!p0 [sflag:s0], s1  }
0x28c: {  	s1 =	ssub.s32 @!p0 $0x0, s1;
	[sflag:s0] =	ssyncset.done @!p0 $0x0  }
0x28d: {  	[sflag:s0] =	ssyncadd.s32 @!p0 s1  }
0x28e: {  	[bflag:$0x3] =	sbarrier.arrive $0xFFFF  }
0x28f: {  	_ =	shalt  }

</sc_bundles>
